<compile_context>
chip_gen: v7x
topology: tpu7x:2x2x1
jax: 0.10.2.dev20260603
libtpu: 0.0.44.dev20260713+nightly
codegen_flags: <defaults>
</compile_context>

<pallas_src>
import functools

import numpy as np
import jax
import jax.numpy as jnp
from jax import lax
from jax.experimental import pallas as pl
from jax.experimental.pallas import tpu as pltpu
from jax.experimental.pallas import tpu_sc as plsc

N = 10000
E = 160000
D = 256
H = 32
G = 64

NC = 2
NS = 16
NW = NC * NS
NP = 10112
NP4 = NP // 4
N4 = N // 4
EP = 163840
EPW = EP // NW
CH = 128
NCH = EPW // CH
R4 = NP4 // NS

_MESH = plsc.VectorSubcoreMesh(core_axis_name="c", subcore_axis_name="s")
_SC_PARAMS = pltpu.CompilerParams(use_tc_tiling_on_sc=False)
RPT = NP // NS



@functools.partial(
    pl.kernel,
    out_type=jax.ShapeDtypeStruct((NC, NP, H), jnp.float32),
    mesh=_MESH,
    compiler_params=_SC_PARAMS,
    scratch_types=[
        pltpu.VMEM((NCH, CH), jnp.int32),
        pltpu.VMEM((CH, H), jnp.float32),
        pltpu.VMEM_SHARED((NP, H), jnp.float32),
        pltpu.SemaphoreType.DMA,
    ],
)
def _deg_kernel(edge_hbm, ones_hbm, zeros_hbm, out_hbm, idx_v, ones_v, acc, sem):
    c = lax.axis_index("c")
    s = lax.axis_index("s")
    wid = c * NS + s
    pltpu.async_copy(zeros_hbm.at[pl.ds(s * RPT, RPT)], acc.at[pl.ds(s * RPT, RPT)], sem)
    pltpu.sync_copy(ones_hbm, ones_v)
    pltpu.sync_copy(edge_hbm.at[1].at[wid], idx_v)
    pltpu.make_async_copy(zeros_hbm.at[pl.ds(s * RPT, RPT)],
                          acc.at[pl.ds(s * RPT, RPT)], sem).wait()
    plsc.subcore_barrier()

    def fire(g, carry):
        pltpu.async_copy(ones_v, acc.at[idx_v.at[g]], sem, add=True)
        return carry

    lax.fori_loop(0, NCH, fire, 0)

    def drain(g, carry):
        pltpu.make_async_copy(ones_v, acc.at[idx_v.at[0]], sem).wait()
        return carry

    lax.fori_loop(0, NCH, drain, 0)
    plsc.subcore_barrier()
    pltpu.sync_copy(acc.at[pl.ds(s * RPT, RPT)], out_hbm.at[c].at[pl.ds(s * RPT, RPT)])



NB = 8
GAH = 4

@functools.partial(
    pl.kernel,
    out_type=jax.ShapeDtypeStruct((NC, NP, H), jnp.float32),
    mesh=_MESH,
    compiler_params=_SC_PARAMS,
    scratch_types=[
        pltpu.VMEM((NCH, CH), jnp.int32),
        pltpu.VMEM((NCH, CH), jnp.int32),
        *[pltpu.VMEM((CH, H), jnp.float32) for _ in range(NB)],
        pltpu.VMEM_SHARED((NP, H), jnp.float32),
        *[pltpu.SemaphoreType.DMA for _ in range(2 * NB)],
    ],
)
def _agg_kernel(u_hbm, zeros_hbm, edge_hbm, out_hbm,
                sidx_v, didx_v, *rest):
    rows = rest[:NB]
    acc = rest[NB]
    gsem = rest[NB + 1:2 * NB + 1]
    ssem = rest[2 * NB + 1:]
    c = lax.axis_index("c")
    s = lax.axis_index("s")
    wid = c * NS + s

    isem = gsem[0]

    @pl.when(c == 0)
    def _():
        pltpu.async_copy(u_hbm.at[pl.ds(s * RPT, RPT)], acc.at[pl.ds(s * RPT, RPT)], isem)

    @pl.when(c != 0)
    def _():
        pltpu.async_copy(zeros_hbm.at[pl.ds(s * RPT, RPT)], acc.at[pl.ds(s * RPT, RPT)], isem)

    pltpu.sync_copy(edge_hbm.at[0].at[wid], sidx_v)
    pltpu.sync_copy(edge_hbm.at[1].at[wid], didx_v)
    pltpu.make_async_copy(u_hbm.at[pl.ds(s * RPT, RPT)],
                          acc.at[pl.ds(s * RPT, RPT)], isem).wait()
    plsc.subcore_barrier()

    def gfire(g, k):
        pltpu.async_copy(u_hbm.at[sidx_v.at[g]], rows[k], gsem[k])

    def gwait(g, k):
        pltpu.make_async_copy(u_hbm.at[sidx_v.at[g]], rows[k], gsem[k]).wait()

    def sfire(g, k):
        pltpu.async_copy(rows[k], acc.at[didx_v.at[g]], ssem[k], add=True)

    def swait(k):
        pltpu.make_async_copy(rows[k], acc.at[didx_v.at[0]], ssem[k]).wait()

    for k in range(NB):
        gfire(k, k)
        if k >= GAH:
            kb = k - GAH
            gwait(kb, kb)
            sfire(kb, kb)

    def body(p, carry):
        for k in range(NB):
            g = NB * p + k
            swait(k)
            gfire(g, k)
            kb = (k + GAH) % NB
            gwait(g - GAH, kb)
            sfire(g - GAH, kb)
        return carry

    lax.fori_loop(1, NCH // NB, body, 0)

    for k in range(GAH, NB):
        g = NCH - NB + k
        gwait(g, k)
        sfire(g, k)
    for k in range(NB):
        swait(k)

    plsc.subcore_barrier()
    pltpu.sync_copy(acc.at[pl.ds(s * RPT, RPT)], out_hbm.at[c].at[pl.ds(s * RPT, RPT)])



def _m1_body(x_ref, w1_ref, xw_ref):
    xb = x_ref[...].astype(jnp.bfloat16)
    wb = w1_ref[...].astype(jnp.bfloat16)
    xw = jnp.dot(xb, wb, preferred_element_type=jnp.float32)
    xw_ref[0:N, :] = xw
    xw_ref[N:NP, :] = jnp.zeros((NP - N, H), jnp.float32)


def _m1(x, w1):
    return pl.pallas_call(
        _m1_body,
        out_shape=jax.ShapeDtypeStruct((NP, H), jnp.float32),
    )(x, w1)



def _m1b_body(xw_ref, deg_ref, u1_ref):
    dinv = lax.rsqrt(1.0 + deg_ref[0] + deg_ref[1])
    u1_ref[...] = xw_ref[...] * dinv


def _m1b(xw_lin, deg):
    return pl.pallas_call(
        _m1b_body,
        out_shape=jax.ShapeDtypeStruct((NP4, 128), jnp.float32),
    )(xw_lin, deg)



def _m2_body(p_ref, deg_ref, b1_ref, w2blk_ref, u2_ref):
    dinv = lax.rsqrt(1.0 + deg_ref[0] + deg_ref[1])
    agg = p_ref[0] + p_ref[1]
    h1 = jnp.maximum(agg * dinv + b1_ref[...], 0.0)
    u2 = jnp.dot(h1, w2blk_ref[...], preferred_element_type=jnp.float32) * dinv
    rid = lax.broadcasted_iota(jnp.int32, (NP4, 128), 0)
    u2_ref[...] = jnp.where(rid < N4, u2, 0.0)


def _m2(p, deg, b1_lin, w2blk):
    return pl.pallas_call(
        _m2_body,
        out_shape=jax.ShapeDtypeStruct((NP4, 128), jnp.float32),
    )(p, deg, b1_lin, w2blk)



def _m3_body(q_ref, deg_ref, b2_ref, batch4_ref,
             wfc_ref, bfc_ref, wreg_ref, breg_ref, wcls_ref, bcls_ref,
             reg_ref, cls_ref):
    dinv = lax.rsqrt(1.0 + deg_ref[0] + deg_ref[1])
    agg = q_ref[0] + q_ref[1]
    h2 = jnp.maximum(agg * dinv + b2_ref[...], 0.0)
    gids = lax.broadcasted_iota(jnp.int32, (G, NP4), 0)
    sums = jnp.zeros((G, H), jnp.float32)
    cnt = jnp.zeros((G, 1), jnp.float32)
    for j in range(4):
        oh = (batch4_ref[j:j + 1, :] == gids).astype(jnp.float32)
        sj = jnp.dot(oh, h2, preferred_element_type=jnp.float32)
        sums = sums + sj[:, 32 * j:32 * (j + 1)]
        cnt = cnt + jnp.sum(oh, axis=1, keepdims=True)
    pooled = sums / jnp.maximum(cnt, 1.0)
    s = jnp.maximum(
        jnp.dot(pooled, wfc_ref[...], preferred_element_type=jnp.float32)
        + bfc_ref[...], 0.0)
    reg_ref[...] = jnp.dot(s, wreg_ref[...],
                           preferred_element_type=jnp.float32) + breg_ref[...]
    cls_ref[...] = jnp.dot(s, wcls_ref[...],
                           preferred_element_type=jnp.float32) + bcls_ref[...]


def _m3(q, deg, b2_lin, batch4, wfc, bfc, wreg, breg, wcls, bcls):
    return pl.pallas_call(
        _m3_body,
        out_shape=(
            jax.ShapeDtypeStruct((G, 2), jnp.float32),
            jax.ShapeDtypeStruct((G, 2), jnp.float32),
        ),
    )(q, deg, b2_lin, batch4, wfc, bfc, wreg, breg, wcls, bcls)



def kernel(x, edge_index, batch, W1, b1, W2, b2, Wfc, bfc, Wreg, breg, Wcls, bcls):
    pr = np.arange(EP - E, dtype=np.int32) % (NP - N)
    padc = jnp.asarray(np.stack([N + pr, N + (NP - N - 1) - pr]))
    edgep = jnp.concatenate([edge_index, padc], axis=1).reshape(2, NW, NCH, CH)
    zeros_h = jnp.zeros((NP, H), jnp.float32)
    ones_h = jnp.ones((CH, H), jnp.float32)
    w2blk = jnp.kron(jnp.eye(4, dtype=jnp.float32), W2)
    b1_lin = jnp.tile(b1, 4).reshape(1, 128)
    b2_lin = jnp.tile(b2, 4).reshape(1, 128)
    batch4 = jnp.concatenate(
        [batch.reshape(N4, 4).T,
         jnp.full((4, NP4 - N4), -1, jnp.int32)], axis=1)

    deg = _deg_kernel(edgep, ones_h, zeros_h).reshape(NC, NP4, 128)
    xw_lin = _m1(x, W1).reshape(NP4, 128)
    u1 = _m1b(xw_lin, deg).reshape(NP, H)
    p1 = _agg_kernel(u1, zeros_h, edgep).reshape(NC, NP4, 128)
    u2 = _m2(p1, deg, b1_lin, w2blk).reshape(NP, H)
    p2 = _agg_kernel(u2, zeros_h, edgep).reshape(NC, NP4, 128)
    reg, cls = _m3(p2, deg, b2_lin, batch4,
                   Wfc, bfc.reshape(1, H), Wreg, breg.reshape(1, 2),
                   Wcls, bcls.reshape(1, 2))
    return (reg, cls)

# --- scband reference (transcript-rebuilt; emitter-appended) ---
"""Pipeline reference for scband-tau-gnnmulti-task-16638703305208 (READ-ONLY COPY).

The authoritative reference and input builder live on the scoring server;
editing this copy changes nothing except your own understanding.
"""

import jax, jax.numpy as jnp
import numpy as np

N = 10000
E = 160000
D = 256
H = 32
G = 64


def setup_inputs(seed: int = 0) -> dict:
    key = jax.random.key(seed)
    ks = jax.random.split(key, 14)
    x = jax.random.normal(ks[0], (N, D), dtype=jnp.float32)
    edge_index = jax.random.randint(ks[1], (2, E), 0, N, dtype=jnp.int32)
    batch = jnp.sort(jax.random.randint(ks[2], (N,), 0, G, dtype=jnp.int32))
    W1 = jax.random.normal(ks[3], (D, H), dtype=jnp.float32) * 0.05
    b1 = jnp.zeros((H,), dtype=jnp.float32)
    W2 = jax.random.normal(ks[4], (H, H), dtype=jnp.float32) * 0.05
    b2 = jnp.zeros((H,), dtype=jnp.float32)
    Wfc = jax.random.normal(ks[5], (H, H), dtype=jnp.float32) * 0.05
    bfc = jnp.zeros((H,), dtype=jnp.float32)
    Wreg = jax.random.normal(ks[6], (H, 2), dtype=jnp.float32) * 0.05
    breg = jnp.zeros((2,), dtype=jnp.float32)
    Wcls = jax.random.normal(ks[7], (H, 2), dtype=jnp.float32) * 0.05
    bcls = jnp.zeros((2,), dtype=jnp.float32)
    return {"x": x, "edge_index": edge_index, "batch": batch,
            "W1": W1, "b1": b1, "W2": W2, "b2": b2,
            "Wfc": Wfc, "bfc": bfc, "Wreg": Wreg, "breg": breg,
            "Wcls": Wcls, "bcls": bcls}


def _gcn_conv(x, edge_index, W, b):
    # GCNConv with self-loops and symmetric normalization (PyG default)
    loop = jnp.arange(N, dtype=edge_index.dtype)
    src = jnp.concatenate([edge_index[0], loop])
    dst = jnp.concatenate([edge_index[1], loop])
    deg = jnp.zeros((N,), dtype=x.dtype).at[dst].add(1.0)
    dinv = jnp.where(deg > 0, 1.0 / jnp.sqrt(deg), 0.0)
    norm = dinv[src] * dinv[dst]
    h = x @ W
    out = jnp.zeros((N, W.shape[1]), dtype=x.dtype).at[dst].add(h[src] * norm[:, None])
    return out + b


def reference(x, edge_index, batch, W1, b1, W2, b2, Wfc, bfc, Wreg, breg, Wcls, bcls):
    h = jax.nn.relu(_gcn_conv(x, edge_index, W1, b1))
    h = jax.nn.relu(_gcn_conv(h, edge_index, W2, b2))
    # global_mean_pool over batch assignment
    sums = jnp.zeros((G, H), dtype=h.dtype).at[batch].add(h)
    cnt = jnp.zeros((G,), dtype=h.dtype).at[batch].add(1.0)
    pooled = sums / jnp.maximum(cnt, 1.0)[:, None]
    s = jax.nn.relu(pooled @ Wfc + bfc)
    reg = s @ Wreg + breg
    cls = s @ Wcls + bcls
    return (reg, cls)

if __name__ == "__main__":
    import jax
    _d = setup_inputs()
    print(jax.jit(kernel)(*tuple(_d.values())))

</pallas_src>

<mosaic_0001>
#map = affine_map<(d0, d1) -> (0, 0, 0, 0)>
#map1 = affine_map<(d0, d1) -> (0, 0)>
#map2 = affine_map<(d0, d1) -> (0, 0, 0)>
module attributes {stable_mosaic.version = 14 : i64} {
  func.func @_deg_kernel(%arg0: i32, %arg1: i32, %arg2: memref<2x32x40x128xi32, #tpu.memory_space<hbm>>, %arg3: memref<128x32xf32, #tpu.memory_space<hbm>>, %arg4: memref<10112x32xf32, #tpu.memory_space<hbm>>, %arg5: memref<2x10112x32xf32, #tpu.memory_space<hbm>>, %arg6: memref<40x128xi32, #tpu.memory_space<vmem>>, %arg7: memref<128x32xf32, #tpu.memory_space<vmem>>, %arg8: memref<10112x32xf32, #tpu.memory_space<vmem_shared>>, %arg9: memref<!tpu.dma_semaphore, #tpu.memory_space<semaphore_mem>>) attributes {dimension_semantics = [#tpu.dimension_semantics<core_parallel>, #tpu.dimension_semantics<subcore_parallel>], iteration_bounds = array<i64: 2, 16>, scalar_prefetch = 0 : i64, scratch_operands = 4 : i64, tpu.core_type = #tpu.core_type<sc_vector_subcore>, window_params = [{transform_indices = #map}, {transform_indices = #map1}, {transform_indices = #map1}, {transform_indices = #map2}]} {
    %mul3A = arith.constant 16 : i32
    %mul3A_0 = arith.muli %arg0, %mul3A : i32
    %add3A = arith.addi %mul3A_0, %arg1 : i32
    %mul3A_1 = arith.constant 632 : i32
    %mul3A_2 = arith.muli %arg1, %mul3A_1 : i32
    %mul3A_3 = arith.constant 632 : i32
    %mul3A_4 = arith.muli %arg1, %mul3A_3 : i32
    %dma_start3A = arith.constant 0 : i32
    %dma_start3A_5 = tpu.memref_slice %arg8[%mul3A_4, %dma_start3A] : memref<10112x32xf32, #tpu.memory_space<vmem_shared>> -> memref<632x32xf32, #tpu.memory_space<vmem_shared>>
    %dma_start3A_6 = arith.constant 0 : i32
    %dma_start3A_7 = tpu.memref_slice %arg4[%mul3A_2, %dma_start3A_6] : memref<10112x32xf32, #tpu.memory_space<hbm>> -> memref<632x32xf32, #tpu.memory_space<hbm>>
    tpu.enqueue_dma source(%dma_start3A_7 : memref<632x32xf32, #tpu.memory_space<hbm>>) target(%dma_start3A_5 : memref<632x32xf32, #tpu.memory_space<vmem_shared>>) target_semaphore(%arg9 : memref<!tpu.dma_semaphore, #tpu.memory_space<semaphore_mem>>)
    "tpu.region"() ({
      %run_scoped3A_31 = tpu.sem_alloc : memref<!tpu.dma_semaphore, #tpu.memory_space<semaphore_mem>>
      tpu.enqueue_dma source(%arg3 : memref<128x32xf32, #tpu.memory_space<hbm>>) target(%arg7 : memref<128x32xf32, #tpu.memory_space<vmem>>) target_semaphore(%run_scoped3A_31 : memref<!tpu.dma_semaphore, #tpu.memory_space<semaphore_mem>>)
      tpu.wait_dma2 semaphore(%run_scoped3A_31 : memref<!tpu.dma_semaphore, #tpu.memory_space<semaphore_mem>>) src(%arg3 : memref<128x32xf32, #tpu.memory_space<hbm>>) dst(%arg7 : memref<128x32xf32, #tpu.memory_space<vmem>>)
      tpu.yield
    }) : () -> ()
    %run_scoped3A = arith.constant 1 : i32
    "tpu.region"() ({
      %run_scoped3A_31 = tpu.sem_alloc : memref<!tpu.dma_semaphore, #tpu.memory_space<semaphore_mem>>
      %dma_start3A_32 = arith.constant 0 : i32
      %dma_start3A_33 = arith.constant 0 : i32
      %dma_start3A_34 = arith.constant 0 : i32
      %dma_start3A_35 = tpu.memref_slice %arg2[%run_scoped3A, %dma_start3A_32, %dma_start3A_33, %dma_start3A_34] : memref<2x32x40x128xi32, #tpu.memory_space<hbm>> -> memref<1x32x40x128xi32, #tpu.memory_space<hbm>>
      %dma_start3A_36 = tpu.memref_squeeze %dma_start3A_35 : memref<1x32x40x128xi32, #tpu.memory_space<hbm>> -> memref<32x40x128xi32, #tpu.memory_space<hbm>>
      %dma_start3A_37 = arith.constant 0 : i32
      %dma_start3A_38 = arith.constant 0 : i32
      %dma_start3A_39 = tpu.memref_slice %dma_start3A_36[%add3A, %dma_start3A_37, %dma_start3A_38] : memref<32x40x128xi32, #tpu.memory_space<hbm>> -> memref<1x40x128xi32, #tpu.memory_space<hbm>>
      %dma_start3A_40 = tpu.memref_squeeze %dma_start3A_39 : memref<1x40x128xi32, #tpu.memory_space<hbm>> -> memref<40x128xi32, #tpu.memory_space<hbm>>
      %dma_start3A_41 = arith.constant 0 : i32
      %dma_start3A_42 = arith.constant 0 : i32
      %dma_start3A_43 = arith.constant 0 : i32
      %dma_start3A_44 = tpu.memref_slice %arg2[%run_scoped3A, %dma_start3A_41, %dma_start3A_42, %dma_start3A_43] : memref<2x32x40x128xi32, #tpu.memory_space<hbm>> -> memref<1x32x40x128xi32, #tpu.memory_space<hbm>>
      %dma_start3A_45 = tpu.memref_squeeze %dma_start3A_44 : memref<1x32x40x128xi32, #tpu.memory_space<hbm>> -> memref<32x40x128xi32, #tpu.memory_space<hbm>>
      %dma_start3A_46 = arith.constant 0 : i32
      %dma_start3A_47 = arith.constant 0 : i32
      %dma_start3A_48 = tpu.memref_slice %dma_start3A_45[%add3A, %dma_start3A_46, %dma_start3A_47] : memref<32x40x128xi32, #tpu.memory_space<hbm>> -> memref<1x40x128xi32, #tpu.memory_space<hbm>>
      %dma_start3A_49 = tpu.memref_squeeze %dma_start3A_48 : memref<1x40x128xi32, #tpu.memory_space<hbm>> -> memref<40x128xi32, #tpu.memory_space<hbm>>
      tpu.enqueue_dma source(%dma_start3A_49 : memref<40x128xi32, #tpu.memory_space<hbm>>) target(%arg6 : memref<40x128xi32, #tpu.memory_space<vmem>>) target_semaphore(%run_scoped3A_31 : memref<!tpu.dma_semaphore, #tpu.memory_space<semaphore_mem>>)
      %dma_wait3A_50 = arith.constant 0 : i32
      %dma_wait3A_51 = arith.constant 0 : i32
      %dma_wait3A_52 = arith.constant 0 : i32
      %dma_wait3A_53 = tpu.memref_slice %arg2[%run_scoped3A, %dma_wait3A_50, %dma_wait3A_51, %dma_wait3A_52] : memref<2x32x40x128xi32, #tpu.memory_space<hbm>> -> memref<1x32x40x128xi32, #tpu.memory_space<hbm>>
      %dma_wait3A_54 = tpu.memref_squeeze %dma_wait3A_53 : memref<1x32x40x128xi32, #tpu.memory_space<hbm>> -> memref<32x40x128xi32, #tpu.memory_space<hbm>>
      %dma_wait3A_55 = arith.constant 0 : i32
      %dma_wait3A_56 = arith.constant 0 : i32
      %dma_wait3A_57 = tpu.memref_slice %dma_wait3A_54[%add3A, %dma_wait3A_55, %dma_wait3A_56] : memref<32x40x128xi32, #tpu.memory_space<hbm>> -> memref<1x40x128xi32, #tpu.memory_space<hbm>>
      %dma_wait3A_58 = tpu.memref_squeeze %dma_wait3A_57 : memref<1x40x128xi32, #tpu.memory_space<hbm>> -> memref<40x128xi32, #tpu.memory_space<hbm>>
      %dma_wait3A_59 = arith.constant 0 : i32
      %dma_wait3A_60 = arith.constant 0 : i32
      %dma_wait3A_61 = arith.constant 0 : i32
      %dma_wait3A_62 = tpu.memref_slice %arg2[%run_scoped3A, %dma_wait3A_59, %dma_wait3A_60, %dma_wait3A_61] : memref<2x32x40x128xi32, #tpu.memory_space<hbm>> -> memref<1x32x40x128xi32, #tpu.memory_space<hbm>>
      %dma_wait3A_63 = tpu.memref_squeeze %dma_wait3A_62 : memref<1x32x40x128xi32, #tpu.memory_space<hbm>> -> memref<32x40x128xi32, #tpu.memory_space<hbm>>
      %dma_wait3A_64 = arith.constant 0 : i32
      %dma_wait3A_65 = arith.constant 0 : i32
      %dma_wait3A_66 = tpu.memref_slice %dma_wait3A_63[%add3A, %dma_wait3A_64, %dma_wait3A_65] : memref<32x40x128xi32, #tpu.memory_space<hbm>> -> memref<1x40x128xi32, #tpu.memory_space<hbm>>
      %dma_wait3A_67 = tpu.memref_squeeze %dma_wait3A_66 : memref<1x40x128xi32, #tpu.memory_space<hbm>> -> memref<40x128xi32, #tpu.memory_space<hbm>>
      tpu.wait_dma2 semaphore(%run_scoped3A_31 : memref<!tpu.dma_semaphore, #tpu.memory_space<semaphore_mem>>) src(%dma_wait3A_67 : memref<40x128xi32, #tpu.memory_space<hbm>>) dst(%arg6 : memref<40x128xi32, #tpu.memory_space<vmem>>)
      tpu.yield
    }) : () -> ()
    %mul3A_8 = arith.constant 632 : i32
    %mul3A_9 = arith.muli %arg1, %mul3A_8 : i32
    %mul3A_10 = arith.constant 632 : i32
    %mul3A_11 = arith.muli %arg1, %mul3A_10 : i32
    %dma_wait3A = arith.constant 0 : i32
    %dma_wait3A_12 = tpu.memref_slice %arg8[%mul3A_11, %dma_wait3A] : memref<10112x32xf32, #tpu.memory_space<vmem_shared>> -> memref<632x32xf32, #tpu.memory_space<vmem_shared>>
    %dma_wait3A_13 = arith.constant 0 : i32
    %dma_wait3A_14 = tpu.memref_slice %arg4[%mul3A_9, %dma_wait3A_13] : memref<10112x32xf32, #tpu.memory_space<hbm>> -> memref<632x32xf32, #tpu.memory_space<hbm>>
    tpu.wait_dma2 semaphore(%arg9 : memref<!tpu.dma_semaphore, #tpu.memory_space<semaphore_mem>>) src(%dma_wait3A_14 : memref<632x32xf32, #tpu.memory_space<hbm>>) dst(%dma_wait3A_12 : memref<632x32xf32, #tpu.memory_space<vmem_shared>>)
    %barrier3A = arith.constant 0 : index
    tpu.barrier barrier_id(%barrier3A)
    %scan3A = arith.constant 0 : i32
    %scan3A_15 = arith.constant 0 : i32
    %scan3A_16 = arith.constant 40 : i32
    %scan3A_17 = arith.addi %scan3A_15, %scan3A_16 : i32
    %scan3A_18 = arith.constant 1 : i32
    scf.for %scan3A_31 = %scan3A_15 to %scan3A_17 step %scan3A_18  : i32 {
      %dma_start3A_32 = arith.constant 0 : i32
      %dma_start3A_33 = tpu.memref_slice %arg6[%scan3A_31, %dma_start3A_32] : memref<40x128xi32, #tpu.memory_space<vmem>> -> memref<1x128xi32, #tpu.memory_space<vmem>>
      %dma_start3A_34 = tpu.memref_squeeze %dma_start3A_33 : memref<1x128xi32, #tpu.memory_space<vmem>> -> memref<128xi32, #tpu.memory_space<vmem>>
      %dma_start3A_35 = arith.constant 0 : i32
      %dma_start3A_36 = arith.constant 0 : i32
      %dma_start3A_37 = tpu.memref_slice %arg8[%dma_start3A_35, %dma_start3A_36] : memref<10112x32xf32, #tpu.memory_space<vmem_shared>> -> memref<10112x32xf32, #tpu.memory_space<vmem_shared>>
      tpu.enqueue_indirect_dma source(%arg7 : memref<128x32xf32, #tpu.memory_space<vmem>>) target(%dma_start3A_37 : memref<10112x32xf32, #tpu.memory_space<vmem_shared>>) offsets(%dma_start3A_34 : memref<128xi32, #tpu.memory_space<vmem>>) semaphore(%arg9 : memref<!tpu.dma_semaphore, #tpu.memory_space<semaphore_mem>>) {add = true}
    }
    %scan3A_19 = arith.constant 40 : i32
    %scan3A_20 = arith.constant 0 : i32
    %scan3A_21 = arith.constant 0 : i32
    %scan3A_22 = arith.constant 40 : i32
    %scan3A_23 = arith.addi %scan3A_21, %scan3A_22 : i32
    %scan3A_24 = arith.constant 1 : i32
    scf.for %scan3A_31 = %scan3A_21 to %scan3A_23 step %scan3A_24  : i32 {
      %dma_wait3A_32 = arith.constant 0 : i32
      %dma_wait3A_33 = arith.constant 0 : i32
      %dma_wait3A_34 = tpu.memref_slice %arg6[%dma_wait3A_32, %dma_wait3A_33] : memref<40x128xi32, #tpu.memory_space<vmem>> -> memref<1x128xi32, #tpu.memory_space<vmem>>
      %dma_wait3A_35 = tpu.memref_squeeze %dma_wait3A_34 : memref<1x128xi32, #tpu.memory_space<vmem>> -> memref<128xi32, #tpu.memory_space<vmem>>
      %dma_wait3A_36 = arith.constant 0 : i32
      %dma_wait3A_37 = arith.constant 0 : i32
      %dma_wait3A_38 = tpu.memref_slice %arg8[%dma_wait3A_36, %dma_wait3A_37] : memref<10112x32xf32, #tpu.memory_space<vmem_shared>> -> memref<10112x32xf32, #tpu.memory_space<vmem_shared>>
      tpu.wait_indirect_dma semaphore(%arg9 : memref<!tpu.dma_semaphore, #tpu.memory_space<semaphore_mem>>) src(%arg7 : memref<128x32xf32, #tpu.memory_space<vmem>>) dst(%dma_wait3A_38 : memref<10112x32xf32, #tpu.memory_space<vmem_shared>>)
    }
    %scan3A_25 = arith.constant 40 : i32
    %barrier3A_26 = arith.constant 0 : index
    tpu.barrier barrier_id(%barrier3A_26)
    %mul3A_27 = arith.constant 632 : i32
    %mul3A_28 = arith.muli %arg1, %mul3A_27 : i32
    %mul3A_29 = arith.constant 632 : i32
    %mul3A_30 = arith.muli %arg1, %mul3A_29 : i32
    "tpu.region"() ({
      %run_scoped3A_31 = tpu.sem_alloc : memref<!tpu.dma_semaphore, #tpu.memory_space<semaphore_mem>>
      %dma_start3A_32 = arith.constant 0 : i32
      %dma_start3A_33 = arith.constant 0 : i32
      %dma_start3A_34 = tpu.memref_slice %arg5[%arg0, %dma_start3A_32, %dma_start3A_33] : memref<2x10112x32xf32, #tpu.memory_space<hbm>> -> memref<1x10112x32xf32, #tpu.memory_space<hbm>>
      %dma_start3A_35 = tpu.memref_squeeze %dma_start3A_34 : memref<1x10112x32xf32, #tpu.memory_space<hbm>> -> memref<10112x32xf32, #tpu.memory_space<hbm>>
      %dma_start3A_36 = arith.constant 0 : i32
      %dma_start3A_37 = tpu.memref_slice %dma_start3A_35[%mul3A_30, %dma_start3A_36] : memref<10112x32xf32, #tpu.memory_space<hbm>> -> memref<632x32xf32, #tpu.memory_space<hbm>>
      %dma_start3A_38 = arith.constant 0 : i32
      %dma_start3A_39 = tpu.memref_slice %arg8[%mul3A_28, %dma_start3A_38] : memref<10112x32xf32, #tpu.memory_space<vmem_shared>> -> memref<632x32xf32, #tpu.memory_space<vmem_shared>>
      tpu.enqueue_dma source(%dma_start3A_39 : memref<632x32xf32, #tpu.memory_space<vmem_shared>>) target(%dma_start3A_37 : memref<632x32xf32, #tpu.memory_space<hbm>>) target_semaphore(%run_scoped3A_31 : memref<!tpu.dma_semaphore, #tpu.memory_space<semaphore_mem>>)
      %dma_wait3A_40 = arith.constant 0 : i32
      %dma_wait3A_41 = arith.constant 0 : i32
      %dma_wait3A_42 = tpu.memref_slice %arg5[%arg0, %dma_wait3A_40, %dma_wait3A_41] : memref<2x10112x32xf32, #tpu.memory_space<hbm>> -> memref<1x10112x32xf32, #tpu.memory_space<hbm>>
      %dma_wait3A_43 = tpu.memref_squeeze %dma_wait3A_42 : memref<1x10112x32xf32, #tpu.memory_space<hbm>> -> memref<10112x32xf32, #tpu.memory_space<hbm>>
      %dma_wait3A_44 = arith.constant 0 : i32
      %dma_wait3A_45 = tpu.memref_slice %dma_wait3A_43[%mul3A_30, %dma_wait3A_44] : memref<10112x32xf32, #tpu.memory_space<hbm>> -> memref<632x32xf32, #tpu.memory_space<hbm>>
      %dma_wait3A_46 = arith.constant 0 : i32
      %dma_wait3A_47 = tpu.memref_slice %arg8[%mul3A_28, %dma_wait3A_46] : memref<10112x32xf32, #tpu.memory_space<vmem_shared>> -> memref<632x32xf32, #tpu.memory_space<vmem_shared>>
      tpu.wait_dma2 semaphore(%run_scoped3A_31 : memref<!tpu.dma_semaphore, #tpu.memory_space<semaphore_mem>>) src(%dma_wait3A_47 : memref<632x32xf32, #tpu.memory_space<vmem_shared>>) dst(%dma_wait3A_45 : memref<632x32xf32, #tpu.memory_space<hbm>>)
      tpu.yield
    }) : () -> ()
    return
  }
}

#map = affine_map<(d0, d1) -> (0, 0)>
#map1 = affine_map<(d0, d1) -> (0, 0, 0, 0)>
#map2 = affine_map<(d0, d1) -> (0, 0, 0)>
module attributes {stable_mosaic.version = 14 : i64} {
  func.func @_agg_kernel(%arg0: i32, %arg1: i32, %arg2: memref<10112x32xf32, #tpu.memory_space<hbm>>, %arg3: memref<10112x32xf32, #tpu.memory_space<hbm>>, %arg4: memref<2x32x40x128xi32, #tpu.memory_space<hbm>>, %arg5: memref<2x10112x32xf32, #tpu.memory_space<hbm>>, %arg6: memref<40x128xi32, #tpu.memory_space<vmem>>, %arg7: memref<40x128xi32, #tpu.memory_space<vmem>>, %arg8: memref<128x32xf32, #tpu.memory_space<vmem>>, %arg9: memref<128x32xf32, #tpu.memory_space<vmem>>, %arg10: memref<128x32xf32, #tpu.memory_space<vmem>>, %arg11: memref<128x32xf32, #tpu.memory_space<vmem>>, %arg12: memref<128x32xf32, #tpu.memory_space<vmem>>, %arg13: memref<128x32xf32, #tpu.memory_space<vmem>>, %arg14: memref<128x32xf32, #tpu.memory_space<vmem>>, %arg15: memref<128x32xf32, #tpu.memory_space<vmem>>, %arg16: memref<10112x32xf32, #tpu.memory_space<vmem_shared>>, %arg17: memref<!tpu.dma_semaphore, #tpu.memory_space<semaphore_mem>>, %arg18: memref<!tpu.dma_semaphore, #tpu.memory_space<semaphore_mem>>, %arg19: memref<!tpu.dma_semaphore, #tpu.memory_space<semaphore_mem>>, %arg20: memref<!tpu.dma_semaphore, #tpu.memory_space<semaphore_mem>>, %arg21: memref<!tpu.dma_semaphore, #tpu.memory_space<semaphore_mem>>, %arg22: memref<!tpu.dma_semaphore, #tpu.memory_space<semaphore_mem>>, %arg23: memref<!tpu.dma_semaphore, #tpu.memory_space<semaphore_mem>>, %arg24: memref<!tpu.dma_semaphore, #tpu.memory_space<semaphore_mem>>, %arg25: memref<!tpu.dma_semaphore, #tpu.memory_space<semaphore_mem>>, %arg26: memref<!tpu.dma_semaphore, #tpu.memory_space<semaphore_mem>>, %arg27: memref<!tpu.dma_semaphore, #tpu.memory_space<semaphore_mem>>, %arg28: memref<!tpu.dma_semaphore, #tpu.memory_space<semaphore_mem>>, %arg29: memref<!tpu.dma_semaphore, #tpu.memory_space<semaphore_mem>>, %arg30: memref<!tpu.dma_semaphore, #tpu.memory_space<semaphore_mem>>, %arg31: memref<!tpu.dma_semaphore, #tpu.memory_space<semaphore_mem>>, %arg32: memref<!tpu.dma_semaphore, #tpu.memory_space<semaphore_mem>>) attributes {dimension_semantics = [#tpu.dimension_semantics<core_parallel>, #tpu.dimension_semantics<subcore_parallel>], iteration_bounds = array<i64: 2, 16>, scalar_prefetch = 0 : i64, scratch_operands = 27 : i64, tpu.core_type = #tpu.core_type<sc_vector_subcore>, window_params = [{transform_indices = #map}, {transform_indices = #map}, {transform_indices = #map1}, {transform_indices = #map2}]} {
    %mul3A = arith.constant 16 : i32
    %mul3A_0 = arith.muli %arg0, %mul3A : i32
    %add3A = arith.addi %mul3A_0, %arg1 : i32
    %eq3A = arith.constant 0 : i32
    %eq3A_1 = arith.cmpi eq, %arg0, %eq3A : i32
    %convert_element_type3A = arith.extui %eq3A_1 : i1 to i32
    %cond3A = arith.constant 0 : i32
    %cond3A_2 = arith.cmpi ne, %convert_element_type3A, %cond3A : i32
    scf.if %cond3A_2 {
      %mul3A_248 = arith.constant 632 : i32
      %mul3A_249 = arith.muli %arg1, %mul3A_248 : i32
      %mul3A_250 = arith.constant 632 : i32
      %mul3A_251 = arith.muli %arg1, %mul3A_250 : i32
      %dma_start3A_252 = arith.constant 0 : i32
      %dma_start3A_253 = tpu.memref_slice %arg16[%mul3A_251, %dma_start3A_252] : memref<10112x32xf32, #tpu.memory_space<vmem_shared>> -> memref<632x32xf32, #tpu.memory_space<vmem_shared>>
      %dma_start3A_254 = arith.constant 0 : i32
      %dma_start3A_255 = tpu.memref_slice %arg2[%mul3A_249, %dma_start3A_254] : memref<10112x32xf32, #tpu.memory_space<hbm>> -> memref<632x32xf32, #tpu.memory_space<hbm>>
      tpu.enqueue_dma source(%dma_start3A_255 : memref<632x32xf32, #tpu.memory_space<hbm>>) target(%dma_start3A_253 : memref<632x32xf32, #tpu.memory_space<vmem_shared>>) target_semaphore(%arg17 : memref<!tpu.dma_semaphore, #tpu.memory_space<semaphore_mem>>)
    } else {
    }
    %ne3A = arith.constant 0 : i32
    %ne3A_3 = arith.cmpi ne, %arg0, %ne3A : i32
    %convert_element_type3A_4 = arith.extui %ne3A_3 : i1 to i32
    %cond3A_5 = arith.constant 0 : i32
    %cond3A_6 = arith.cmpi ne, %convert_element_type3A_4, %cond3A_5 : i32
    scf.if %cond3A_6 {
      %mul3A_248 = arith.constant 632 : i32
      %mul3A_249 = arith.muli %arg1, %mul3A_248 : i32
      %mul3A_250 = arith.constant 632 : i32
      %mul3A_251 = arith.muli %arg1, %mul3A_250 : i32
      %dma_start3A_252 = arith.constant 0 : i32
      %dma_start3A_253 = tpu.memref_slice %arg16[%mul3A_251, %dma_start3A_252] : memref<10112x32xf32, #tpu.memory_space<vmem_shared>> -> memref<632x32xf32, #tpu.memory_space<vmem_shared>>
      %dma_start3A_254 = arith.constant 0 : i32
      %dma_start3A_255 = tpu.memref_slice %arg3[%mul3A_249, %dma_start3A_254] : memref<10112x32xf32, #tpu.memory_space<hbm>> -> memref<632x32xf32, #tpu.memory_space<hbm>>
      tpu.enqueue_dma source(%dma_start3A_255 : memref<632x32xf32, #tpu.memory_space<hbm>>) target(%dma_start3A_253 : memref<632x32xf32, #tpu.memory_space<vmem_shared>>) target_semaphore(%arg17 : memref<!tpu.dma_semaphore, #tpu.memory_space<semaphore_mem>>)
    } else {
    }
    %run_scoped3A = arith.constant 0 : i32
    "tpu.region"() ({
      %run_scoped3A_248 = tpu.sem_alloc : memref<!tpu.dma_semaphore, #tpu.memory_space<semaphore_mem>>
      %dma_start3A_249 = arith.constant 0 : i32
      %dma_start3A_250 = arith.constant 0 : i32
      %dma_start3A_251 = arith.constant 0 : i32
      %dma_start3A_252 = tpu.memref_slice %arg4[%run_scoped3A, %dma_start3A_249, %dma_start3A_250, %dma_start3A_251] : memref<2x32x40x128xi32, #tpu.memory_space<hbm>> -> memref<1x32x40x128xi32, #tpu.memory_space<hbm>>
      %dma_start3A_253 = tpu.memref_squeeze %dma_start3A_252 : memref<1x32x40x128xi32, #tpu.memory_space<hbm>> -> memref<32x40x128xi32, #tpu.memory_space<hbm>>
      %dma_start3A_254 = arith.constant 0 : i32
      %dma_start3A_255 = arith.constant 0 : i32
      %dma_start3A_256 = tpu.memref_slice %dma_start3A_253[%add3A, %dma_start3A_254, %dma_start3A_255] : memref<32x40x128xi32, #tpu.memory_space<hbm>> -> memref<1x40x128xi32, #tpu.memory_space<hbm>>
      %dma_start3A_257 = tpu.memref_squeeze %dma_start3A_256 : memref<1x40x128xi32, #tpu.memory_space<hbm>> -> memref<40x128xi32, #tpu.memory_space<hbm>>
      %dma_start3A_258 = arith.constant 0 : i32
      %dma_start3A_259 = arith.constant 0 : i32
      %dma_start3A_260 = arith.constant 0 : i32
      %dma_start3A_261 = tpu.memref_slice %arg4[%run_scoped3A, %dma_start3A_258, %dma_start3A_259, %dma_start3A_260] : memref<2x32x40x128xi32, #tpu.memory_space<hbm>> -> memref<1x32x40x128xi32, #tpu.memory_space<hbm>>
      %dma_start3A_262 = tpu.memref_squeeze %dma_start3A_261 : memref<1x32x40x128xi32, #tpu.memory_space<hbm>> -> memref<32x40x128xi32, #tpu.memory_space<hbm>>
      %dma_start3A_263 = arith.constant 0 : i32
      %dma_start3A_264 = arith.constant 0 : i32
      %dma_start3A_265 = tpu.memref_slice %dma_start3A_262[%add3A, %dma_start3A_263, %dma_start3A_264] : memref<32x40x128xi32, #tpu.memory_space<hbm>> -> memref<1x40x128xi32, #tpu.memory_space<hbm>>
      %dma_start3A_266 = tpu.memref_squeeze %dma_start3A_265 : memref<1x40x128xi32, #tpu.memory_space<hbm>> -> memref<40x128xi32, #tpu.memory_space<hbm>>
      tpu.enqueue_dma source(%dma_start3A_266 : memref<40x128xi32, #tpu.memory_space<hbm>>) target(%arg6 : memref<40x128xi32, #tpu.memory_space<vmem>>) target_semaphore(%run_scoped3A_248 : memref<!tpu.dma_semaphore, #tpu.memory_space<semaphore_mem>>)
      %dma_wait3A_267 = arith.constant 0 : i32
      %dma_wait3A_268 = arith.constant 0 : i32
      %dma_wait3A_269 = arith.constant 0 : i32
      %dma_wait3A_270 = tpu.memref_slice %arg4[%run_scoped3A, %dma_wait3A_267, %dma_wait3A_268, %dma_wait3A_269] : memref<2x32x40x128xi32, #tpu.memory_space<hbm>> -> memref<1x32x40x128xi32, #tpu.memory_space<hbm>>
      %dma_wait3A_271 = tpu.memref_squeeze %dma_wait3A_270 : memref<1x32x40x128xi32, #tpu.memory_space<hbm>> -> memref<32x40x128xi32, #tpu.memory_space<hbm>>
      %dma_wait3A_272 = arith.constant 0 : i32
      %dma_wait3A_273 = arith.constant 0 : i32
      %dma_wait3A_274 = tpu.memref_slice %dma_wait3A_271[%add3A, %dma_wait3A_272, %dma_wait3A_273] : memref<32x40x128xi32, #tpu.memory_space<hbm>> -> memref<1x40x128xi32, #tpu.memory_space<hbm>>
      %dma_wait3A_275 = tpu.memref_squeeze %dma_wait3A_274 : memref<1x40x128xi32, #tpu.memory_space<hbm>> -> memref<40x128xi32, #tpu.memory_space<hbm>>
      %dma_wait3A_276 = arith.constant 0 : i32
      %dma_wait3A_277 = arith.constant 0 : i32
      %dma_wait3A_278 = arith.constant 0 : i32
      %dma_wait3A_279 = tpu.memref_slice %arg4[%run_scoped3A, %dma_wait3A_276, %dma_wait3A_277, %dma_wait3A_278] : memref<2x32x40x128xi32, #tpu.memory_space<hbm>> -> memref<1x32x40x128xi32, #tpu.memory_space<hbm>>
      %dma_wait3A_280 = tpu.memref_squeeze %dma_wait3A_279 : memref<1x32x40x128xi32, #tpu.memory_space<hbm>> -> memref<32x40x128xi32, #tpu.memory_space<hbm>>
      %dma_wait3A_281 = arith.constant 0 : i32
      %dma_wait3A_282 = arith.constant 0 : i32
      %dma_wait3A_283 = tpu.memref_slice %dma_wait3A_280[%add3A, %dma_wait3A_281, %dma_wait3A_282] : memref<32x40x128xi32, #tpu.memory_space<hbm>> -> memref<1x40x128xi32, #tpu.memory_space<hbm>>
      %dma_wait3A_284 = tpu.memref_squeeze %dma_wait3A_283 : memref<1x40x128xi32, #tpu.memory_space<hbm>> -> memref<40x128xi32, #tpu.memory_space<hbm>>
      tpu.wait_dma2 semaphore(%run_scoped3A_248 : memref<!tpu.dma_semaphore, #tpu.memory_space<semaphore_mem>>) src(%dma_wait3A_284 : memref<40x128xi32, #tpu.memory_space<hbm>>) dst(%arg6 : memref<40x128xi32, #tpu.memory_space<vmem>>)
      tpu.yield
    }) : () -> ()
    %run_scoped3A_7 = arith.constant 1 : i32
    "tpu.region"() ({
      %run_scoped3A_248 = tpu.sem_alloc : memref<!tpu.dma_semaphore, #tpu.memory_space<semaphore_mem>>
      %dma_start3A_249 = arith.constant 0 : i32
      %dma_start3A_250 = arith.constant 0 : i32
      %dma_start3A_251 = arith.constant 0 : i32
      %dma_start3A_252 = tpu.memref_slice %arg4[%run_scoped3A_7, %dma_start3A_249, %dma_start3A_250, %dma_start3A_251] : memref<2x32x40x128xi32, #tpu.memory_space<hbm>> -> memref<1x32x40x128xi32, #tpu.memory_space<hbm>>
      %dma_start3A_253 = tpu.memref_squeeze %dma_start3A_252 : memref<1x32x40x128xi32, #tpu.memory_space<hbm>> -> memref<32x40x128xi32, #tpu.memory_space<hbm>>
      %dma_start3A_254 = arith.constant 0 : i32
      %dma_start3A_255 = arith.constant 0 : i32
      %dma_start3A_256 = tpu.memref_slice %dma_start3A_253[%add3A, %dma_start3A_254, %dma_start3A_255] : memref<32x40x128xi32, #tpu.memory_space<hbm>> -> memref<1x40x128xi32, #tpu.memory_space<hbm>>
      %dma_start3A_257 = tpu.memref_squeeze %dma_start3A_256 : memref<1x40x128xi32, #tpu.memory_space<hbm>> -> memref<40x128xi32, #tpu.memory_space<hbm>>
      %dma_start3A_258 = arith.constant 0 : i32
      %dma_start3A_259 = arith.constant 0 : i32
      %dma_start3A_260 = arith.constant 0 : i32
      %dma_start3A_261 = tpu.memref_slice %arg4[%run_scoped3A_7, %dma_start3A_258, %dma_start3A_259, %dma_start3A_260] : memref<2x32x40x128xi32, #tpu.memory_space<hbm>> -> memref<1x32x40x128xi32, #tpu.memory_space<hbm>>
      %dma_start3A_262 = tpu.memref_squeeze %dma_start3A_261 : memref<1x32x40x128xi32, #tpu.memory_space<hbm>> -> memref<32x40x128xi32, #tpu.memory_space<hbm>>
      %dma_start3A_263 = arith.constant 0 : i32
      %dma_start3A_264 = arith.constant 0 : i32
      %dma_start3A_265 = tpu.memref_slice %dma_start3A_262[%add3A, %dma_start3A_263, %dma_start3A_264] : memref<32x40x128xi32, #tpu.memory_space<hbm>> -> memref<1x40x128xi32, #tpu.memory_space<hbm>>
      %dma_start3A_266 = tpu.memref_squeeze %dma_start3A_265 : memref<1x40x128xi32, #tpu.memory_space<hbm>> -> memref<40x128xi32, #tpu.memory_space<hbm>>
      tpu.enqueue_dma source(%dma_start3A_266 : memref<40x128xi32, #tpu.memory_space<hbm>>) target(%arg7 : memref<40x128xi32, #tpu.memory_space<vmem>>) target_semaphore(%run_scoped3A_248 : memref<!tpu.dma_semaphore, #tpu.memory_space<semaphore_mem>>)
      %dma_wait3A_267 = arith.constant 0 : i32
      %dma_wait3A_268 = arith.constant 0 : i32
      %dma_wait3A_269 = arith.constant 0 : i32
      %dma_wait3A_270 = tpu.memref_slice %arg4[%run_scoped3A_7, %dma_wait3A_267, %dma_wait3A_268, %dma_wait3A_269] : memref<2x32x40x128xi32, #tpu.memory_space<hbm>> -> memref<1x32x40x128xi32, #tpu.memory_space<hbm>>
      %dma_wait3A_271 = tpu.memref_squeeze %dma_wait3A_270 : memref<1x32x40x128xi32, #tpu.memory_space<hbm>> -> memref<32x40x128xi32, #tpu.memory_space<hbm>>
      %dma_wait3A_272 = arith.constant 0 : i32
      %dma_wait3A_273 = arith.constant 0 : i32
      %dma_wait3A_274 = tpu.memref_slice %dma_wait3A_271[%add3A, %dma_wait3A_272, %dma_wait3A_273] : memref<32x40x128xi32, #tpu.memory_space<hbm>> -> memref<1x40x128xi32, #tpu.memory_space<hbm>>
      %dma_wait3A_275 = tpu.memref_squeeze %dma_wait3A_274 : memref<1x40x128xi32, #tpu.memory_space<hbm>> -> memref<40x128xi32, #tpu.memory_space<hbm>>
      %dma_wait3A_276 = arith.constant 0 : i32
      %dma_wait3A_277 = arith.constant 0 : i32
      %dma_wait3A_278 = arith.constant 0 : i32
      %dma_wait3A_279 = tpu.memref_slice %arg4[%run_scoped3A_7, %dma_wait3A_276, %dma_wait3A_277, %dma_wait3A_278] : memref<2x32x40x128xi32, #tpu.memory_space<hbm>> -> memref<1x32x40x128xi32, #tpu.memory_space<hbm>>
      %dma_wait3A_280 = tpu.memref_squeeze %dma_wait3A_279 : memref<1x32x40x128xi32, #tpu.memory_space<hbm>> -> memref<32x40x128xi32, #tpu.memory_space<hbm>>
      %dma_wait3A_281 = arith.constant 0 : i32
      %dma_wait3A_282 = arith.constant 0 : i32
      %dma_wait3A_283 = tpu.memref_slice %dma_wait3A_280[%add3A, %dma_wait3A_281, %dma_wait3A_282] : memref<32x40x128xi32, #tpu.memory_space<hbm>> -> memref<1x40x128xi32, #tpu.memory_space<hbm>>
      %dma_wait3A_284 = tpu.memref_squeeze %dma_wait3A_283 : memref<1x40x128xi32, #tpu.memory_space<hbm>> -> memref<40x128xi32, #tpu.memory_space<hbm>>
      tpu.wait_dma2 semaphore(%run_scoped3A_248 : memref<!tpu.dma_semaphore, #tpu.memory_space<semaphore_mem>>) src(%dma_wait3A_284 : memref<40x128xi32, #tpu.memory_space<hbm>>) dst(%arg7 : memref<40x128xi32, #tpu.memory_space<vmem>>)
      tpu.yield
    }) : () -> ()
    %mul3A_8 = arith.constant 632 : i32
    %mul3A_9 = arith.muli %arg1, %mul3A_8 : i32
    %mul3A_10 = arith.constant 632 : i32
    %mul3A_11 = arith.muli %arg1, %mul3A_10 : i32
    %dma_wait3A = arith.constant 0 : i32
    %dma_wait3A_12 = tpu.memref_slice %arg16[%mul3A_11, %dma_wait3A] : memref<10112x32xf32, #tpu.memory_space<vmem_shared>> -> memref<632x32xf32, #tpu.memory_space<vmem_shared>>
    %dma_wait3A_13 = arith.constant 0 : i32
    %dma_wait3A_14 = tpu.memref_slice %arg2[%mul3A_9, %dma_wait3A_13] : memref<10112x32xf32, #tpu.memory_space<hbm>> -> memref<632x32xf32, #tpu.memory_space<hbm>>
    tpu.wait_dma2 semaphore(%arg17 : memref<!tpu.dma_semaphore, #tpu.memory_space<semaphore_mem>>) src(%dma_wait3A_14 : memref<632x32xf32, #tpu.memory_space<hbm>>) dst(%dma_wait3A_12 : memref<632x32xf32, #tpu.memory_space<vmem_shared>>)
    %barrier3A = arith.constant 0 : index
    tpu.barrier barrier_id(%barrier3A)
    %dma_start3A = arith.constant 0 : i32
    %dma_start3A_15 = arith.constant 0 : i32
    %dma_start3A_16 = tpu.memref_slice %arg6[%dma_start3A, %dma_start3A_15] : memref<40x128xi32, #tpu.memory_space<vmem>> -> memref<1x128xi32, #tpu.memory_space<vmem>>
    %dma_start3A_17 = tpu.memref_squeeze %dma_start3A_16 : memref<1x128xi32, #tpu.memory_space<vmem>> -> memref<128xi32, #tpu.memory_space<vmem>>
    %dma_start3A_18 = arith.constant 0 : i32
    %dma_start3A_19 = arith.constant 0 : i32
    %dma_start3A_20 = tpu.memref_slice %arg2[%dma_start3A_18, %dma_start3A_19] : memref<10112x32xf32, #tpu.memory_space<hbm>> -> memref<10112x32xf32, #tpu.memory_space<hbm>>
    tpu.enqueue_indirect_dma source(%dma_start3A_20 : memref<10112x32xf32, #tpu.memory_space<hbm>>) target(%arg8 : memref<128x32xf32, #tpu.memory_space<vmem>>) offsets(%dma_start3A_17 : memref<128xi32, #tpu.memory_space<vmem>>) semaphore(%arg17 : memref<!tpu.dma_semaphore, #tpu.memory_space<semaphore_mem>>)
    %dma_start3A_21 = arith.constant 1 : i32
    %dma_start3A_22 = arith.constant 0 : i32
    %dma_start3A_23 = tpu.memref_slice %arg6[%dma_start3A_21, %dma_start3A_22] : memref<40x128xi32, #tpu.memory_space<vmem>> -> memref<1x128xi32, #tpu.memory_space<vmem>>
    %dma_start3A_24 = tpu.memref_squeeze %dma_start3A_23 : memref<1x128xi32, #tpu.memory_space<vmem>> -> memref<128xi32, #tpu.memory_space<vmem>>
    %dma_start3A_25 = arith.constant 0 : i32
    %dma_start3A_26 = arith.constant 0 : i32
    %dma_start3A_27 = tpu.memref_slice %arg2[%dma_start3A_25, %dma_start3A_26] : memref<10112x32xf32, #tpu.memory_space<hbm>> -> memref<10112x32xf32, #tpu.memory_space<hbm>>
    tpu.enqueue_indirect_dma source(%dma_start3A_27 : memref<10112x32xf32, #tpu.memory_space<hbm>>) target(%arg9 : memref<128x32xf32, #tpu.memory_space<vmem>>) offsets(%dma_start3A_24 : memref<128xi32, #tpu.memory_space<vmem>>) semaphore(%arg18 : memref<!tpu.dma_semaphore, #tpu.memory_space<semaphore_mem>>)
    %dma_start3A_28 = arith.constant 2 : i32
    %dma_start3A_29 = arith.constant 0 : i32
    %dma_start3A_30 = tpu.memref_slice %arg6[%dma_start3A_28, %dma_start3A_29] : memref<40x128xi32, #tpu.memory_space<vmem>> -> memref<1x128xi32, #tpu.memory_space<vmem>>
    %dma_start3A_31 = tpu.memref_squeeze %dma_start3A_30 : memref<1x128xi32, #tpu.memory_space<vmem>> -> memref<128xi32, #tpu.memory_space<vmem>>
    %dma_start3A_32 = arith.constant 0 : i32
    %dma_start3A_33 = arith.constant 0 : i32
    %dma_start3A_34 = tpu.memref_slice %arg2[%dma_start3A_32, %dma_start3A_33] : memref<10112x32xf32, #tpu.memory_space<hbm>> -> memref<10112x32xf32, #tpu.memory_space<hbm>>
    tpu.enqueue_indirect_dma source(%dma_start3A_34 : memref<10112x32xf32, #tpu.memory_space<hbm>>) target(%arg10 : memref<128x32xf32, #tpu.memory_space<vmem>>) offsets(%dma_start3A_31 : memref<128xi32, #tpu.memory_space<vmem>>) semaphore(%arg19 : memref<!tpu.dma_semaphore, #tpu.memory_space<semaphore_mem>>)
    %dma_start3A_35 = arith.constant 3 : i32
    %dma_start3A_36 = arith.constant 0 : i32
    %dma_start3A_37 = tpu.memref_slice %arg6[%dma_start3A_35, %dma_start3A_36] : memref<40x128xi32, #tpu.memory_space<vmem>> -> memref<1x128xi32, #tpu.memory_space<vmem>>
    %dma_start3A_38 = tpu.memref_squeeze %dma_start3A_37 : memref<1x128xi32, #tpu.memory_space<vmem>> -> memref<128xi32, #tpu.memory_space<vmem>>
    %dma_start3A_39 = arith.constant 0 : i32
    %dma_start3A_40 = arith.constant 0 : i32
    %dma_start3A_41 = tpu.memref_slice %arg2[%dma_start3A_39, %dma_start3A_40] : memref<10112x32xf32, #tpu.memory_space<hbm>> -> memref<10112x32xf32, #tpu.memory_space<hbm>>
    tpu.enqueue_indirect_dma source(%dma_start3A_41 : memref<10112x32xf32, #tpu.memory_space<hbm>>) target(%arg11 : memref<128x32xf32, #tpu.memory_space<vmem>>) offsets(%dma_start3A_38 : memref<128xi32, #tpu.memory_space<vmem>>) semaphore(%arg20 : memref<!tpu.dma_semaphore, #tpu.memory_space<semaphore_mem>>)
    %dma_start3A_42 = arith.constant 4 : i32
    %dma_start3A_43 = arith.constant 0 : i32
    %dma_start3A_44 = tpu.memref_slice %arg6[%dma_start3A_42, %dma_start3A_43] : memref<40x128xi32, #tpu.memory_space<vmem>> -> memref<1x128xi32, #tpu.memory_space<vmem>>
    %dma_start3A_45 = tpu.memref_squeeze %dma_start3A_44 : memref<1x128xi32, #tpu.memory_space<vmem>> -> memref<128xi32, #tpu.memory_space<vmem>>
    %dma_start3A_46 = arith.constant 0 : i32
    %dma_start3A_47 = arith.constant 0 : i32
    %dma_start3A_48 = tpu.memref_slice %arg2[%dma_start3A_46, %dma_start3A_47] : memref<10112x32xf32, #tpu.memory_space<hbm>> -> memref<10112x32xf32, #tpu.memory_space<hbm>>
    tpu.enqueue_indirect_dma source(%dma_start3A_48 : memref<10112x32xf32, #tpu.memory_space<hbm>>) target(%arg12 : memref<128x32xf32, #tpu.memory_space<vmem>>) offsets(%dma_start3A_45 : memref<128xi32, #tpu.memory_space<vmem>>) semaphore(%arg21 : memref<!tpu.dma_semaphore, #tpu.memory_space<semaphore_mem>>)
    %dma_wait3A_49 = arith.constant 0 : i32
    %dma_wait3A_50 = arith.constant 0 : i32
    %dma_wait3A_51 = tpu.memref_slice %arg6[%dma_wait3A_49, %dma_wait3A_50] : memref<40x128xi32, #tpu.memory_space<vmem>> -> memref<1x128xi32, #tpu.memory_space<vmem>>
    %dma_wait3A_52 = tpu.memref_squeeze %dma_wait3A_51 : memref<1x128xi32, #tpu.memory_space<vmem>> -> memref<128xi32, #tpu.memory_space<vmem>>
    %dma_wait3A_53 = arith.constant 0 : i32
    %dma_wait3A_54 = arith.constant 0 : i32
    %dma_wait3A_55 = tpu.memref_slice %arg2[%dma_wait3A_53, %dma_wait3A_54] : memref<10112x32xf32, #tpu.memory_space<hbm>> -> memref<10112x32xf32, #tpu.memory_space<hbm>>
    tpu.wait_indirect_dma semaphore(%arg17 : memref<!tpu.dma_semaphore, #tpu.memory_space<semaphore_mem>>) src(%dma_wait3A_55 : memref<10112x32xf32, #tpu.memory_space<hbm>>) dst(%arg8 : memref<128x32xf32, #tpu.memory_space<vmem>>)
    %dma_start3A_56 = arith.constant 0 : i32
    %dma_start3A_57 = arith.constant 0 : i32
    %dma_start3A_58 = tpu.memref_slice %arg7[%dma_start3A_56, %dma_start3A_57] : memref<40x128xi32, #tpu.memory_space<vmem>> -> memref<1x128xi32, #tpu.memory_space<vmem>>
    %dma_start3A_59 = tpu.memref_squeeze %dma_start3A_58 : memref<1x128xi32, #tpu.memory_space<vmem>> -> memref<128xi32, #tpu.memory_space<vmem>>
    %dma_start3A_60 = arith.constant 0 : i32
    %dma_start3A_61 = arith.constant 0 : i32
    %dma_start3A_62 = tpu.memref_slice %arg16[%dma_start3A_60, %dma_start3A_61] : memref<10112x32xf32, #tpu.memory_space<vmem_shared>> -> memref<10112x32xf32, #tpu.memory_space<vmem_shared>>
    tpu.enqueue_indirect_dma source(%arg8 : memref<128x32xf32, #tpu.memory_space<vmem>>) target(%dma_start3A_62 : memref<10112x32xf32, #tpu.memory_space<vmem_shared>>) offsets(%dma_start3A_59 : memref<128xi32, #tpu.memory_space<vmem>>) semaphore(%arg25 : memref<!tpu.dma_semaphore, #tpu.memory_space<semaphore_mem>>) {add = true}
    %dma_start3A_63 = arith.constant 5 : i32
    %dma_start3A_64 = arith.constant 0 : i32
    %dma_start3A_65 = tpu.memref_slice %arg6[%dma_start3A_63, %dma_start3A_64] : memref<40x128xi32, #tpu.memory_space<vmem>> -> memref<1x128xi32, #tpu.memory_space<vmem>>
    %dma_start3A_66 = tpu.memref_squeeze %dma_start3A_65 : memref<1x128xi32, #tpu.memory_space<vmem>> -> memref<128xi32, #tpu.memory_space<vmem>>
    %dma_start3A_67 = arith.constant 0 : i32
    %dma_start3A_68 = arith.constant 0 : i32
    %dma_start3A_69 = tpu.memref_slice %arg2[%dma_start3A_67, %dma_start3A_68] : memref<10112x32xf32, #tpu.memory_space<hbm>> -> memref<10112x32xf32, #tpu.memory_space<hbm>>
    tpu.enqueue_indirect_dma source(%dma_start3A_69 : memref<10112x32xf32, #tpu.memory_space<hbm>>) target(%arg13 : memref<128x32xf32, #tpu.memory_space<vmem>>) offsets(%dma_start3A_66 : memref<128xi32, #tpu.memory_space<vmem>>) semaphore(%arg22 : memref<!tpu.dma_semaphore, #tpu.memory_space<semaphore_mem>>)
    %dma_wait3A_70 = arith.constant 1 : i32
    %dma_wait3A_71 = arith.constant 0 : i32
    %dma_wait3A_72 = tpu.memref_slice %arg6[%dma_wait3A_70, %dma_wait3A_71] : memref<40x128xi32, #tpu.memory_space<vmem>> -> memref<1x128xi32, #tpu.memory_space<vmem>>
    %dma_wait3A_73 = tpu.memref_squeeze %dma_wait3A_72 : memref<1x128xi32, #tpu.memory_space<vmem>> -> memref<128xi32, #tpu.memory_space<vmem>>
    %dma_wait3A_74 = arith.constant 0 : i32
    %dma_wait3A_75 = arith.constant 0 : i32
    %dma_wait3A_76 = tpu.memref_slice %arg2[%dma_wait3A_74, %dma_wait3A_75] : memref<10112x32xf32, #tpu.memory_space<hbm>> -> memref<10112x32xf32, #tpu.memory_space<hbm>>
    tpu.wait_indirect_dma semaphore(%arg18 : memref<!tpu.dma_semaphore, #tpu.memory_space<semaphore_mem>>) src(%dma_wait3A_76 : memref<10112x32xf32, #tpu.memory_space<hbm>>) dst(%arg9 : memref<128x32xf32, #tpu.memory_space<vmem>>)
    %dma_start3A_77 = arith.constant 1 : i32
    %dma_start3A_78 = arith.constant 0 : i32
    %dma_start3A_79 = tpu.memref_slice %arg7[%dma_start3A_77, %dma_start3A_78] : memref<40x128xi32, #tpu.memory_space<vmem>> -> memref<1x128xi32, #tpu.memory_space<vmem>>
    %dma_start3A_80 = tpu.memref_squeeze %dma_start3A_79 : memref<1x128xi32, #tpu.memory_space<vmem>> -> memref<128xi32, #tpu.memory_space<vmem>>
    %dma_start3A_81 = arith.constant 0 : i32
    %dma_start3A_82 = arith.constant 0 : i32
    %dma_start3A_83 = tpu.memref_slice %arg16[%dma_start3A_81, %dma_start3A_82] : memref<10112x32xf32, #tpu.memory_space<vmem_shared>> -> memref<10112x32xf32, #tpu.memory_space<vmem_shared>>
    tpu.enqueue_indirect_dma source(%arg9 : memref<128x32xf32, #tpu.memory_space<vmem>>) target(%dma_start3A_83 : memref<10112x32xf32, #tpu.memory_space<vmem_shared>>) offsets(%dma_start3A_80 : memref<128xi32, #tpu.memory_space<vmem>>) semaphore(%arg26 : memref<!tpu.dma_semaphore, #tpu.memory_space<semaphore_mem>>) {add = true}
    %dma_start3A_84 = arith.constant 6 : i32
    %dma_start3A_85 = arith.constant 0 : i32
    %dma_start3A_86 = tpu.memref_slice %arg6[%dma_start3A_84, %dma_start3A_85] : memref<40x128xi32, #tpu.memory_space<vmem>> -> memref<1x128xi32, #tpu.memory_space<vmem>>
    %dma_start3A_87 = tpu.memref_squeeze %dma_start3A_86 : memref<1x128xi32, #tpu.memory_space<vmem>> -> memref<128xi32, #tpu.memory_space<vmem>>
    %dma_start3A_88 = arith.constant 0 : i32
    %dma_start3A_89 = arith.constant 0 : i32
    %dma_start3A_90 = tpu.memref_slice %arg2[%dma_start3A_88, %dma_start3A_89] : memref<10112x32xf32, #tpu.memory_space<hbm>> -> memref<10112x32xf32, #tpu.memory_space<hbm>>
    tpu.enqueue_indirect_dma source(%dma_start3A_90 : memref<10112x32xf32, #tpu.memory_space<hbm>>) target(%arg14 : memref<128x32xf32, #tpu.memory_space<vmem>>) offsets(%dma_start3A_87 : memref<128xi32, #tpu.memory_space<vmem>>) semaphore(%arg23 : memref<!tpu.dma_semaphore, #tpu.memory_space<semaphore_mem>>)
    %dma_wait3A_91 = arith.constant 2 : i32
    %dma_wait3A_92 = arith.constant 0 : i32
    %dma_wait3A_93 = tpu.memref_slice %arg6[%dma_wait3A_91, %dma_wait3A_92] : memref<40x128xi32, #tpu.memory_space<vmem>> -> memref<1x128xi32, #tpu.memory_space<vmem>>
    %dma_wait3A_94 = tpu.memref_squeeze %dma_wait3A_93 : memref<1x128xi32, #tpu.memory_space<vmem>> -> memref<128xi32, #tpu.memory_space<vmem>>
    %dma_wait3A_95 = arith.constant 0 : i32
    %dma_wait3A_96 = arith.constant 0 : i32
    %dma_wait3A_97 = tpu.memref_slice %arg2[%dma_wait3A_95, %dma_wait3A_96] : memref<10112x32xf32, #tpu.memory_space<hbm>> -> memref<10112x32xf32, #tpu.memory_space<hbm>>
    tpu.wait_indirect_dma semaphore(%arg19 : memref<!tpu.dma_semaphore, #tpu.memory_space<semaphore_mem>>) src(%dma_wait3A_97 : memref<10112x32xf32, #tpu.memory_space<hbm>>) dst(%arg10 : memref<128x32xf32, #tpu.memory_space<vmem>>)
    %dma_start3A_98 = arith.constant 2 : i32
    %dma_start3A_99 = arith.constant 0 : i32
    %dma_start3A_100 = tpu.memref_slice %arg7[%dma_start3A_98, %dma_start3A_99] : memref<40x128xi32, #tpu.memory_space<vmem>> -> memref<1x128xi32, #tpu.memory_space<vmem>>
    %dma_start3A_101 = tpu.memref_squeeze %dma_start3A_100 : memref<1x128xi32, #tpu.memory_space<vmem>> -> memref<128xi32, #tpu.memory_space<vmem>>
    %dma_start3A_102 = arith.constant 0 : i32
    %dma_start3A_103 = arith.constant 0 : i32
    %dma_start3A_104 = tpu.memref_slice %arg16[%dma_start3A_102, %dma_start3A_103] : memref<10112x32xf32, #tpu.memory_space<vmem_shared>> -> memref<10112x32xf32, #tpu.memory_space<vmem_shared>>
    tpu.enqueue_indirect_dma source(%arg10 : memref<128x32xf32, #tpu.memory_space<vmem>>) target(%dma_start3A_104 : memref<10112x32xf32, #tpu.memory_space<vmem_shared>>) offsets(%dma_start3A_101 : memref<128xi32, #tpu.memory_space<vmem>>) semaphore(%arg27 : memref<!tpu.dma_semaphore, #tpu.memory_space<semaphore_mem>>) {add = true}
    %dma_start3A_105 = arith.constant 7 : i32
    %dma_start3A_106 = arith.constant 0 : i32
    %dma_start3A_107 = tpu.memref_slice %arg6[%dma_start3A_105, %dma_start3A_106] : memref<40x128xi32, #tpu.memory_space<vmem>> -> memref<1x128xi32, #tpu.memory_space<vmem>>
    %dma_start3A_108 = tpu.memref_squeeze %dma_start3A_107 : memref<1x128xi32, #tpu.memory_space<vmem>> -> memref<128xi32, #tpu.memory_space<vmem>>
    %dma_start3A_109 = arith.constant 0 : i32
    %dma_start3A_110 = arith.constant 0 : i32
    %dma_start3A_111 = tpu.memref_slice %arg2[%dma_start3A_109, %dma_start3A_110] : memref<10112x32xf32, #tpu.memory_space<hbm>> -> memref<10112x32xf32, #tpu.memory_space<hbm>>
    tpu.enqueue_indirect_dma source(%dma_start3A_111 : memref<10112x32xf32, #tpu.memory_space<hbm>>) target(%arg15 : memref<128x32xf32, #tpu.memory_space<vmem>>) offsets(%dma_start3A_108 : memref<128xi32, #tpu.memory_space<vmem>>) semaphore(%arg24 : memref<!tpu.dma_semaphore, #tpu.memory_space<semaphore_mem>>)
    %dma_wait3A_112 = arith.constant 3 : i32
    %dma_wait3A_113 = arith.constant 0 : i32
    %dma_wait3A_114 = tpu.memref_slice %arg6[%dma_wait3A_112, %dma_wait3A_113] : memref<40x128xi32, #tpu.memory_space<vmem>> -> memref<1x128xi32, #tpu.memory_space<vmem>>
    %dma_wait3A_115 = tpu.memref_squeeze %dma_wait3A_114 : memref<1x128xi32, #tpu.memory_space<vmem>> -> memref<128xi32, #tpu.memory_space<vmem>>
    %dma_wait3A_116 = arith.constant 0 : i32
    %dma_wait3A_117 = arith.constant 0 : i32
    %dma_wait3A_118 = tpu.memref_slice %arg2[%dma_wait3A_116, %dma_wait3A_117] : memref<10112x32xf32, #tpu.memory_space<hbm>> -> memref<10112x32xf32, #tpu.memory_space<hbm>>
    tpu.wait_indirect_dma semaphore(%arg20 : memref<!tpu.dma_semaphore, #tpu.memory_space<semaphore_mem>>) src(%dma_wait3A_118 : memref<10112x32xf32, #tpu.memory_space<hbm>>) dst(%arg11 : memref<128x32xf32, #tpu.memory_space<vmem>>)
    %dma_start3A_119 = arith.constant 3 : i32
    %dma_start3A_120 = arith.constant 0 : i32
    %dma_start3A_121 = tpu.memref_slice %arg7[%dma_start3A_119, %dma_start3A_120] : memref<40x128xi32, #tpu.memory_space<vmem>> -> memref<1x128xi32, #tpu.memory_space<vmem>>
    %dma_start3A_122 = tpu.memref_squeeze %dma_start3A_121 : memref<1x128xi32, #tpu.memory_space<vmem>> -> memref<128xi32, #tpu.memory_space<vmem>>
    %dma_start3A_123 = arith.constant 0 : i32
    %dma_start3A_124 = arith.constant 0 : i32
    %dma_start3A_125 = tpu.memref_slice %arg16[%dma_start3A_123, %dma_start3A_124] : memref<10112x32xf32, #tpu.memory_space<vmem_shared>> -> memref<10112x32xf32, #tpu.memory_space<vmem_shared>>
    tpu.enqueue_indirect_dma source(%arg11 : memref<128x32xf32, #tpu.memory_space<vmem>>) target(%dma_start3A_125 : memref<10112x32xf32, #tpu.memory_space<vmem_shared>>) offsets(%dma_start3A_122 : memref<128xi32, #tpu.memory_space<vmem>>) semaphore(%arg28 : memref<!tpu.dma_semaphore, #tpu.memory_space<semaphore_mem>>) {add = true}
    %scan3A = arith.constant 0 : i32
    %scan3A_126 = arith.constant 1 : i32
    %scan3A_127 = arith.constant 4 : i32
    %scan3A_128 = arith.addi %scan3A_126, %scan3A_127 : i32
    %scan3A_129 = arith.constant 1 : i32
    scf.for %scan3A_248 = %scan3A_126 to %scan3A_128 step %scan3A_129  : i32 {
      %mul3A_249 = arith.constant 8 : i32
      %mul3A_250 = arith.muli %mul3A_249, %scan3A_248 : i32
      %add3A_251 = arith.constant 0 : i32
      %add3A_252 = arith.addi %mul3A_250, %add3A_251 : i32
      %dma_wait3A_253 = arith.constant 0 : i32
      %dma_wait3A_254 = arith.constant 0 : i32
      %dma_wait3A_255 = tpu.memref_slice %arg7[%dma_wait3A_253, %dma_wait3A_254] : memref<40x128xi32, #tpu.memory_space<vmem>> -> memref<1x128xi32, #tpu.memory_space<vmem>>
      %dma_wait3A_256 = tpu.memref_squeeze %dma_wait3A_255 : memref<1x128xi32, #tpu.memory_space<vmem>> -> memref<128xi32, #tpu.memory_space<vmem>>
      %dma_wait3A_257 = arith.constant 0 : i32
      %dma_wait3A_258 = arith.constant 0 : i32
      %dma_wait3A_259 = tpu.memref_slice %arg16[%dma_wait3A_257, %dma_wait3A_258] : memref<10112x32xf32, #tpu.memory_space<vmem_shared>> -> memref<10112x32xf32, #tpu.memory_space<vmem_shared>>
      tpu.wait_indirect_dma semaphore(%arg25 : memref<!tpu.dma_semaphore, #tpu.memory_space<semaphore_mem>>) src(%arg8 : memref<128x32xf32, #tpu.memory_space<vmem>>) dst(%dma_wait3A_259 : memref<10112x32xf32, #tpu.memory_space<vmem_shared>>)
      %dma_start3A_260 = arith.constant 0 : i32
      %dma_start3A_261 = tpu.memref_slice %arg6[%add3A_252, %dma_start3A_260] : memref<40x128xi32, #tpu.memory_space<vmem>> -> memref<1x128xi32, #tpu.memory_space<vmem>>
      %dma_start3A_262 = tpu.memref_squeeze %dma_start3A_261 : memref<1x128xi32, #tpu.memory_space<vmem>> -> memref<128xi32, #tpu.memory_space<vmem>>
      %dma_start3A_263 = arith.constant 0 : i32
      %dma_start3A_264 = arith.constant 0 : i32
      %dma_start3A_265 = tpu.memref_slice %arg2[%dma_start3A_263, %dma_start3A_264] : memref<10112x32xf32, #tpu.memory_space<hbm>> -> memref<10112x32xf32, #tpu.memory_space<hbm>>
      tpu.enqueue_indirect_dma source(%dma_start3A_265 : memref<10112x32xf32, #tpu.memory_space<hbm>>) target(%arg8 : memref<128x32xf32, #tpu.memory_space<vmem>>) offsets(%dma_start3A_262 : memref<128xi32, #tpu.memory_space<vmem>>) semaphore(%arg17 : memref<!tpu.dma_semaphore, #tpu.memory_space<semaphore_mem>>)
      %sub3A = arith.constant 4 : i32
      %sub3A_266 = arith.subi %add3A_252, %sub3A : i32
      %dma_wait3A_267 = arith.constant 0 : i32
      %dma_wait3A_268 = tpu.memref_slice %arg6[%sub3A_266, %dma_wait3A_267] : memref<40x128xi32, #tpu.memory_space<vmem>> -> memref<1x128xi32, #tpu.memory_space<vmem>>
      %dma_wait3A_269 = tpu.memref_squeeze %dma_wait3A_268 : memref<1x128xi32, #tpu.memory_space<vmem>> -> memref<128xi32, #tpu.memory_space<vmem>>
      %dma_wait3A_270 = arith.constant 0 : i32
      %dma_wait3A_271 = arith.constant 0 : i32
      %dma_wait3A_272 = tpu.memref_slice %arg2[%dma_wait3A_270, %dma_wait3A_271] : memref<10112x32xf32, #tpu.memory_space<hbm>> -> memref<10112x32xf32, #tpu.memory_space<hbm>>
      tpu.wait_indirect_dma semaphore(%arg21 : memref<!tpu.dma_semaphore, #tpu.memory_space<semaphore_mem>>) src(%dma_wait3A_272 : memref<10112x32xf32, #tpu.memory_space<hbm>>) dst(%arg12 : memref<128x32xf32, #tpu.memory_space<vmem>>)
      %sub3A_273 = arith.constant 4 : i32
      %sub3A_274 = arith.subi %add3A_252, %sub3A_273 : i32
      %dma_start3A_275 = arith.constant 0 : i32
      %dma_start3A_276 = tpu.memref_slice %arg7[%sub3A_274, %dma_start3A_275] : memref<40x128xi32, #tpu.memory_space<vmem>> -> memref<1x128xi32, #tpu.memory_space<vmem>>
      %dma_start3A_277 = tpu.memref_squeeze %dma_start3A_276 : memref<1x128xi32, #tpu.memory_space<vmem>> -> memref<128xi32, #tpu.memory_space<vmem>>
      %dma_start3A_278 = arith.constant 0 : i32
      %dma_start3A_279 = arith.constant 0 : i32
      %dma_start3A_280 = tpu.memref_slice %arg16[%dma_start3A_278, %dma_start3A_279] : memref<10112x32xf32, #tpu.memory_space<vmem_shared>> -> memref<10112x32xf32, #tpu.memory_space<vmem_shared>>
      tpu.enqueue_indirect_dma source(%arg12 : memref<128x32xf32, #tpu.memory_space<vmem>>) target(%dma_start3A_280 : memref<10112x32xf32, #tpu.memory_space<vmem_shared>>) offsets(%dma_start3A_277 : memref<128xi32, #tpu.memory_space<vmem>>) semaphore(%arg29 : memref<!tpu.dma_semaphore, #tpu.memory_space<semaphore_mem>>) {add = true}
      %mul3A_281 = arith.constant 8 : i32
      %mul3A_282 = arith.muli %mul3A_281, %scan3A_248 : i32
      %add3A_283 = arith.constant 1 : i32
      %add3A_284 = arith.addi %mul3A_282, %add3A_283 : i32
      %dma_wait3A_285 = arith.constant 0 : i32
      %dma_wait3A_286 = arith.constant 0 : i32
      %dma_wait3A_287 = tpu.memref_slice %arg7[%dma_wait3A_285, %dma_wait3A_286] : memref<40x128xi32, #tpu.memory_space<vmem>> -> memref<1x128xi32, #tpu.memory_space<vmem>>
      %dma_wait3A_288 = tpu.memref_squeeze %dma_wait3A_287 : memref<1x128xi32, #tpu.memory_space<vmem>> -> memref<128xi32, #tpu.memory_space<vmem>>
      %dma_wait3A_289 = arith.constant 0 : i32
      %dma_wait3A_290 = arith.constant 0 : i32
      %dma_wait3A_291 = tpu.memref_slice %arg16[%dma_wait3A_289, %dma_wait3A_290] : memref<10112x32xf32, #tpu.memory_space<vmem_shared>> -> memref<10112x32xf32, #tpu.memory_space<vmem_shared>>
      tpu.wait_indirect_dma semaphore(%arg26 : memref<!tpu.dma_semaphore, #tpu.memory_space<semaphore_mem>>) src(%arg9 : memref<128x32xf32, #tpu.memory_space<vmem>>) dst(%dma_wait3A_291 : memref<10112x32xf32, #tpu.memory_space<vmem_shared>>)
      %dma_start3A_292 = arith.constant 0 : i32
      %dma_start3A_293 = tpu.memref_slice %arg6[%add3A_284, %dma_start3A_292] : memref<40x128xi32, #tpu.memory_space<vmem>> -> memref<1x128xi32, #tpu.memory_space<vmem>>
      %dma_start3A_294 = tpu.memref_squeeze %dma_start3A_293 : memref<1x128xi32, #tpu.memory_space<vmem>> -> memref<128xi32, #tpu.memory_space<vmem>>
      %dma_start3A_295 = arith.constant 0 : i32
      %dma_start3A_296 = arith.constant 0 : i32
      %dma_start3A_297 = tpu.memref_slice %arg2[%dma_start3A_295, %dma_start3A_296] : memref<10112x32xf32, #tpu.memory_space<hbm>> -> memref<10112x32xf32, #tpu.memory_space<hbm>>
      tpu.enqueue_indirect_dma source(%dma_start3A_297 : memref<10112x32xf32, #tpu.memory_space<hbm>>) target(%arg9 : memref<128x32xf32, #tpu.memory_space<vmem>>) offsets(%dma_start3A_294 : memref<128xi32, #tpu.memory_space<vmem>>) semaphore(%arg18 : memref<!tpu.dma_semaphore, #tpu.memory_space<semaphore_mem>>)
      %sub3A_298 = arith.constant 4 : i32
      %sub3A_299 = arith.subi %add3A_284, %sub3A_298 : i32
      %dma_wait3A_300 = arith.constant 0 : i32
      %dma_wait3A_301 = tpu.memref_slice %arg6[%sub3A_299, %dma_wait3A_300] : memref<40x128xi32, #tpu.memory_space<vmem>> -> memref<1x128xi32, #tpu.memory_space<vmem>>
      %dma_wait3A_302 = tpu.memref_squeeze %dma_wait3A_301 : memref<1x128xi32, #tpu.memory_space<vmem>> -> memref<128xi32, #tpu.memory_space<vmem>>
      %dma_wait3A_303 = arith.constant 0 : i32
      %dma_wait3A_304 = arith.constant 0 : i32
      %dma_wait3A_305 = tpu.memref_slice %arg2[%dma_wait3A_303, %dma_wait3A_304] : memref<10112x32xf32, #tpu.memory_space<hbm>> -> memref<10112x32xf32, #tpu.memory_space<hbm>>
      tpu.wait_indirect_dma semaphore(%arg22 : memref<!tpu.dma_semaphore, #tpu.memory_space<semaphore_mem>>) src(%dma_wait3A_305 : memref<10112x32xf32, #tpu.memory_space<hbm>>) dst(%arg13 : memref<128x32xf32, #tpu.memory_space<vmem>>)
      %sub3A_306 = arith.constant 4 : i32
      %sub3A_307 = arith.subi %add3A_284, %sub3A_306 : i32
      %dma_start3A_308 = arith.constant 0 : i32
      %dma_start3A_309 = tpu.memref_slice %arg7[%sub3A_307, %dma_start3A_308] : memref<40x128xi32, #tpu.memory_space<vmem>> -> memref<1x128xi32, #tpu.memory_space<vmem>>
      %dma_start3A_310 = tpu.memref_squeeze %dma_start3A_309 : memref<1x128xi32, #tpu.memory_space<vmem>> -> memref<128xi32, #tpu.memory_space<vmem>>
      %dma_start3A_311 = arith.constant 0 : i32
      %dma_start3A_312 = arith.constant 0 : i32
      %dma_start3A_313 = tpu.memref_slice %arg16[%dma_start3A_311, %dma_start3A_312] : memref<10112x32xf32, #tpu.memory_space<vmem_shared>> -> memref<10112x32xf32, #tpu.memory_space<vmem_shared>>
      tpu.enqueue_indirect_dma source(%arg13 : memref<128x32xf32, #tpu.memory_space<vmem>>) target(%dma_start3A_313 : memref<10112x32xf32, #tpu.memory_space<vmem_shared>>) offsets(%dma_start3A_310 : memref<128xi32, #tpu.memory_space<vmem>>) semaphore(%arg30 : memref<!tpu.dma_semaphore, #tpu.memory_space<semaphore_mem>>) {add = true}
      %mul3A_314 = arith.constant 8 : i32
      %mul3A_315 = arith.muli %mul3A_314, %scan3A_248 : i32
      %add3A_316 = arith.constant 2 : i32
      %add3A_317 = arith.addi %mul3A_315, %add3A_316 : i32
      %dma_wait3A_318 = arith.constant 0 : i32
      %dma_wait3A_319 = arith.constant 0 : i32
      %dma_wait3A_320 = tpu.memref_slice %arg7[%dma_wait3A_318, %dma_wait3A_319] : memref<40x128xi32, #tpu.memory_space<vmem>> -> memref<1x128xi32, #tpu.memory_space<vmem>>
      %dma_wait3A_321 = tpu.memref_squeeze %dma_wait3A_320 : memref<1x128xi32, #tpu.memory_space<vmem>> -> memref<128xi32, #tpu.memory_space<vmem>>
      %dma_wait3A_322 = arith.constant 0 : i32
      %dma_wait3A_323 = arith.constant 0 : i32
      %dma_wait3A_324 = tpu.memref_slice %arg16[%dma_wait3A_322, %dma_wait3A_323] : memref<10112x32xf32, #tpu.memory_space<vmem_shared>> -> memref<10112x32xf32, #tpu.memory_space<vmem_shared>>
      tpu.wait_indirect_dma semaphore(%arg27 : memref<!tpu.dma_semaphore, #tpu.memory_space<semaphore_mem>>) src(%arg10 : memref<128x32xf32, #tpu.memory_space<vmem>>) dst(%dma_wait3A_324 : memref<10112x32xf32, #tpu.memory_space<vmem_shared>>)
      %dma_start3A_325 = arith.constant 0 : i32
      %dma_start3A_326 = tpu.memref_slice %arg6[%add3A_317, %dma_start3A_325] : memref<40x128xi32, #tpu.memory_space<vmem>> -> memref<1x128xi32, #tpu.memory_space<vmem>>
      %dma_start3A_327 = tpu.memref_squeeze %dma_start3A_326 : memref<1x128xi32, #tpu.memory_space<vmem>> -> memref<128xi32, #tpu.memory_space<vmem>>
      %dma_start3A_328 = arith.constant 0 : i32
      %dma_start3A_329 = arith.constant 0 : i32
      %dma_start3A_330 = tpu.memref_slice %arg2[%dma_start3A_328, %dma_start3A_329] : memref<10112x32xf32, #tpu.memory_space<hbm>> -> memref<10112x32xf32, #tpu.memory_space<hbm>>
      tpu.enqueue_indirect_dma source(%dma_start3A_330 : memref<10112x32xf32, #tpu.memory_space<hbm>>) target(%arg10 : memref<128x32xf32, #tpu.memory_space<vmem>>) offsets(%dma_start3A_327 : memref<128xi32, #tpu.memory_space<vmem>>) semaphore(%arg19 : memref<!tpu.dma_semaphore, #tpu.memory_space<semaphore_mem>>)
      %sub3A_331 = arith.constant 4 : i32
      %sub3A_332 = arith.subi %add3A_317, %sub3A_331 : i32
      %dma_wait3A_333 = arith.constant 0 : i32
      %dma_wait3A_334 = tpu.memref_slice %arg6[%sub3A_332, %dma_wait3A_333] : memref<40x128xi32, #tpu.memory_space<vmem>> -> memref<1x128xi32, #tpu.memory_space<vmem>>
      %dma_wait3A_335 = tpu.memref_squeeze %dma_wait3A_334 : memref<1x128xi32, #tpu.memory_space<vmem>> -> memref<128xi32, #tpu.memory_space<vmem>>
      %dma_wait3A_336 = arith.constant 0 : i32
      %dma_wait3A_337 = arith.constant 0 : i32
      %dma_wait3A_338 = tpu.memref_slice %arg2[%dma_wait3A_336, %dma_wait3A_337] : memref<10112x32xf32, #tpu.memory_space<hbm>> -> memref<10112x32xf32, #tpu.memory_space<hbm>>
      tpu.wait_indirect_dma semaphore(%arg23 : memref<!tpu.dma_semaphore, #tpu.memory_space<semaphore_mem>>) src(%dma_wait3A_338 : memref<10112x32xf32, #tpu.memory_space<hbm>>) dst(%arg14 : memref<128x32xf32, #tpu.memory_space<vmem>>)
      %sub3A_339 = arith.constant 4 : i32
      %sub3A_340 = arith.subi %add3A_317, %sub3A_339 : i32
      %dma_start3A_341 = arith.constant 0 : i32
      %dma_start3A_342 = tpu.memref_slice %arg7[%sub3A_340, %dma_start3A_341] : memref<40x128xi32, #tpu.memory_space<vmem>> -> memref<1x128xi32, #tpu.memory_space<vmem>>
      %dma_start3A_343 = tpu.memref_squeeze %dma_start3A_342 : memref<1x128xi32, #tpu.memory_space<vmem>> -> memref<128xi32, #tpu.memory_space<vmem>>
      %dma_start3A_344 = arith.constant 0 : i32
      %dma_start3A_345 = arith.constant 0 : i32
      %dma_start3A_346 = tpu.memref_slice %arg16[%dma_start3A_344, %dma_start3A_345] : memref<10112x32xf32, #tpu.memory_space<vmem_shared>> -> memref<10112x32xf32, #tpu.memory_space<vmem_shared>>
      tpu.enqueue_indirect_dma source(%arg14 : memref<128x32xf32, #tpu.memory_space<vmem>>) target(%dma_start3A_346 : memref<10112x32xf32, #tpu.memory_space<vmem_shared>>) offsets(%dma_start3A_343 : memref<128xi32, #tpu.memory_space<vmem>>) semaphore(%arg31 : memref<!tpu.dma_semaphore, #tpu.memory_space<semaphore_mem>>) {add = true}
      %mul3A_347 = arith.constant 8 : i32
      %mul3A_348 = arith.muli %mul3A_347, %scan3A_248 : i32
      %add3A_349 = arith.constant 3 : i32
      %add3A_350 = arith.addi %mul3A_348, %add3A_349 : i32
      %dma_wait3A_351 = arith.constant 0 : i32
      %dma_wait3A_352 = arith.constant 0 : i32
      %dma_wait3A_353 = tpu.memref_slice %arg7[%dma_wait3A_351, %dma_wait3A_352] : memref<40x128xi32, #tpu.memory_space<vmem>> -> memref<1x128xi32, #tpu.memory_space<vmem>>
      %dma_wait3A_354 = tpu.memref_squeeze %dma_wait3A_353 : memref<1x128xi32, #tpu.memory_space<vmem>> -> memref<128xi32, #tpu.memory_space<vmem>>
      %dma_wait3A_355 = arith.constant 0 : i32
      %dma_wait3A_356 = arith.constant 0 : i32
      %dma_wait3A_357 = tpu.memref_slice %arg16[%dma_wait3A_355, %dma_wait3A_356] : memref<10112x32xf32, #tpu.memory_space<vmem_shared>> -> memref<10112x32xf32, #tpu.memory_space<vmem_shared>>
      tpu.wait_indirect_dma semaphore(%arg28 : memref<!tpu.dma_semaphore, #tpu.memory_space<semaphore_mem>>) src(%arg11 : memref<128x32xf32, #tpu.memory_space<vmem>>) dst(%dma_wait3A_357 : memref<10112x32xf32, #tpu.memory_space<vmem_shared>>)
      %dma_start3A_358 = arith.constant 0 : i32
      %dma_start3A_359 = tpu.memref_slice %arg6[%add3A_350, %dma_start3A_358] : memref<40x128xi32, #tpu.memory_space<vmem>> -> memref<1x128xi32, #tpu.memory_space<vmem>>
      %dma_start3A_360 = tpu.memref_squeeze %dma_start3A_359 : memref<1x128xi32, #tpu.memory_space<vmem>> -> memref<128xi32, #tpu.memory_space<vmem>>
      %dma_start3A_361 = arith.constant 0 : i32
      %dma_start3A_362 = arith.constant 0 : i32
      %dma_start3A_363 = tpu.memref_slice %arg2[%dma_start3A_361, %dma_start3A_362] : memref<10112x32xf32, #tpu.memory_space<hbm>> -> memref<10112x32xf32, #tpu.memory_space<hbm>>
      tpu.enqueue_indirect_dma source(%dma_start3A_363 : memref<10112x32xf32, #tpu.memory_space<hbm>>) target(%arg11 : memref<128x32xf32, #tpu.memory_space<vmem>>) offsets(%dma_start3A_360 : memref<128xi32, #tpu.memory_space<vmem>>) semaphore(%arg20 : memref<!tpu.dma_semaphore, #tpu.memory_space<semaphore_mem>>)
      %sub3A_364 = arith.constant 4 : i32
      %sub3A_365 = arith.subi %add3A_350, %sub3A_364 : i32
      %dma_wait3A_366 = arith.constant 0 : i32
      %dma_wait3A_367 = tpu.memref_slice %arg6[%sub3A_365, %dma_wait3A_366] : memref<40x128xi32, #tpu.memory_space<vmem>> -> memref<1x128xi32, #tpu.memory_space<vmem>>
      %dma_wait3A_368 = tpu.memref_squeeze %dma_wait3A_367 : memref<1x128xi32, #tpu.memory_space<vmem>> -> memref<128xi32, #tpu.memory_space<vmem>>
      %dma_wait3A_369 = arith.constant 0 : i32
      %dma_wait3A_370 = arith.constant 0 : i32
      %dma_wait3A_371 = tpu.memref_slice %arg2[%dma_wait3A_369, %dma_wait3A_370] : memref<10112x32xf32, #tpu.memory_space<hbm>> -> memref<10112x32xf32, #tpu.memory_space<hbm>>
      tpu.wait_indirect_dma semaphore(%arg24 : memref<!tpu.dma_semaphore, #tpu.memory_space<semaphore_mem>>) src(%dma_wait3A_371 : memref<10112x32xf32, #tpu.memory_space<hbm>>) dst(%arg15 : memref<128x32xf32, #tpu.memory_space<vmem>>)
      %sub3A_372 = arith.constant 4 : i32
      %sub3A_373 = arith.subi %add3A_350, %sub3A_372 : i32
      %dma_start3A_374 = arith.constant 0 : i32
      %dma_start3A_375 = tpu.memref_slice %arg7[%sub3A_373, %dma_start3A_374] : memref<40x128xi32, #tpu.memory_space<vmem>> -> memref<1x128xi32, #tpu.memory_space<vmem>>
      %dma_start3A_376 = tpu.memref_squeeze %dma_start3A_375 : memref<1x128xi32, #tpu.memory_space<vmem>> -> memref<128xi32, #tpu.memory_space<vmem>>
      %dma_start3A_377 = arith.constant 0 : i32
      %dma_start3A_378 = arith.constant 0 : i32
      %dma_start3A_379 = tpu.memref_slice %arg16[%dma_start3A_377, %dma_start3A_378] : memref<10112x32xf32, #tpu.memory_space<vmem_shared>> -> memref<10112x32xf32, #tpu.memory_space<vmem_shared>>
      tpu.enqueue_indirect_dma source(%arg15 : memref<128x32xf32, #tpu.memory_space<vmem>>) target(%dma_start3A_379 : memref<10112x32xf32, #tpu.memory_space<vmem_shared>>) offsets(%dma_start3A_376 : memref<128xi32, #tpu.memory_space<vmem>>) semaphore(%arg32 : memref<!tpu.dma_semaphore, #tpu.memory_space<semaphore_mem>>) {add = true}
      %mul3A_380 = arith.constant 8 : i32
      %mul3A_381 = arith.muli %mul3A_380, %scan3A_248 : i32
      %add3A_382 = arith.constant 4 : i32
      %add3A_383 = arith.addi %mul3A_381, %add3A_382 : i32
      %dma_wait3A_384 = arith.constant 0 : i32
      %dma_wait3A_385 = arith.constant 0 : i32
      %dma_wait3A_386 = tpu.memref_slice %arg7[%dma_wait3A_384, %dma_wait3A_385] : memref<40x128xi32, #tpu.memory_space<vmem>> -> memref<1x128xi32, #tpu.memory_space<vmem>>
      %dma_wait3A_387 = tpu.memref_squeeze %dma_wait3A_386 : memref<1x128xi32, #tpu.memory_space<vmem>> -> memref<128xi32, #tpu.memory_space<vmem>>
      %dma_wait3A_388 = arith.constant 0 : i32
      %dma_wait3A_389 = arith.constant 0 : i32
      %dma_wait3A_390 = tpu.memref_slice %arg16[%dma_wait3A_388, %dma_wait3A_389] : memref<10112x32xf32, #tpu.memory_space<vmem_shared>> -> memref<10112x32xf32, #tpu.memory_space<vmem_shared>>
      tpu.wait_indirect_dma semaphore(%arg29 : memref<!tpu.dma_semaphore, #tpu.memory_space<semaphore_mem>>) src(%arg12 : memref<128x32xf32, #tpu.memory_space<vmem>>) dst(%dma_wait3A_390 : memref<10112x32xf32, #tpu.memory_space<vmem_shared>>)
      %dma_start3A_391 = arith.constant 0 : i32
      %dma_start3A_392 = tpu.memref_slice %arg6[%add3A_383, %dma_start3A_391] : memref<40x128xi32, #tpu.memory_space<vmem>> -> memref<1x128xi32, #tpu.memory_space<vmem>>
      %dma_start3A_393 = tpu.memref_squeeze %dma_start3A_392 : memref<1x128xi32, #tpu.memory_space<vmem>> -> memref<128xi32, #tpu.memory_space<vmem>>
      %dma_start3A_394 = arith.constant 0 : i32
      %dma_start3A_395 = arith.constant 0 : i32
      %dma_start3A_396 = tpu.memref_slice %arg2[%dma_start3A_394, %dma_start3A_395] : memref<10112x32xf32, #tpu.memory_space<hbm>> -> memref<10112x32xf32, #tpu.memory_space<hbm>>
      tpu.enqueue_indirect_dma source(%dma_start3A_396 : memref<10112x32xf32, #tpu.memory_space<hbm>>) target(%arg12 : memref<128x32xf32, #tpu.memory_space<vmem>>) offsets(%dma_start3A_393 : memref<128xi32, #tpu.memory_space<vmem>>) semaphore(%arg21 : memref<!tpu.dma_semaphore, #tpu.memory_space<semaphore_mem>>)
      %sub3A_397 = arith.constant 4 : i32
      %sub3A_398 = arith.subi %add3A_383, %sub3A_397 : i32
      %dma_wait3A_399 = arith.constant 0 : i32
      %dma_wait3A_400 = tpu.memref_slice %arg6[%sub3A_398, %dma_wait3A_399] : memref<40x128xi32, #tpu.memory_space<vmem>> -> memref<1x128xi32, #tpu.memory_space<vmem>>
      %dma_wait3A_401 = tpu.memref_squeeze %dma_wait3A_400 : memref<1x128xi32, #tpu.memory_space<vmem>> -> memref<128xi32, #tpu.memory_space<vmem>>
      %dma_wait3A_402 = arith.constant 0 : i32
      %dma_wait3A_403 = arith.constant 0 : i32
      %dma_wait3A_404 = tpu.memref_slice %arg2[%dma_wait3A_402, %dma_wait3A_403] : memref<10112x32xf32, #tpu.memory_space<hbm>> -> memref<10112x32xf32, #tpu.memory_space<hbm>>
      tpu.wait_indirect_dma semaphore(%arg17 : memref<!tpu.dma_semaphore, #tpu.memory_space<semaphore_mem>>) src(%dma_wait3A_404 : memref<10112x32xf32, #tpu.memory_space<hbm>>) dst(%arg8 : memref<128x32xf32, #tpu.memory_space<vmem>>)
      %sub3A_405 = arith.constant 4 : i32
      %sub3A_406 = arith.subi %add3A_383, %sub3A_405 : i32
      %dma_start3A_407 = arith.constant 0 : i32
      %dma_start3A_408 = tpu.memref_slice %arg7[%sub3A_406, %dma_start3A_407] : memref<40x128xi32, #tpu.memory_space<vmem>> -> memref<1x128xi32, #tpu.memory_space<vmem>>
      %dma_start3A_409 = tpu.memref_squeeze %dma_start3A_408 : memref<1x128xi32, #tpu.memory_space<vmem>> -> memref<128xi32, #tpu.memory_space<vmem>>
      %dma_start3A_410 = arith.constant 0 : i32
      %dma_start3A_411 = arith.constant 0 : i32
      %dma_start3A_412 = tpu.memref_slice %arg16[%dma_start3A_410, %dma_start3A_411] : memref<10112x32xf32, #tpu.memory_space<vmem_shared>> -> memref<10112x32xf32, #tpu.memory_space<vmem_shared>>
      tpu.enqueue_indirect_dma source(%arg8 : memref<128x32xf32, #tpu.memory_space<vmem>>) target(%dma_start3A_412 : memref<10112x32xf32, #tpu.memory_space<vmem_shared>>) offsets(%dma_start3A_409 : memref<128xi32, #tpu.memory_space<vmem>>) semaphore(%arg25 : memref<!tpu.dma_semaphore, #tpu.memory_space<semaphore_mem>>) {add = true}
      %mul3A_413 = arith.constant 8 : i32
      %mul3A_414 = arith.muli %mul3A_413, %scan3A_248 : i32
      %add3A_415 = arith.constant 5 : i32
      %add3A_416 = arith.addi %mul3A_414, %add3A_415 : i32
      %dma_wait3A_417 = arith.constant 0 : i32
      %dma_wait3A_418 = arith.constant 0 : i32
      %dma_wait3A_419 = tpu.memref_slice %arg7[%dma_wait3A_417, %dma_wait3A_418] : memref<40x128xi32, #tpu.memory_space<vmem>> -> memref<1x128xi32, #tpu.memory_space<vmem>>
      %dma_wait3A_420 = tpu.memref_squeeze %dma_wait3A_419 : memref<1x128xi32, #tpu.memory_space<vmem>> -> memref<128xi32, #tpu.memory_space<vmem>>
      %dma_wait3A_421 = arith.constant 0 : i32
      %dma_wait3A_422 = arith.constant 0 : i32
      %dma_wait3A_423 = tpu.memref_slice %arg16[%dma_wait3A_421, %dma_wait3A_422] : memref<10112x32xf32, #tpu.memory_space<vmem_shared>> -> memref<10112x32xf32, #tpu.memory_space<vmem_shared>>
      tpu.wait_indirect_dma semaphore(%arg30 : memref<!tpu.dma_semaphore, #tpu.memory_space<semaphore_mem>>) src(%arg13 : memref<128x32xf32, #tpu.memory_space<vmem>>) dst(%dma_wait3A_423 : memref<10112x32xf32, #tpu.memory_space<vmem_shared>>)
      %dma_start3A_424 = arith.constant 0 : i32
      %dma_start3A_425 = tpu.memref_slice %arg6[%add3A_416, %dma_start3A_424] : memref<40x128xi32, #tpu.memory_space<vmem>> -> memref<1x128xi32, #tpu.memory_space<vmem>>
      %dma_start3A_426 = tpu.memref_squeeze %dma_start3A_425 : memref<1x128xi32, #tpu.memory_space<vmem>> -> memref<128xi32, #tpu.memory_space<vmem>>
      %dma_start3A_427 = arith.constant 0 : i32
      %dma_start3A_428 = arith.constant 0 : i32
      %dma_start3A_429 = tpu.memref_slice %arg2[%dma_start3A_427, %dma_start3A_428] : memref<10112x32xf32, #tpu.memory_space<hbm>> -> memref<10112x32xf32, #tpu.memory_space<hbm>>
      tpu.enqueue_indirect_dma source(%dma_start3A_429 : memref<10112x32xf32, #tpu.memory_space<hbm>>) target(%arg13 : memref<128x32xf32, #tpu.memory_space<vmem>>) offsets(%dma_start3A_426 : memref<128xi32, #tpu.memory_space<vmem>>) semaphore(%arg22 : memref<!tpu.dma_semaphore, #tpu.memory_space<semaphore_mem>>)
      %sub3A_430 = arith.constant 4 : i32
      %sub3A_431 = arith.subi %add3A_416, %sub3A_430 : i32
      %dma_wait3A_432 = arith.constant 0 : i32
      %dma_wait3A_433 = tpu.memref_slice %arg6[%sub3A_431, %dma_wait3A_432] : memref<40x128xi32, #tpu.memory_space<vmem>> -> memref<1x128xi32, #tpu.memory_space<vmem>>
      %dma_wait3A_434 = tpu.memref_squeeze %dma_wait3A_433 : memref<1x128xi32, #tpu.memory_space<vmem>> -> memref<128xi32, #tpu.memory_space<vmem>>
      %dma_wait3A_435 = arith.constant 0 : i32
      %dma_wait3A_436 = arith.constant 0 : i32
      %dma_wait3A_437 = tpu.memref_slice %arg2[%dma_wait3A_435, %dma_wait3A_436] : memref<10112x32xf32, #tpu.memory_space<hbm>> -> memref<10112x32xf32, #tpu.memory_space<hbm>>
      tpu.wait_indirect_dma semaphore(%arg18 : memref<!tpu.dma_semaphore, #tpu.memory_space<semaphore_mem>>) src(%dma_wait3A_437 : memref<10112x32xf32, #tpu.memory_space<hbm>>) dst(%arg9 : memref<128x32xf32, #tpu.memory_space<vmem>>)
      %sub3A_438 = arith.constant 4 : i32
      %sub3A_439 = arith.subi %add3A_416, %sub3A_438 : i32
      %dma_start3A_440 = arith.constant 0 : i32
      %dma_start3A_441 = tpu.memref_slice %arg7[%sub3A_439, %dma_start3A_440] : memref<40x128xi32, #tpu.memory_space<vmem>> -> memref<1x128xi32, #tpu.memory_space<vmem>>
      %dma_start3A_442 = tpu.memref_squeeze %dma_start3A_441 : memref<1x128xi32, #tpu.memory_space<vmem>> -> memref<128xi32, #tpu.memory_space<vmem>>
      %dma_start3A_443 = arith.constant 0 : i32
      %dma_start3A_444 = arith.constant 0 : i32
      %dma_start3A_445 = tpu.memref_slice %arg16[%dma_start3A_443, %dma_start3A_444] : memref<10112x32xf32, #tpu.memory_space<vmem_shared>> -> memref<10112x32xf32, #tpu.memory_space<vmem_shared>>
      tpu.enqueue_indirect_dma source(%arg9 : memref<128x32xf32, #tpu.memory_space<vmem>>) target(%dma_start3A_445 : memref<10112x32xf32, #tpu.memory_space<vmem_shared>>) offsets(%dma_start3A_442 : memref<128xi32, #tpu.memory_space<vmem>>) semaphore(%arg26 : memref<!tpu.dma_semaphore, #tpu.memory_space<semaphore_mem>>) {add = true}
      %mul3A_446 = arith.constant 8 : i32
      %mul3A_447 = arith.muli %mul3A_446, %scan3A_248 : i32
      %add3A_448 = arith.constant 6 : i32
      %add3A_449 = arith.addi %mul3A_447, %add3A_448 : i32
      %dma_wait3A_450 = arith.constant 0 : i32
      %dma_wait3A_451 = arith.constant 0 : i32
      %dma_wait3A_452 = tpu.memref_slice %arg7[%dma_wait3A_450, %dma_wait3A_451] : memref<40x128xi32, #tpu.memory_space<vmem>> -> memref<1x128xi32, #tpu.memory_space<vmem>>
      %dma_wait3A_453 = tpu.memref_squeeze %dma_wait3A_452 : memref<1x128xi32, #tpu.memory_space<vmem>> -> memref<128xi32, #tpu.memory_space<vmem>>
      %dma_wait3A_454 = arith.constant 0 : i32
      %dma_wait3A_455 = arith.constant 0 : i32
      %dma_wait3A_456 = tpu.memref_slice %arg16[%dma_wait3A_454, %dma_wait3A_455] : memref<10112x32xf32, #tpu.memory_space<vmem_shared>> -> memref<10112x32xf32, #tpu.memory_space<vmem_shared>>
      tpu.wait_indirect_dma semaphore(%arg31 : memref<!tpu.dma_semaphore, #tpu.memory_space<semaphore_mem>>) src(%arg14 : memref<128x32xf32, #tpu.memory_space<vmem>>) dst(%dma_wait3A_456 : memref<10112x32xf32, #tpu.memory_space<vmem_shared>>)
      %dma_start3A_457 = arith.constant 0 : i32
      %dma_start3A_458 = tpu.memref_slice %arg6[%add3A_449, %dma_start3A_457] : memref<40x128xi32, #tpu.memory_space<vmem>> -> memref<1x128xi32, #tpu.memory_space<vmem>>
      %dma_start3A_459 = tpu.memref_squeeze %dma_start3A_458 : memref<1x128xi32, #tpu.memory_space<vmem>> -> memref<128xi32, #tpu.memory_space<vmem>>
      %dma_start3A_460 = arith.constant 0 : i32
      %dma_start3A_461 = arith.constant 0 : i32
      %dma_start3A_462 = tpu.memref_slice %arg2[%dma_start3A_460, %dma_start3A_461] : memref<10112x32xf32, #tpu.memory_space<hbm>> -> memref<10112x32xf32, #tpu.memory_space<hbm>>
      tpu.enqueue_indirect_dma source(%dma_start3A_462 : memref<10112x32xf32, #tpu.memory_space<hbm>>) target(%arg14 : memref<128x32xf32, #tpu.memory_space<vmem>>) offsets(%dma_start3A_459 : memref<128xi32, #tpu.memory_space<vmem>>) semaphore(%arg23 : memref<!tpu.dma_semaphore, #tpu.memory_space<semaphore_mem>>)
      %sub3A_463 = arith.constant 4 : i32
      %sub3A_464 = arith.subi %add3A_449, %sub3A_463 : i32
      %dma_wait3A_465 = arith.constant 0 : i32
      %dma_wait3A_466 = tpu.memref_slice %arg6[%sub3A_464, %dma_wait3A_465] : memref<40x128xi32, #tpu.memory_space<vmem>> -> memref<1x128xi32, #tpu.memory_space<vmem>>
      %dma_wait3A_467 = tpu.memref_squeeze %dma_wait3A_466 : memref<1x128xi32, #tpu.memory_space<vmem>> -> memref<128xi32, #tpu.memory_space<vmem>>
      %dma_wait3A_468 = arith.constant 0 : i32
      %dma_wait3A_469 = arith.constant 0 : i32
      %dma_wait3A_470 = tpu.memref_slice %arg2[%dma_wait3A_468, %dma_wait3A_469] : memref<10112x32xf32, #tpu.memory_space<hbm>> -> memref<10112x32xf32, #tpu.memory_space<hbm>>
      tpu.wait_indirect_dma semaphore(%arg19 : memref<!tpu.dma_semaphore, #tpu.memory_space<semaphore_mem>>) src(%dma_wait3A_470 : memref<10112x32xf32, #tpu.memory_space<hbm>>) dst(%arg10 : memref<128x32xf32, #tpu.memory_space<vmem>>)
      %sub3A_471 = arith.constant 4 : i32
      %sub3A_472 = arith.subi %add3A_449, %sub3A_471 : i32
      %dma_start3A_473 = arith.constant 0 : i32
      %dma_start3A_474 = tpu.memref_slice %arg7[%sub3A_472, %dma_start3A_473] : memref<40x128xi32, #tpu.memory_space<vmem>> -> memref<1x128xi32, #tpu.memory_space<vmem>>
      %dma_start3A_475 = tpu.memref_squeeze %dma_start3A_474 : memref<1x128xi32, #tpu.memory_space<vmem>> -> memref<128xi32, #tpu.memory_space<vmem>>
      %dma_start3A_476 = arith.constant 0 : i32
      %dma_start3A_477 = arith.constant 0 : i32
      %dma_start3A_478 = tpu.memref_slice %arg16[%dma_start3A_476, %dma_start3A_477] : memref<10112x32xf32, #tpu.memory_space<vmem_shared>> -> memref<10112x32xf32, #tpu.memory_space<vmem_shared>>
      tpu.enqueue_indirect_dma source(%arg10 : memref<128x32xf32, #tpu.memory_space<vmem>>) target(%dma_start3A_478 : memref<10112x32xf32, #tpu.memory_space<vmem_shared>>) offsets(%dma_start3A_475 : memref<128xi32, #tpu.memory_space<vmem>>) semaphore(%arg27 : memref<!tpu.dma_semaphore, #tpu.memory_space<semaphore_mem>>) {add = true}
      %mul3A_479 = arith.constant 8 : i32
      %mul3A_480 = arith.muli %mul3A_479, %scan3A_248 : i32
      %add3A_481 = arith.constant 7 : i32
      %add3A_482 = arith.addi %mul3A_480, %add3A_481 : i32
      %dma_wait3A_483 = arith.constant 0 : i32
      %dma_wait3A_484 = arith.constant 0 : i32
      %dma_wait3A_485 = tpu.memref_slice %arg7[%dma_wait3A_483, %dma_wait3A_484] : memref<40x128xi32, #tpu.memory_space<vmem>> -> memref<1x128xi32, #tpu.memory_space<vmem>>
      %dma_wait3A_486 = tpu.memref_squeeze %dma_wait3A_485 : memref<1x128xi32, #tpu.memory_space<vmem>> -> memref<128xi32, #tpu.memory_space<vmem>>
      %dma_wait3A_487 = arith.constant 0 : i32
      %dma_wait3A_488 = arith.constant 0 : i32
      %dma_wait3A_489 = tpu.memref_slice %arg16[%dma_wait3A_487, %dma_wait3A_488] : memref<10112x32xf32, #tpu.memory_space<vmem_shared>> -> memref<10112x32xf32, #tpu.memory_space<vmem_shared>>
      tpu.wait_indirect_dma semaphore(%arg32 : memref<!tpu.dma_semaphore, #tpu.memory_space<semaphore_mem>>) src(%arg15 : memref<128x32xf32, #tpu.memory_space<vmem>>) dst(%dma_wait3A_489 : memref<10112x32xf32, #tpu.memory_space<vmem_shared>>)
      %dma_start3A_490 = arith.constant 0 : i32
      %dma_start3A_491 = tpu.memref_slice %arg6[%add3A_482, %dma_start3A_490] : memref<40x128xi32, #tpu.memory_space<vmem>> -> memref<1x128xi32, #tpu.memory_space<vmem>>
      %dma_start3A_492 = tpu.memref_squeeze %dma_start3A_491 : memref<1x128xi32, #tpu.memory_space<vmem>> -> memref<128xi32, #tpu.memory_space<vmem>>
      %dma_start3A_493 = arith.constant 0 : i32
      %dma_start3A_494 = arith.constant 0 : i32
      %dma_start3A_495 = tpu.memref_slice %arg2[%dma_start3A_493, %dma_start3A_494] : memref<10112x32xf32, #tpu.memory_space<hbm>> -> memref<10112x32xf32, #tpu.memory_space<hbm>>
      tpu.enqueue_indirect_dma source(%dma_start3A_495 : memref<10112x32xf32, #tpu.memory_space<hbm>>) target(%arg15 : memref<128x32xf32, #tpu.memory_space<vmem>>) offsets(%dma_start3A_492 : memref<128xi32, #tpu.memory_space<vmem>>) semaphore(%arg24 : memref<!tpu.dma_semaphore, #tpu.memory_space<semaphore_mem>>)
      %sub3A_496 = arith.constant 4 : i32
      %sub3A_497 = arith.subi %add3A_482, %sub3A_496 : i32
      %dma_wait3A_498 = arith.constant 0 : i32
      %dma_wait3A_499 = tpu.memref_slice %arg6[%sub3A_497, %dma_wait3A_498] : memref<40x128xi32, #tpu.memory_space<vmem>> -> memref<1x128xi32, #tpu.memory_space<vmem>>
      %dma_wait3A_500 = tpu.memref_squeeze %dma_wait3A_499 : memref<1x128xi32, #tpu.memory_space<vmem>> -> memref<128xi32, #tpu.memory_space<vmem>>
      %dma_wait3A_501 = arith.constant 0 : i32
      %dma_wait3A_502 = arith.constant 0 : i32
      %dma_wait3A_503 = tpu.memref_slice %arg2[%dma_wait3A_501, %dma_wait3A_502] : memref<10112x32xf32, #tpu.memory_space<hbm>> -> memref<10112x32xf32, #tpu.memory_space<hbm>>
      tpu.wait_indirect_dma semaphore(%arg20 : memref<!tpu.dma_semaphore, #tpu.memory_space<semaphore_mem>>) src(%dma_wait3A_503 : memref<10112x32xf32, #tpu.memory_space<hbm>>) dst(%arg11 : memref<128x32xf32, #tpu.memory_space<vmem>>)
      %sub3A_504 = arith.constant 4 : i32
      %sub3A_505 = arith.subi %add3A_482, %sub3A_504 : i32
      %dma_start3A_506 = arith.constant 0 : i32
      %dma_start3A_507 = tpu.memref_slice %arg7[%sub3A_505, %dma_start3A_506] : memref<40x128xi32, #tpu.memory_space<vmem>> -> memref<1x128xi32, #tpu.memory_space<vmem>>
      %dma_start3A_508 = tpu.memref_squeeze %dma_start3A_507 : memref<1x128xi32, #tpu.memory_space<vmem>> -> memref<128xi32, #tpu.memory_space<vmem>>
      %dma_start3A_509 = arith.constant 0 : i32
      %dma_start3A_510 = arith.constant 0 : i32
      %dma_start3A_511 = tpu.memref_slice %arg16[%dma_start3A_509, %dma_start3A_510] : memref<10112x32xf32, #tpu.memory_space<vmem_shared>> -> memref<10112x32xf32, #tpu.memory_space<vmem_shared>>
      tpu.enqueue_indirect_dma source(%arg11 : memref<128x32xf32, #tpu.memory_space<vmem>>) target(%dma_start3A_511 : memref<10112x32xf32, #tpu.memory_space<vmem_shared>>) offsets(%dma_start3A_508 : memref<128xi32, #tpu.memory_space<vmem>>) semaphore(%arg28 : memref<!tpu.dma_semaphore, #tpu.memory_space<semaphore_mem>>) {add = true}
    }
    %scan3A_130 = arith.constant 4 : i32
    %dma_wait3A_131 = arith.constant 36 : i32
    %dma_wait3A_132 = arith.constant 0 : i32
    %dma_wait3A_133 = tpu.memref_slice %arg6[%dma_wait3A_131, %dma_wait3A_132] : memref<40x128xi32, #tpu.memory_space<vmem>> -> memref<1x128xi32, #tpu.memory_space<vmem>>
    %dma_wait3A_134 = tpu.memref_squeeze %dma_wait3A_133 : memref<1x128xi32, #tpu.memory_space<vmem>> -> memref<128xi32, #tpu.memory_space<vmem>>
    %dma_wait3A_135 = arith.constant 0 : i32
    %dma_wait3A_136 = arith.constant 0 : i32
    %dma_wait3A_137 = tpu.memref_slice %arg2[%dma_wait3A_135, %dma_wait3A_136] : memref<10112x32xf32, #tpu.memory_space<hbm>> -> memref<10112x32xf32, #tpu.memory_space<hbm>>
    tpu.wait_indirect_dma semaphore(%arg21 : memref<!tpu.dma_semaphore, #tpu.memory_space<semaphore_mem>>) src(%dma_wait3A_137 : memref<10112x32xf32, #tpu.memory_space<hbm>>) dst(%arg12 : memref<128x32xf32, #tpu.memory_space<vmem>>)
    %dma_start3A_138 = arith.constant 36 : i32
    %dma_start3A_139 = arith.constant 0 : i32
    %dma_start3A_140 = tpu.memref_slice %arg7[%dma_start3A_138, %dma_start3A_139] : memref<40x128xi32, #tpu.memory_space<vmem>> -> memref<1x128xi32, #tpu.memory_space<vmem>>
    %dma_start3A_141 = tpu.memref_squeeze %dma_start3A_140 : memref<1x128xi32, #tpu.memory_space<vmem>> -> memref<128xi32, #tpu.memory_space<vmem>>
    %dma_start3A_142 = arith.constant 0 : i32
    %dma_start3A_143 = arith.constant 0 : i32
    %dma_start3A_144 = tpu.memref_slice %arg16[%dma_start3A_142, %dma_start3A_143] : memref<10112x32xf32, #tpu.memory_space<vmem_shared>> -> memref<10112x32xf32, #tpu.memory_space<vmem_shared>>
    tpu.enqueue_indirect_dma source(%arg12 : memref<128x32xf32, #tpu.memory_space<vmem>>) target(%dma_start3A_144 : memref<10112x32xf32, #tpu.memory_space<vmem_shared>>) offsets(%dma_start3A_141 : memref<128xi32, #tpu.memory_space<vmem>>) semaphore(%arg29 : memref<!tpu.dma_semaphore, #tpu.memory_space<semaphore_mem>>) {add = true}
    %dma_wait3A_145 = arith.constant 37 : i32
    %dma_wait3A_146 = arith.constant 0 : i32
    %dma_wait3A_147 = tpu.memref_slice %arg6[%dma_wait3A_145, %dma_wait3A_146] : memref<40x128xi32, #tpu.memory_space<vmem>> -> memref<1x128xi32, #tpu.memory_space<vmem>>
    %dma_wait3A_148 = tpu.memref_squeeze %dma_wait3A_147 : memref<1x128xi32, #tpu.memory_space<vmem>> -> memref<128xi32, #tpu.memory_space<vmem>>
    %dma_wait3A_149 = arith.constant 0 : i32
    %dma_wait3A_150 = arith.constant 0 : i32
    %dma_wait3A_151 = tpu.memref_slice %arg2[%dma_wait3A_149, %dma_wait3A_150] : memref<10112x32xf32, #tpu.memory_space<hbm>> -> memref<10112x32xf32, #tpu.memory_space<hbm>>
    tpu.wait_indirect_dma semaphore(%arg22 : memref<!tpu.dma_semaphore, #tpu.memory_space<semaphore_mem>>) src(%dma_wait3A_151 : memref<10112x32xf32, #tpu.memory_space<hbm>>) dst(%arg13 : memref<128x32xf32, #tpu.memory_space<vmem>>)
    %dma_start3A_152 = arith.constant 37 : i32
    %dma_start3A_153 = arith.constant 0 : i32
    %dma_start3A_154 = tpu.memref_slice %arg7[%dma_start3A_152, %dma_start3A_153] : memref<40x128xi32, #tpu.memory_space<vmem>> -> memref<1x128xi32, #tpu.memory_space<vmem>>
    %dma_start3A_155 = tpu.memref_squeeze %dma_start3A_154 : memref<1x128xi32, #tpu.memory_space<vmem>> -> memref<128xi32, #tpu.memory_space<vmem>>
    %dma_start3A_156 = arith.constant 0 : i32
    %dma_start3A_157 = arith.constant 0 : i32
    %dma_start3A_158 = tpu.memref_slice %arg16[%dma_start3A_156, %dma_start3A_157] : memref<10112x32xf32, #tpu.memory_space<vmem_shared>> -> memref<10112x32xf32, #tpu.memory_space<vmem_shared>>
    tpu.enqueue_indirect_dma source(%arg13 : memref<128x32xf32, #tpu.memory_space<vmem>>) target(%dma_start3A_158 : memref<10112x32xf32, #tpu.memory_space<vmem_shared>>) offsets(%dma_start3A_155 : memref<128xi32, #tpu.memory_space<vmem>>) semaphore(%arg30 : memref<!tpu.dma_semaphore, #tpu.memory_space<semaphore_mem>>) {add = true}
    %dma_wait3A_159 = arith.constant 38 : i32
    %dma_wait3A_160 = arith.constant 0 : i32
    %dma_wait3A_161 = tpu.memref_slice %arg6[%dma_wait3A_159, %dma_wait3A_160] : memref<40x128xi32, #tpu.memory_space<vmem>> -> memref<1x128xi32, #tpu.memory_space<vmem>>
    %dma_wait3A_162 = tpu.memref_squeeze %dma_wait3A_161 : memref<1x128xi32, #tpu.memory_space<vmem>> -> memref<128xi32, #tpu.memory_space<vmem>>
    %dma_wait3A_163 = arith.constant 0 : i32
    %dma_wait3A_164 = arith.constant 0 : i32
    %dma_wait3A_165 = tpu.memref_slice %arg2[%dma_wait3A_163, %dma_wait3A_164] : memref<10112x32xf32, #tpu.memory_space<hbm>> -> memref<10112x32xf32, #tpu.memory_space<hbm>>
    tpu.wait_indirect_dma semaphore(%arg23 : memref<!tpu.dma_semaphore, #tpu.memory_space<semaphore_mem>>) src(%dma_wait3A_165 : memref<10112x32xf32, #tpu.memory_space<hbm>>) dst(%arg14 : memref<128x32xf32, #tpu.memory_space<vmem>>)
    %dma_start3A_166 = arith.constant 38 : i32
    %dma_start3A_167 = arith.constant 0 : i32
    %dma_start3A_168 = tpu.memref_slice %arg7[%dma_start3A_166, %dma_start3A_167] : memref<40x128xi32, #tpu.memory_space<vmem>> -> memref<1x128xi32, #tpu.memory_space<vmem>>
    %dma_start3A_169 = tpu.memref_squeeze %dma_start3A_168 : memref<1x128xi32, #tpu.memory_space<vmem>> -> memref<128xi32, #tpu.memory_space<vmem>>
    %dma_start3A_170 = arith.constant 0 : i32
    %dma_start3A_171 = arith.constant 0 : i32
    %dma_start3A_172 = tpu.memref_slice %arg16[%dma_start3A_170, %dma_start3A_171] : memref<10112x32xf32, #tpu.memory_space<vmem_shared>> -> memref<10112x32xf32, #tpu.memory_space<vmem_shared>>
    tpu.enqueue_indirect_dma source(%arg14 : memref<128x32xf32, #tpu.memory_space<vmem>>) target(%dma_start3A_172 : memref<10112x32xf32, #tpu.memory_space<vmem_shared>>) offsets(%dma_start3A_169 : memref<128xi32, #tpu.memory_space<vmem>>) semaphore(%arg31 : memref<!tpu.dma_semaphore, #tpu.memory_space<semaphore_mem>>) {add = true}
    %dma_wait3A_173 = arith.constant 39 : i32
    %dma_wait3A_174 = arith.constant 0 : i32
    %dma_wait3A_175 = tpu.memref_slice %arg6[%dma_wait3A_173, %dma_wait3A_174] : memref<40x128xi32, #tpu.memory_space<vmem>> -> memref<1x128xi32, #tpu.memory_space<vmem>>
    %dma_wait3A_176 = tpu.memref_squeeze %dma_wait3A_175 : memref<1x128xi32, #tpu.memory_space<vmem>> -> memref<128xi32, #tpu.memory_space<vmem>>
    %dma_wait3A_177 = arith.constant 0 : i32
    %dma_wait3A_178 = arith.constant 0 : i32
    %dma_wait3A_179 = tpu.memref_slice %arg2[%dma_wait3A_177, %dma_wait3A_178] : memref<10112x32xf32, #tpu.memory_space<hbm>> -> memref<10112x32xf32, #tpu.memory_space<hbm>>
    tpu.wait_indirect_dma semaphore(%arg24 : memref<!tpu.dma_semaphore, #tpu.memory_space<semaphore_mem>>) src(%dma_wait3A_179 : memref<10112x32xf32, #tpu.memory_space<hbm>>) dst(%arg15 : memref<128x32xf32, #tpu.memory_space<vmem>>)
    %dma_start3A_180 = arith.constant 39 : i32
    %dma_start3A_181 = arith.constant 0 : i32
    %dma_start3A_182 = tpu.memref_slice %arg7[%dma_start3A_180, %dma_start3A_181] : memref<40x128xi32, #tpu.memory_space<vmem>> -> memref<1x128xi32, #tpu.memory_space<vmem>>
    %dma_start3A_183 = tpu.memref_squeeze %dma_start3A_182 : memref<1x128xi32, #tpu.memory_space<vmem>> -> memref<128xi32, #tpu.memory_space<vmem>>
    %dma_start3A_184 = arith.constant 0 : i32
    %dma_start3A_185 = arith.constant 0 : i32
    %dma_start3A_186 = tpu.memref_slice %arg16[%dma_start3A_184, %dma_start3A_185] : memref<10112x32xf32, #tpu.memory_space<vmem_shared>> -> memref<10112x32xf32, #tpu.memory_space<vmem_shared>>
    tpu.enqueue_indirect_dma source(%arg15 : memref<128x32xf32, #tpu.memory_space<vmem>>) target(%dma_start3A_186 : memref<10112x32xf32, #tpu.memory_space<vmem_shared>>) offsets(%dma_start3A_183 : memref<128xi32, #tpu.memory_space<vmem>>) semaphore(%arg32 : memref<!tpu.dma_semaphore, #tpu.memory_space<semaphore_mem>>) {add = true}
    %dma_wait3A_187 = arith.constant 0 : i32
    %dma_wait3A_188 = arith.constant 0 : i32
    %dma_wait3A_189 = tpu.memref_slice %arg7[%dma_wait3A_187, %dma_wait3A_188] : memref<40x128xi32, #tpu.memory_space<vmem>> -> memref<1x128xi32, #tpu.memory_space<vmem>>
    %dma_wait3A_190 = tpu.memref_squeeze %dma_wait3A_189 : memref<1x128xi32, #tpu.memory_space<vmem>> -> memref<128xi32, #tpu.memory_space<vmem>>
    %dma_wait3A_191 = arith.constant 0 : i32
    %dma_wait3A_192 = arith.constant 0 : i32
    %dma_wait3A_193 = tpu.memref_slice %arg16[%dma_wait3A_191, %dma_wait3A_192] : memref<10112x32xf32, #tpu.memory_space<vmem_shared>> -> memref<10112x32xf32, #tpu.memory_space<vmem_shared>>
    tpu.wait_indirect_dma semaphore(%arg25 : memref<!tpu.dma_semaphore, #tpu.memory_space<semaphore_mem>>) src(%arg8 : memref<128x32xf32, #tpu.memory_space<vmem>>) dst(%dma_wait3A_193 : memref<10112x32xf32, #tpu.memory_space<vmem_shared>>)
    %dma_wait3A_194 = arith.constant 0 : i32
    %dma_wait3A_195 = arith.constant 0 : i32
    %dma_wait3A_196 = tpu.memref_slice %arg7[%dma_wait3A_194, %dma_wait3A_195] : memref<40x128xi32, #tpu.memory_space<vmem>> -> memref<1x128xi32, #tpu.memory_space<vmem>>
    %dma_wait3A_197 = tpu.memref_squeeze %dma_wait3A_196 : memref<1x128xi32, #tpu.memory_space<vmem>> -> memref<128xi32, #tpu.memory_space<vmem>>
    %dma_wait3A_198 = arith.constant 0 : i32
    %dma_wait3A_199 = arith.constant 0 : i32
    %dma_wait3A_200 = tpu.memref_slice %arg16[%dma_wait3A_198, %dma_wait3A_199] : memref<10112x32xf32, #tpu.memory_space<vmem_shared>> -> memref<10112x32xf32, #tpu.memory_space<vmem_shared>>
    tpu.wait_indirect_dma semaphore(%arg26 : memref<!tpu.dma_semaphore, #tpu.memory_space<semaphore_mem>>) src(%arg9 : memref<128x32xf32, #tpu.memory_space<vmem>>) dst(%dma_wait3A_200 : memref<10112x32xf32, #tpu.memory_space<vmem_shared>>)
    %dma_wait3A_201 = arith.constant 0 : i32
    %dma_wait3A_202 = arith.constant 0 : i32
    %dma_wait3A_203 = tpu.memref_slice %arg7[%dma_wait3A_201, %dma_wait3A_202] : memref<40x128xi32, #tpu.memory_space<vmem>> -> memref<1x128xi32, #tpu.memory_space<vmem>>
    %dma_wait3A_204 = tpu.memref_squeeze %dma_wait3A_203 : memref<1x128xi32, #tpu.memory_space<vmem>> -> memref<128xi32, #tpu.memory_space<vmem>>
    %dma_wait3A_205 = arith.constant 0 : i32
    %dma_wait3A_206 = arith.constant 0 : i32
    %dma_wait3A_207 = tpu.memref_slice %arg16[%dma_wait3A_205, %dma_wait3A_206] : memref<10112x32xf32, #tpu.memory_space<vmem_shared>> -> memref<10112x32xf32, #tpu.memory_space<vmem_shared>>
    tpu.wait_indirect_dma semaphore(%arg27 : memref<!tpu.dma_semaphore, #tpu.memory_space<semaphore_mem>>) src(%arg10 : memref<128x32xf32, #tpu.memory_space<vmem>>) dst(%dma_wait3A_207 : memref<10112x32xf32, #tpu.memory_space<vmem_shared>>)
    %dma_wait3A_208 = arith.constant 0 : i32
    %dma_wait3A_209 = arith.constant 0 : i32
    %dma_wait3A_210 = tpu.memref_slice %arg7[%dma_wait3A_208, %dma_wait3A_209] : memref<40x128xi32, #tpu.memory_space<vmem>> -> memref<1x128xi32, #tpu.memory_space<vmem>>
    %dma_wait3A_211 = tpu.memref_squeeze %dma_wait3A_210 : memref<1x128xi32, #tpu.memory_space<vmem>> -> memref<128xi32, #tpu.memory_space<vmem>>
    %dma_wait3A_212 = arith.constant 0 : i32
    %dma_wait3A_213 = arith.constant 0 : i32
    %dma_wait3A_214 = tpu.memref_slice %arg16[%dma_wait3A_212, %dma_wait3A_213] : memref<10112x32xf32, #tpu.memory_space<vmem_shared>> -> memref<10112x32xf32, #tpu.memory_space<vmem_shared>>
    tpu.wait_indirect_dma semaphore(%arg28 : memref<!tpu.dma_semaphore, #tpu.memory_space<semaphore_mem>>) src(%arg11 : memref<128x32xf32, #tpu.memory_space<vmem>>) dst(%dma_wait3A_214 : memref<10112x32xf32, #tpu.memory_space<vmem_shared>>)
    %dma_wait3A_215 = arith.constant 0 : i32
    %dma_wait3A_216 = arith.constant 0 : i32
    %dma_wait3A_217 = tpu.memref_slice %arg7[%dma_wait3A_215, %dma_wait3A_216] : memref<40x128xi32, #tpu.memory_space<vmem>> -> memref<1x128xi32, #tpu.memory_space<vmem>>
    %dma_wait3A_218 = tpu.memref_squeeze %dma_wait3A_217 : memref<1x128xi32, #tpu.memory_space<vmem>> -> memref<128xi32, #tpu.memory_space<vmem>>
    %dma_wait3A_219 = arith.constant 0 : i32
    %dma_wait3A_220 = arith.constant 0 : i32
    %dma_wait3A_221 = tpu.memref_slice %arg16[%dma_wait3A_219, %dma_wait3A_220] : memref<10112x32xf32, #tpu.memory_space<vmem_shared>> -> memref<10112x32xf32, #tpu.memory_space<vmem_shared>>
    tpu.wait_indirect_dma semaphore(%arg29 : memref<!tpu.dma_semaphore, #tpu.memory_space<semaphore_mem>>) src(%arg12 : memref<128x32xf32, #tpu.memory_space<vmem>>) dst(%dma_wait3A_221 : memref<10112x32xf32, #tpu.memory_space<vmem_shared>>)
    %dma_wait3A_222 = arith.constant 0 : i32
    %dma_wait3A_223 = arith.constant 0 : i32
    %dma_wait3A_224 = tpu.memref_slice %arg7[%dma_wait3A_222, %dma_wait3A_223] : memref<40x128xi32, #tpu.memory_space<vmem>> -> memref<1x128xi32, #tpu.memory_space<vmem>>
    %dma_wait3A_225 = tpu.memref_squeeze %dma_wait3A_224 : memref<1x128xi32, #tpu.memory_space<vmem>> -> memref<128xi32, #tpu.memory_space<vmem>>
    %dma_wait3A_226 = arith.constant 0 : i32
    %dma_wait3A_227 = arith.constant 0 : i32
    %dma_wait3A_228 = tpu.memref_slice %arg16[%dma_wait3A_226, %dma_wait3A_227] : memref<10112x32xf32, #tpu.memory_space<vmem_shared>> -> memref<10112x32xf32, #tpu.memory_space<vmem_shared>>
    tpu.wait_indirect_dma semaphore(%arg30 : memref<!tpu.dma_semaphore, #tpu.memory_space<semaphore_mem>>) src(%arg13 : memref<128x32xf32, #tpu.memory_space<vmem>>) dst(%dma_wait3A_228 : memref<10112x32xf32, #tpu.memory_space<vmem_shared>>)
    %dma_wait3A_229 = arith.constant 0 : i32
    %dma_wait3A_230 = arith.constant 0 : i32
    %dma_wait3A_231 = tpu.memref_slice %arg7[%dma_wait3A_229, %dma_wait3A_230] : memref<40x128xi32, #tpu.memory_space<vmem>> -> memref<1x128xi32, #tpu.memory_space<vmem>>
    %dma_wait3A_232 = tpu.memref_squeeze %dma_wait3A_231 : memref<1x128xi32, #tpu.memory_space<vmem>> -> memref<128xi32, #tpu.memory_space<vmem>>
    %dma_wait3A_233 = arith.constant 0 : i32
    %dma_wait3A_234 = arith.constant 0 : i32
    %dma_wait3A_235 = tpu.memref_slice %arg16[%dma_wait3A_233, %dma_wait3A_234] : memref<10112x32xf32, #tpu.memory_space<vmem_shared>> -> memref<10112x32xf32, #tpu.memory_space<vmem_shared>>
    tpu.wait_indirect_dma semaphore(%arg31 : memref<!tpu.dma_semaphore, #tpu.memory_space<semaphore_mem>>) src(%arg14 : memref<128x32xf32, #tpu.memory_space<vmem>>) dst(%dma_wait3A_235 : memref<10112x32xf32, #tpu.memory_space<vmem_shared>>)
    %dma_wait3A_236 = arith.constant 0 : i32
    %dma_wait3A_237 = arith.constant 0 : i32
    %dma_wait3A_238 = tpu.memref_slice %arg7[%dma_wait3A_236, %dma_wait3A_237] : memref<40x128xi32, #tpu.memory_space<vmem>> -> memref<1x128xi32, #tpu.memory_space<vmem>>
    %dma_wait3A_239 = tpu.memref_squeeze %dma_wait3A_238 : memref<1x128xi32, #tpu.memory_space<vmem>> -> memref<128xi32, #tpu.memory_space<vmem>>
    %dma_wait3A_240 = arith.constant 0 : i32
    %dma_wait3A_241 = arith.constant 0 : i32
    %dma_wait3A_242 = tpu.memref_slice %arg16[%dma_wait3A_240, %dma_wait3A_241] : memref<10112x32xf32, #tpu.memory_space<vmem_shared>> -> memref<10112x32xf32, #tpu.memory_space<vmem_shared>>
    tpu.wait_indirect_dma semaphore(%arg32 : memref<!tpu.dma_semaphore, #tpu.memory_space<semaphore_mem>>) src(%arg15 : memref<128x32xf32, #tpu.memory_space<vmem>>) dst(%dma_wait3A_242 : memref<10112x32xf32, #tpu.memory_space<vmem_shared>>)
    %barrier3A_243 = arith.constant 0 : index
    tpu.barrier barrier_id(%barrier3A_243)
    %mul3A_244 = arith.constant 632 : i32
    %mul3A_245 = arith.muli %arg1, %mul3A_244 : i32
    %mul3A_246 = arith.constant 632 : i32
    %mul3A_247 = arith.muli %arg1, %mul3A_246 : i32
    "tpu.region"() ({
      %run_scoped3A_248 = tpu.sem_alloc : memref<!tpu.dma_semaphore, #tpu.memory_space<semaphore_mem>>
      %dma_start3A_249 = arith.constant 0 : i32
      %dma_start3A_250 = arith.constant 0 : i32
      %dma_start3A_251 = tpu.memref_slice %arg5[%arg0, %dma_start3A_249, %dma_start3A_250] : memref<2x10112x32xf32, #tpu.memory_space<hbm>> -> memref<1x10112x32xf32, #tpu.memory_space<hbm>>
      %dma_start3A_252 = tpu.memref_squeeze %dma_start3A_251 : memref<1x10112x32xf32, #tpu.memory_space<hbm>> -> memref<10112x32xf32, #tpu.memory_space<hbm>>
      %dma_start3A_253 = arith.constant 0 : i32
      %dma_start3A_254 = tpu.memref_slice %dma_start3A_252[%mul3A_247, %dma_start3A_253] : memref<10112x32xf32, #tpu.memory_space<hbm>> -> memref<632x32xf32, #tpu.memory_space<hbm>>
      %dma_start3A_255 = arith.constant 0 : i32
      %dma_start3A_256 = tpu.memref_slice %arg16[%mul3A_245, %dma_start3A_255] : memref<10112x32xf32, #tpu.memory_space<vmem_shared>> -> memref<632x32xf32, #tpu.memory_space<vmem_shared>>
      tpu.enqueue_dma source(%dma_start3A_256 : memref<632x32xf32, #tpu.memory_space<vmem_shared>>) target(%dma_start3A_254 : memref<632x32xf32, #tpu.memory_space<hbm>>) target_semaphore(%run_scoped3A_248 : memref<!tpu.dma_semaphore, #tpu.memory_space<semaphore_mem>>)
      %dma_wait3A_257 = arith.constant 0 : i32
      %dma_wait3A_258 = arith.constant 0 : i32
      %dma_wait3A_259 = tpu.memref_slice %arg5[%arg0, %dma_wait3A_257, %dma_wait3A_258] : memref<2x10112x32xf32, #tpu.memory_space<hbm>> -> memref<1x10112x32xf32, #tpu.memory_space<hbm>>
      %dma_wait3A_260 = tpu.memref_squeeze %dma_wait3A_259 : memref<1x10112x32xf32, #tpu.memory_space<hbm>> -> memref<10112x32xf32, #tpu.memory_space<hbm>>
      %dma_wait3A_261 = arith.constant 0 : i32
      %dma_wait3A_262 = tpu.memref_slice %dma_wait3A_260[%mul3A_247, %dma_wait3A_261] : memref<10112x32xf32, #tpu.memory_space<hbm>> -> memref<632x32xf32, #tpu.memory_space<hbm>>
      %dma_wait3A_263 = arith.constant 0 : i32
      %dma_wait3A_264 = tpu.memref_slice %arg16[%mul3A_245, %dma_wait3A_263] : memref<10112x32xf32, #tpu.memory_space<vmem_shared>> -> memref<632x32xf32, #tpu.memory_space<vmem_shared>>
      tpu.wait_dma2 semaphore(%run_scoped3A_248 : memref<!tpu.dma_semaphore, #tpu.memory_space<semaphore_mem>>) src(%dma_wait3A_264 : memref<632x32xf32, #tpu.memory_space<vmem_shared>>) dst(%dma_wait3A_262 : memref<632x32xf32, #tpu.memory_space<hbm>>)
      tpu.yield
    }) : () -> ()
    return
  }
}

#map = affine_map<(d0, d1) -> (0, 0)>
#map1 = affine_map<(d0, d1) -> (0, 0, 0, 0)>
#map2 = affine_map<(d0, d1) -> (0, 0, 0)>
module attributes {stable_mosaic.version = 14 : i64} {
  func.func @_agg_kernel(%arg0: i32, %arg1: i32, %arg2: memref<10112x32xf32, #tpu.memory_space<hbm>>, %arg3: memref<10112x32xf32, #tpu.memory_space<hbm>>, %arg4: memref<2x32x40x128xi32, #tpu.memory_space<hbm>>, %arg5: memref<2x10112x32xf32, #tpu.memory_space<hbm>>, %arg6: memref<40x128xi32, #tpu.memory_space<vmem>>, %arg7: memref<40x128xi32, #tpu.memory_space<vmem>>, %arg8: memref<128x32xf32, #tpu.memory_space<vmem>>, %arg9: memref<128x32xf32, #tpu.memory_space<vmem>>, %arg10: memref<128x32xf32, #tpu.memory_space<vmem>>, %arg11: memref<128x32xf32, #tpu.memory_space<vmem>>, %arg12: memref<128x32xf32, #tpu.memory_space<vmem>>, %arg13: memref<128x32xf32, #tpu.memory_space<vmem>>, %arg14: memref<128x32xf32, #tpu.memory_space<vmem>>, %arg15: memref<128x32xf32, #tpu.memory_space<vmem>>, %arg16: memref<10112x32xf32, #tpu.memory_space<vmem_shared>>, %arg17: memref<!tpu.dma_semaphore, #tpu.memory_space<semaphore_mem>>, %arg18: memref<!tpu.dma_semaphore, #tpu.memory_space<semaphore_mem>>, %arg19: memref<!tpu.dma_semaphore, #tpu.memory_space<semaphore_mem>>, %arg20: memref<!tpu.dma_semaphore, #tpu.memory_space<semaphore_mem>>, %arg21: memref<!tpu.dma_semaphore, #tpu.memory_space<semaphore_mem>>, %arg22: memref<!tpu.dma_semaphore, #tpu.memory_space<semaphore_mem>>, %arg23: memref<!tpu.dma_semaphore, #tpu.memory_space<semaphore_mem>>, %arg24: memref<!tpu.dma_semaphore, #tpu.memory_space<semaphore_mem>>, %arg25: memref<!tpu.dma_semaphore, #tpu.memory_space<semaphore_mem>>, %arg26: memref<!tpu.dma_semaphore, #tpu.memory_space<semaphore_mem>>, %arg27: memref<!tpu.dma_semaphore, #tpu.memory_space<semaphore_mem>>, %arg28: memref<!tpu.dma_semaphore, #tpu.memory_space<semaphore_mem>>, %arg29: memref<!tpu.dma_semaphore, #tpu.memory_space<semaphore_mem>>, %arg30: memref<!tpu.dma_semaphore, #tpu.memory_space<semaphore_mem>>, %arg31: memref<!tpu.dma_semaphore, #tpu.memory_space<semaphore_mem>>, %arg32: memref<!tpu.dma_semaphore, #tpu.memory_space<semaphore_mem>>) attributes {dimension_semantics = [#tpu.dimension_semantics<core_parallel>, #tpu.dimension_semantics<subcore_parallel>], iteration_bounds = array<i64: 2, 16>, scalar_prefetch = 0 : i64, scratch_operands = 27 : i64, tpu.core_type = #tpu.core_type<sc_vector_subcore>, window_params = [{transform_indices = #map}, {transform_indices = #map}, {transform_indices = #map1}, {transform_indices = #map2}]} {
    %mul3A = arith.constant 16 : i32
    %mul3A_0 = arith.muli %arg0, %mul3A : i32
    %add3A = arith.addi %mul3A_0, %arg1 : i32
    %eq3A = arith.constant 0 : i32
    %eq3A_1 = arith.cmpi eq, %arg0, %eq3A : i32
    %convert_element_type3A = arith.extui %eq3A_1 : i1 to i32
    %cond3A = arith.constant 0 : i32
    %cond3A_2 = arith.cmpi ne, %convert_element_type3A, %cond3A : i32
    scf.if %cond3A_2 {
      %mul3A_248 = arith.constant 632 : i32
      %mul3A_249 = arith.muli %arg1, %mul3A_248 : i32
      %mul3A_250 = arith.constant 632 : i32
      %mul3A_251 = arith.muli %arg1, %mul3A_250 : i32
      %dma_start3A_252 = arith.constant 0 : i32
      %dma_start3A_253 = tpu.memref_slice %arg16[%mul3A_251, %dma_start3A_252] : memref<10112x32xf32, #tpu.memory_space<vmem_shared>> -> memref<632x32xf32, #tpu.memory_space<vmem_shared>>
      %dma_start3A_254 = arith.constant 0 : i32
      %dma_start3A_255 = tpu.memref_slice %arg2[%mul3A_249, %dma_start3A_254] : memref<10112x32xf32, #tpu.memory_space<hbm>> -> memref<632x32xf32, #tpu.memory_space<hbm>>
      tpu.enqueue_dma source(%dma_start3A_255 : memref<632x32xf32, #tpu.memory_space<hbm>>) target(%dma_start3A_253 : memref<632x32xf32, #tpu.memory_space<vmem_shared>>) target_semaphore(%arg17 : memref<!tpu.dma_semaphore, #tpu.memory_space<semaphore_mem>>)
    } else {
    }
    %ne3A = arith.constant 0 : i32
    %ne3A_3 = arith.cmpi ne, %arg0, %ne3A : i32
    %convert_element_type3A_4 = arith.extui %ne3A_3 : i1 to i32
    %cond3A_5 = arith.constant 0 : i32
    %cond3A_6 = arith.cmpi ne, %convert_element_type3A_4, %cond3A_5 : i32
    scf.if %cond3A_6 {
      %mul3A_248 = arith.constant 632 : i32
      %mul3A_249 = arith.muli %arg1, %mul3A_248 : i32
      %mul3A_250 = arith.constant 632 : i32
      %mul3A_251 = arith.muli %arg1, %mul3A_250 : i32
      %dma_start3A_252 = arith.constant 0 : i32
      %dma_start3A_253 = tpu.memref_slice %arg16[%mul3A_251, %dma_start3A_252] : memref<10112x32xf32, #tpu.memory_space<vmem_shared>> -> memref<632x32xf32, #tpu.memory_space<vmem_shared>>
      %dma_start3A_254 = arith.constant 0 : i32
      %dma_start3A_255 = tpu.memref_slice %arg3[%mul3A_249, %dma_start3A_254] : memref<10112x32xf32, #tpu.memory_space<hbm>> -> memref<632x32xf32, #tpu.memory_space<hbm>>
      tpu.enqueue_dma source(%dma_start3A_255 : memref<632x32xf32, #tpu.memory_space<hbm>>) target(%dma_start3A_253 : memref<632x32xf32, #tpu.memory_space<vmem_shared>>) target_semaphore(%arg17 : memref<!tpu.dma_semaphore, #tpu.memory_space<semaphore_mem>>)
    } else {
    }
    %run_scoped3A = arith.constant 0 : i32
    "tpu.region"() ({
      %run_scoped3A_248 = tpu.sem_alloc : memref<!tpu.dma_semaphore, #tpu.memory_space<semaphore_mem>>
      %dma_start3A_249 = arith.constant 0 : i32
      %dma_start3A_250 = arith.constant 0 : i32
      %dma_start3A_251 = arith.constant 0 : i32
      %dma_start3A_252 = tpu.memref_slice %arg4[%run_scoped3A, %dma_start3A_249, %dma_start3A_250, %dma_start3A_251] : memref<2x32x40x128xi32, #tpu.memory_space<hbm>> -> memref<1x32x40x128xi32, #tpu.memory_space<hbm>>
      %dma_start3A_253 = tpu.memref_squeeze %dma_start3A_252 : memref<1x32x40x128xi32, #tpu.memory_space<hbm>> -> memref<32x40x128xi32, #tpu.memory_space<hbm>>
      %dma_start3A_254 = arith.constant 0 : i32
      %dma_start3A_255 = arith.constant 0 : i32
      %dma_start3A_256 = tpu.memref_slice %dma_start3A_253[%add3A, %dma_start3A_254, %dma_start3A_255] : memref<32x40x128xi32, #tpu.memory_space<hbm>> -> memref<1x40x128xi32, #tpu.memory_space<hbm>>
      %dma_start3A_257 = tpu.memref_squeeze %dma_start3A_256 : memref<1x40x128xi32, #tpu.memory_space<hbm>> -> memref<40x128xi32, #tpu.memory_space<hbm>>
      %dma_start3A_258 = arith.constant 0 : i32
      %dma_start3A_259 = arith.constant 0 : i32
      %dma_start3A_260 = arith.constant 0 : i32
      %dma_start3A_261 = tpu.memref_slice %arg4[%run_scoped3A, %dma_start3A_258, %dma_start3A_259, %dma_start3A_260] : memref<2x32x40x128xi32, #tpu.memory_space<hbm>> -> memref<1x32x40x128xi32, #tpu.memory_space<hbm>>
      %dma_start3A_262 = tpu.memref_squeeze %dma_start3A_261 : memref<1x32x40x128xi32, #tpu.memory_space<hbm>> -> memref<32x40x128xi32, #tpu.memory_space<hbm>>
      %dma_start3A_263 = arith.constant 0 : i32
      %dma_start3A_264 = arith.constant 0 : i32
      %dma_start3A_265 = tpu.memref_slice %dma_start3A_262[%add3A, %dma_start3A_263, %dma_start3A_264] : memref<32x40x128xi32, #tpu.memory_space<hbm>> -> memref<1x40x128xi32, #tpu.memory_space<hbm>>
      %dma_start3A_266 = tpu.memref_squeeze %dma_start3A_265 : memref<1x40x128xi32, #tpu.memory_space<hbm>> -> memref<40x128xi32, #tpu.memory_space<hbm>>
      tpu.enqueue_dma source(%dma_start3A_266 : memref<40x128xi32, #tpu.memory_space<hbm>>) target(%arg6 : memref<40x128xi32, #tpu.memory_space<vmem>>) target_semaphore(%run_scoped3A_248 : memref<!tpu.dma_semaphore, #tpu.memory_space<semaphore_mem>>)
      %dma_wait3A_267 = arith.constant 0 : i32
      %dma_wait3A_268 = arith.constant 0 : i32
      %dma_wait3A_269 = arith.constant 0 : i32
      %dma_wait3A_270 = tpu.memref_slice %arg4[%run_scoped3A, %dma_wait3A_267, %dma_wait3A_268, %dma_wait3A_269] : memref<2x32x40x128xi32, #tpu.memory_space<hbm>> -> memref<1x32x40x128xi32, #tpu.memory_space<hbm>>
      %dma_wait3A_271 = tpu.memref_squeeze %dma_wait3A_270 : memref<1x32x40x128xi32, #tpu.memory_space<hbm>> -> memref<32x40x128xi32, #tpu.memory_space<hbm>>
      %dma_wait3A_272 = arith.constant 0 : i32
      %dma_wait3A_273 = arith.constant 0 : i32
      %dma_wait3A_274 = tpu.memref_slice %dma_wait3A_271[%add3A, %dma_wait3A_272, %dma_wait3A_273] : memref<32x40x128xi32, #tpu.memory_space<hbm>> -> memref<1x40x128xi32, #tpu.memory_space<hbm>>
      %dma_wait3A_275 = tpu.memref_squeeze %dma_wait3A_274 : memref<1x40x128xi32, #tpu.memory_space<hbm>> -> memref<40x128xi32, #tpu.memory_space<hbm>>
      %dma_wait3A_276 = arith.constant 0 : i32
      %dma_wait3A_277 = arith.constant 0 : i32
      %dma_wait3A_278 = arith.constant 0 : i32
      %dma_wait3A_279 = tpu.memref_slice %arg4[%run_scoped3A, %dma_wait3A_276, %dma_wait3A_277, %dma_wait3A_278] : memref<2x32x40x128xi32, #tpu.memory_space<hbm>> -> memref<1x32x40x128xi32, #tpu.memory_space<hbm>>
      %dma_wait3A_280 = tpu.memref_squeeze %dma_wait3A_279 : memref<1x32x40x128xi32, #tpu.memory_space<hbm>> -> memref<32x40x128xi32, #tpu.memory_space<hbm>>
      %dma_wait3A_281 = arith.constant 0 : i32
      %dma_wait3A_282 = arith.constant 0 : i32
      %dma_wait3A_283 = tpu.memref_slice %dma_wait3A_280[%add3A, %dma_wait3A_281, %dma_wait3A_282] : memref<32x40x128xi32, #tpu.memory_space<hbm>> -> memref<1x40x128xi32, #tpu.memory_space<hbm>>
      %dma_wait3A_284 = tpu.memref_squeeze %dma_wait3A_283 : memref<1x40x128xi32, #tpu.memory_space<hbm>> -> memref<40x128xi32, #tpu.memory_space<hbm>>
      tpu.wait_dma2 semaphore(%run_scoped3A_248 : memref<!tpu.dma_semaphore, #tpu.memory_space<semaphore_mem>>) src(%dma_wait3A_284 : memref<40x128xi32, #tpu.memory_space<hbm>>) dst(%arg6 : memref<40x128xi32, #tpu.memory_space<vmem>>)
      tpu.yield
    }) : () -> ()
    %run_scoped3A_7 = arith.constant 1 : i32
    "tpu.region"() ({
      %run_scoped3A_248 = tpu.sem_alloc : memref<!tpu.dma_semaphore, #tpu.memory_space<semaphore_mem>>
      %dma_start3A_249 = arith.constant 0 : i32
      %dma_start3A_250 = arith.constant 0 : i32
      %dma_start3A_251 = arith.constant 0 : i32
      %dma_start3A_252 = tpu.memref_slice %arg4[%run_scoped3A_7, %dma_start3A_249, %dma_start3A_250, %dma_start3A_251] : memref<2x32x40x128xi32, #tpu.memory_space<hbm>> -> memref<1x32x40x128xi32, #tpu.memory_space<hbm>>
      %dma_start3A_253 = tpu.memref_squeeze %dma_start3A_252 : memref<1x32x40x128xi32, #tpu.memory_space<hbm>> -> memref<32x40x128xi32, #tpu.memory_space<hbm>>
      %dma_start3A_254 = arith.constant 0 : i32
      %dma_start3A_255 = arith.constant 0 : i32
      %dma_start3A_256 = tpu.memref_slice %dma_start3A_253[%add3A, %dma_start3A_254, %dma_start3A_255] : memref<32x40x128xi32, #tpu.memory_space<hbm>> -> memref<1x40x128xi32, #tpu.memory_space<hbm>>
      %dma_start3A_257 = tpu.memref_squeeze %dma_start3A_256 : memref<1x40x128xi32, #tpu.memory_space<hbm>> -> memref<40x128xi32, #tpu.memory_space<hbm>>
      %dma_start3A_258 = arith.constant 0 : i32
      %dma_start3A_259 = arith.constant 0 : i32
      %dma_start3A_260 = arith.constant 0 : i32
      %dma_start3A_261 = tpu.memref_slice %arg4[%run_scoped3A_7, %dma_start3A_258, %dma_start3A_259, %dma_start3A_260] : memref<2x32x40x128xi32, #tpu.memory_space<hbm>> -> memref<1x32x40x128xi32, #tpu.memory_space<hbm>>
      %dma_start3A_262 = tpu.memref_squeeze %dma_start3A_261 : memref<1x32x40x128xi32, #tpu.memory_space<hbm>> -> memref<32x40x128xi32, #tpu.memory_space<hbm>>
      %dma_start3A_263 = arith.constant 0 : i32
      %dma_start3A_264 = arith.constant 0 : i32
      %dma_start3A_265 = tpu.memref_slice %dma_start3A_262[%add3A, %dma_start3A_263, %dma_start3A_264] : memref<32x40x128xi32, #tpu.memory_space<hbm>> -> memref<1x40x128xi32, #tpu.memory_space<hbm>>
      %dma_start3A_266 = tpu.memref_squeeze %dma_start3A_265 : memref<1x40x128xi32, #tpu.memory_space<hbm>> -> memref<40x128xi32, #tpu.memory_space<hbm>>
      tpu.enqueue_dma source(%dma_start3A_266 : memref<40x128xi32, #tpu.memory_space<hbm>>) target(%arg7 : memref<40x128xi32, #tpu.memory_space<vmem>>) target_semaphore(%run_scoped3A_248 : memref<!tpu.dma_semaphore, #tpu.memory_space<semaphore_mem>>)
      %dma_wait3A_267 = arith.constant 0 : i32
      %dma_wait3A_268 = arith.constant 0 : i32
      %dma_wait3A_269 = arith.constant 0 : i32
      %dma_wait3A_270 = tpu.memref_slice %arg4[%run_scoped3A_7, %dma_wait3A_267, %dma_wait3A_268, %dma_wait3A_269] : memref<2x32x40x128xi32, #tpu.memory_space<hbm>> -> memref<1x32x40x128xi32, #tpu.memory_space<hbm>>
      %dma_wait3A_271 = tpu.memref_squeeze %dma_wait3A_270 : memref<1x32x40x128xi32, #tpu.memory_space<hbm>> -> memref<32x40x128xi32, #tpu.memory_space<hbm>>
      %dma_wait3A_272 = arith.constant 0 : i32
      %dma_wait3A_273 = arith.constant 0 : i32
      %dma_wait3A_274 = tpu.memref_slice %dma_wait3A_271[%add3A, %dma_wait3A_272, %dma_wait3A_273] : memref<32x40x128xi32, #tpu.memory_space<hbm>> -> memref<1x40x128xi32, #tpu.memory_space<hbm>>
      %dma_wait3A_275 = tpu.memref_squeeze %dma_wait3A_274 : memref<1x40x128xi32, #tpu.memory_space<hbm>> -> memref<40x128xi32, #tpu.memory_space<hbm>>
      %dma_wait3A_276 = arith.constant 0 : i32
      %dma_wait3A_277 = arith.constant 0 : i32
      %dma_wait3A_278 = arith.constant 0 : i32
      %dma_wait3A_279 = tpu.memref_slice %arg4[%run_scoped3A_7, %dma_wait3A_276, %dma_wait3A_277, %dma_wait3A_278] : memref<2x32x40x128xi32, #tpu.memory_space<hbm>> -> memref<1x32x40x128xi32, #tpu.memory_space<hbm>>
      %dma_wait3A_280 = tpu.memref_squeeze %dma_wait3A_279 : memref<1x32x40x128xi32, #tpu.memory_space<hbm>> -> memref<32x40x128xi32, #tpu.memory_space<hbm>>
      %dma_wait3A_281 = arith.constant 0 : i32
      %dma_wait3A_282 = arith.constant 0 : i32
      %dma_wait3A_283 = tpu.memref_slice %dma_wait3A_280[%add3A, %dma_wait3A_281, %dma_wait3A_282] : memref<32x40x128xi32, #tpu.memory_space<hbm>> -> memref<1x40x128xi32, #tpu.memory_space<hbm>>
      %dma_wait3A_284 = tpu.memref_squeeze %dma_wait3A_283 : memref<1x40x128xi32, #tpu.memory_space<hbm>> -> memref<40x128xi32, #tpu.memory_space<hbm>>
      tpu.wait_dma2 semaphore(%run_scoped3A_248 : memref<!tpu.dma_semaphore, #tpu.memory_space<semaphore_mem>>) src(%dma_wait3A_284 : memref<40x128xi32, #tpu.memory_space<hbm>>) dst(%arg7 : memref<40x128xi32, #tpu.memory_space<vmem>>)
      tpu.yield
    }) : () -> ()
    %mul3A_8 = arith.constant 632 : i32
    %mul3A_9 = arith.muli %arg1, %mul3A_8 : i32
    %mul3A_10 = arith.constant 632 : i32
    %mul3A_11 = arith.muli %arg1, %mul3A_10 : i32
    %dma_wait3A = arith.constant 0 : i32
    %dma_wait3A_12 = tpu.memref_slice %arg16[%mul3A_11, %dma_wait3A] : memref<10112x32xf32, #tpu.memory_space<vmem_shared>> -> memref<632x32xf32, #tpu.memory_space<vmem_shared>>
    %dma_wait3A_13 = arith.constant 0 : i32
    %dma_wait3A_14 = tpu.memref_slice %arg2[%mul3A_9, %dma_wait3A_13] : memref<10112x32xf32, #tpu.memory_space<hbm>> -> memref<632x32xf32, #tpu.memory_space<hbm>>
    tpu.wait_dma2 semaphore(%arg17 : memref<!tpu.dma_semaphore, #tpu.memory_space<semaphore_mem>>) src(%dma_wait3A_14 : memref<632x32xf32, #tpu.memory_space<hbm>>) dst(%dma_wait3A_12 : memref<632x32xf32, #tpu.memory_space<vmem_shared>>)
    %barrier3A = arith.constant 0 : index
    tpu.barrier barrier_id(%barrier3A)
    %dma_start3A = arith.constant 0 : i32
    %dma_start3A_15 = arith.constant 0 : i32
    %dma_start3A_16 = tpu.memref_slice %arg6[%dma_start3A, %dma_start3A_15] : memref<40x128xi32, #tpu.memory_space<vmem>> -> memref<1x128xi32, #tpu.memory_space<vmem>>
    %dma_start3A_17 = tpu.memref_squeeze %dma_start3A_16 : memref<1x128xi32, #tpu.memory_space<vmem>> -> memref<128xi32, #tpu.memory_space<vmem>>
    %dma_start3A_18 = arith.constant 0 : i32
    %dma_start3A_19 = arith.constant 0 : i32
    %dma_start3A_20 = tpu.memref_slice %arg2[%dma_start3A_18, %dma_start3A_19] : memref<10112x32xf32, #tpu.memory_space<hbm>> -> memref<10112x32xf32, #tpu.memory_space<hbm>>
    tpu.enqueue_indirect_dma source(%dma_start3A_20 : memref<10112x32xf32, #tpu.memory_space<hbm>>) target(%arg8 : memref<128x32xf32, #tpu.memory_space<vmem>>) offsets(%dma_start3A_17 : memref<128xi32, #tpu.memory_space<vmem>>) semaphore(%arg17 : memref<!tpu.dma_semaphore, #tpu.memory_space<semaphore_mem>>)
    %dma_start3A_21 = arith.constant 1 : i32
    %dma_start3A_22 = arith.constant 0 : i32
    %dma_start3A_23 = tpu.memref_slice %arg6[%dma_start3A_21, %dma_start3A_22] : memref<40x128xi32, #tpu.memory_space<vmem>> -> memref<1x128xi32, #tpu.memory_space<vmem>>
    %dma_start3A_24 = tpu.memref_squeeze %dma_start3A_23 : memref<1x128xi32, #tpu.memory_space<vmem>> -> memref<128xi32, #tpu.memory_space<vmem>>
    %dma_start3A_25 = arith.constant 0 : i32
    %dma_start3A_26 = arith.constant 0 : i32
    %dma_start3A_27 = tpu.memref_slice %arg2[%dma_start3A_25, %dma_start3A_26] : memref<10112x32xf32, #tpu.memory_space<hbm>> -> memref<10112x32xf32, #tpu.memory_space<hbm>>
    tpu.enqueue_indirect_dma source(%dma_start3A_27 : memref<10112x32xf32, #tpu.memory_space<hbm>>) target(%arg9 : memref<128x32xf32, #tpu.memory_space<vmem>>) offsets(%dma_start3A_24 : memref<128xi32, #tpu.memory_space<vmem>>) semaphore(%arg18 : memref<!tpu.dma_semaphore, #tpu.memory_space<semaphore_mem>>)
    %dma_start3A_28 = arith.constant 2 : i32
    %dma_start3A_29 = arith.constant 0 : i32
    %dma_start3A_30 = tpu.memref_slice %arg6[%dma_start3A_28, %dma_start3A_29] : memref<40x128xi32, #tpu.memory_space<vmem>> -> memref<1x128xi32, #tpu.memory_space<vmem>>
    %dma_start3A_31 = tpu.memref_squeeze %dma_start3A_30 : memref<1x128xi32, #tpu.memory_space<vmem>> -> memref<128xi32, #tpu.memory_space<vmem>>
    %dma_start3A_32 = arith.constant 0 : i32
    %dma_start3A_33 = arith.constant 0 : i32
    %dma_start3A_34 = tpu.memref_slice %arg2[%dma_start3A_32, %dma_start3A_33] : memref<10112x32xf32, #tpu.memory_space<hbm>> -> memref<10112x32xf32, #tpu.memory_space<hbm>>
    tpu.enqueue_indirect_dma source(%dma_start3A_34 : memref<10112x32xf32, #tpu.memory_space<hbm>>) target(%arg10 : memref<128x32xf32, #tpu.memory_space<vmem>>) offsets(%dma_start3A_31 : memref<128xi32, #tpu.memory_space<vmem>>) semaphore(%arg19 : memref<!tpu.dma_semaphore, #tpu.memory_space<semaphore_mem>>)
    %dma_start3A_35 = arith.constant 3 : i32
    %dma_start3A_36 = arith.constant 0 : i32
    %dma_start3A_37 = tpu.memref_slice %arg6[%dma_start3A_35, %dma_start3A_36] : memref<40x128xi32, #tpu.memory_space<vmem>> -> memref<1x128xi32, #tpu.memory_space<vmem>>
    %dma_start3A_38 = tpu.memref_squeeze %dma_start3A_37 : memref<1x128xi32, #tpu.memory_space<vmem>> -> memref<128xi32, #tpu.memory_space<vmem>>
    %dma_start3A_39 = arith.constant 0 : i32
    %dma_start3A_40 = arith.constant 0 : i32
    %dma_start3A_41 = tpu.memref_slice %arg2[%dma_start3A_39, %dma_start3A_40] : memref<10112x32xf32, #tpu.memory_space<hbm>> -> memref<10112x32xf32, #tpu.memory_space<hbm>>
    tpu.enqueue_indirect_dma source(%dma_start3A_41 : memref<10112x32xf32, #tpu.memory_space<hbm>>) target(%arg11 : memref<128x32xf32, #tpu.memory_space<vmem>>) offsets(%dma_start3A_38 : memref<128xi32, #tpu.memory_space<vmem>>) semaphore(%arg20 : memref<!tpu.dma_semaphore, #tpu.memory_space<semaphore_mem>>)
    %dma_start3A_42 = arith.constant 4 : i32
    %dma_start3A_43 = arith.constant 0 : i32
    %dma_start3A_44 = tpu.memref_slice %arg6[%dma_start3A_42, %dma_start3A_43] : memref<40x128xi32, #tpu.memory_space<vmem>> -> memref<1x128xi32, #tpu.memory_space<vmem>>
    %dma_start3A_45 = tpu.memref_squeeze %dma_start3A_44 : memref<1x128xi32, #tpu.memory_space<vmem>> -> memref<128xi32, #tpu.memory_space<vmem>>
    %dma_start3A_46 = arith.constant 0 : i32
    %dma_start3A_47 = arith.constant 0 : i32
    %dma_start3A_48 = tpu.memref_slice %arg2[%dma_start3A_46, %dma_start3A_47] : memref<10112x32xf32, #tpu.memory_space<hbm>> -> memref<10112x32xf32, #tpu.memory_space<hbm>>
    tpu.enqueue_indirect_dma source(%dma_start3A_48 : memref<10112x32xf32, #tpu.memory_space<hbm>>) target(%arg12 : memref<128x32xf32, #tpu.memory_space<vmem>>) offsets(%dma_start3A_45 : memref<128xi32, #tpu.memory_space<vmem>>) semaphore(%arg21 : memref<!tpu.dma_semaphore, #tpu.memory_space<semaphore_mem>>)
    %dma_wait3A_49 = arith.constant 0 : i32
    %dma_wait3A_50 = arith.constant 0 : i32
    %dma_wait3A_51 = tpu.memref_slice %arg6[%dma_wait3A_49, %dma_wait3A_50] : memref<40x128xi32, #tpu.memory_space<vmem>> -> memref<1x128xi32, #tpu.memory_space<vmem>>
    %dma_wait3A_52 = tpu.memref_squeeze %dma_wait3A_51 : memref<1x128xi32, #tpu.memory_space<vmem>> -> memref<128xi32, #tpu.memory_space<vmem>>
    %dma_wait3A_53 = arith.constant 0 : i32
    %dma_wait3A_54 = arith.constant 0 : i32
    %dma_wait3A_55 = tpu.memref_slice %arg2[%dma_wait3A_53, %dma_wait3A_54] : memref<10112x32xf32, #tpu.memory_space<hbm>> -> memref<10112x32xf32, #tpu.memory_space<hbm>>
    tpu.wait_indirect_dma semaphore(%arg17 : memref<!tpu.dma_semaphore, #tpu.memory_space<semaphore_mem>>) src(%dma_wait3A_55 : memref<10112x32xf32, #tpu.memory_space<hbm>>) dst(%arg8 : memref<128x32xf32, #tpu.memory_space<vmem>>)
    %dma_start3A_56 = arith.constant 0 : i32
    %dma_start3A_57 = arith.constant 0 : i32
    %dma_start3A_58 = tpu.memref_slice %arg7[%dma_start3A_56, %dma_start3A_57] : memref<40x128xi32, #tpu.memory_space<vmem>> -> memref<1x128xi32, #tpu.memory_space<vmem>>
    %dma_start3A_59 = tpu.memref_squeeze %dma_start3A_58 : memref<1x128xi32, #tpu.memory_space<vmem>> -> memref<128xi32, #tpu.memory_space<vmem>>
    %dma_start3A_60 = arith.constant 0 : i32
    %dma_start3A_61 = arith.constant 0 : i32
    %dma_start3A_62 = tpu.memref_slice %arg16[%dma_start3A_60, %dma_start3A_61] : memref<10112x32xf32, #tpu.memory_space<vmem_shared>> -> memref<10112x32xf32, #tpu.memory_space<vmem_shared>>
    tpu.enqueue_indirect_dma source(%arg8 : memref<128x32xf32, #tpu.memory_space<vmem>>) target(%dma_start3A_62 : memref<10112x32xf32, #tpu.memory_space<vmem_shared>>) offsets(%dma_start3A_59 : memref<128xi32, #tpu.memory_space<vmem>>) semaphore(%arg25 : memref<!tpu.dma_semaphore, #tpu.memory_space<semaphore_mem>>) {add = true}
    %dma_start3A_63 = arith.constant 5 : i32
    %dma_start3A_64 = arith.constant 0 : i32
    %dma_start3A_65 = tpu.memref_slice %arg6[%dma_start3A_63, %dma_start3A_64] : memref<40x128xi32, #tpu.memory_space<vmem>> -> memref<1x128xi32, #tpu.memory_space<vmem>>
    %dma_start3A_66 = tpu.memref_squeeze %dma_start3A_65 : memref<1x128xi32, #tpu.memory_space<vmem>> -> memref<128xi32, #tpu.memory_space<vmem>>
    %dma_start3A_67 = arith.constant 0 : i32
    %dma_start3A_68 = arith.constant 0 : i32
    %dma_start3A_69 = tpu.memref_slice %arg2[%dma_start3A_67, %dma_start3A_68] : memref<10112x32xf32, #tpu.memory_space<hbm>> -> memref<10112x32xf32, #tpu.memory_space<hbm>>
    tpu.enqueue_indirect_dma source(%dma_start3A_69 : memref<10112x32xf32, #tpu.memory_space<hbm>>) target(%arg13 : memref<128x32xf32, #tpu.memory_space<vmem>>) offsets(%dma_start3A_66 : memref<128xi32, #tpu.memory_space<vmem>>) semaphore(%arg22 : memref<!tpu.dma_semaphore, #tpu.memory_space<semaphore_mem>>)
    %dma_wait3A_70 = arith.constant 1 : i32
    %dma_wait3A_71 = arith.constant 0 : i32
    %dma_wait3A_72 = tpu.memref_slice %arg6[%dma_wait3A_70, %dma_wait3A_71] : memref<40x128xi32, #tpu.memory_space<vmem>> -> memref<1x128xi32, #tpu.memory_space<vmem>>
    %dma_wait3A_73 = tpu.memref_squeeze %dma_wait3A_72 : memref<1x128xi32, #tpu.memory_space<vmem>> -> memref<128xi32, #tpu.memory_space<vmem>>
    %dma_wait3A_74 = arith.constant 0 : i32
    %dma_wait3A_75 = arith.constant 0 : i32
    %dma_wait3A_76 = tpu.memref_slice %arg2[%dma_wait3A_74, %dma_wait3A_75] : memref<10112x32xf32, #tpu.memory_space<hbm>> -> memref<10112x32xf32, #tpu.memory_space<hbm>>
    tpu.wait_indirect_dma semaphore(%arg18 : memref<!tpu.dma_semaphore, #tpu.memory_space<semaphore_mem>>) src(%dma_wait3A_76 : memref<10112x32xf32, #tpu.memory_space<hbm>>) dst(%arg9 : memref<128x32xf32, #tpu.memory_space<vmem>>)
    %dma_start3A_77 = arith.constant 1 : i32
    %dma_start3A_78 = arith.constant 0 : i32
    %dma_start3A_79 = tpu.memref_slice %arg7[%dma_start3A_77, %dma_start3A_78] : memref<40x128xi32, #tpu.memory_space<vmem>> -> memref<1x128xi32, #tpu.memory_space<vmem>>
    %dma_start3A_80 = tpu.memref_squeeze %dma_start3A_79 : memref<1x128xi32, #tpu.memory_space<vmem>> -> memref<128xi32, #tpu.memory_space<vmem>>
    %dma_start3A_81 = arith.constant 0 : i32
    %dma_start3A_82 = arith.constant 0 : i32
    %dma_start3A_83 = tpu.memref_slice %arg16[%dma_start3A_81, %dma_start3A_82] : memref<10112x32xf32, #tpu.memory_space<vmem_shared>> -> memref<10112x32xf32, #tpu.memory_space<vmem_shared>>
    tpu.enqueue_indirect_dma source(%arg9 : memref<128x32xf32, #tpu.memory_space<vmem>>) target(%dma_start3A_83 : memref<10112x32xf32, #tpu.memory_space<vmem_shared>>) offsets(%dma_start3A_80 : memref<128xi32, #tpu.memory_space<vmem>>) semaphore(%arg26 : memref<!tpu.dma_semaphore, #tpu.memory_space<semaphore_mem>>) {add = true}
    %dma_start3A_84 = arith.constant 6 : i32
    %dma_start3A_85 = arith.constant 0 : i32
    %dma_start3A_86 = tpu.memref_slice %arg6[%dma_start3A_84, %dma_start3A_85] : memref<40x128xi32, #tpu.memory_space<vmem>> -> memref<1x128xi32, #tpu.memory_space<vmem>>
    %dma_start3A_87 = tpu.memref_squeeze %dma_start3A_86 : memref<1x128xi32, #tpu.memory_space<vmem>> -> memref<128xi32, #tpu.memory_space<vmem>>
    %dma_start3A_88 = arith.constant 0 : i32
    %dma_start3A_89 = arith.constant 0 : i32
    %dma_start3A_90 = tpu.memref_slice %arg2[%dma_start3A_88, %dma_start3A_89] : memref<10112x32xf32, #tpu.memory_space<hbm>> -> memref<10112x32xf32, #tpu.memory_space<hbm>>
    tpu.enqueue_indirect_dma source(%dma_start3A_90 : memref<10112x32xf32, #tpu.memory_space<hbm>>) target(%arg14 : memref<128x32xf32, #tpu.memory_space<vmem>>) offsets(%dma_start3A_87 : memref<128xi32, #tpu.memory_space<vmem>>) semaphore(%arg23 : memref<!tpu.dma_semaphore, #tpu.memory_space<semaphore_mem>>)
    %dma_wait3A_91 = arith.constant 2 : i32
    %dma_wait3A_92 = arith.constant 0 : i32
    %dma_wait3A_93 = tpu.memref_slice %arg6[%dma_wait3A_91, %dma_wait3A_92] : memref<40x128xi32, #tpu.memory_space<vmem>> -> memref<1x128xi32, #tpu.memory_space<vmem>>
    %dma_wait3A_94 = tpu.memref_squeeze %dma_wait3A_93 : memref<1x128xi32, #tpu.memory_space<vmem>> -> memref<128xi32, #tpu.memory_space<vmem>>
    %dma_wait3A_95 = arith.constant 0 : i32
    %dma_wait3A_96 = arith.constant 0 : i32
    %dma_wait3A_97 = tpu.memref_slice %arg2[%dma_wait3A_95, %dma_wait3A_96] : memref<10112x32xf32, #tpu.memory_space<hbm>> -> memref<10112x32xf32, #tpu.memory_space<hbm>>
    tpu.wait_indirect_dma semaphore(%arg19 : memref<!tpu.dma_semaphore, #tpu.memory_space<semaphore_mem>>) src(%dma_wait3A_97 : memref<10112x32xf32, #tpu.memory_space<hbm>>) dst(%arg10 : memref<128x32xf32, #tpu.memory_space<vmem>>)
    %dma_start3A_98 = arith.constant 2 : i32
    %dma_start3A_99 = arith.constant 0 : i32
    %dma_start3A_100 = tpu.memref_slice %arg7[%dma_start3A_98, %dma_start3A_99] : memref<40x128xi32, #tpu.memory_space<vmem>> -> memref<1x128xi32, #tpu.memory_space<vmem>>
    %dma_start3A_101 = tpu.memref_squeeze %dma_start3A_100 : memref<1x128xi32, #tpu.memory_space<vmem>> -> memref<128xi32, #tpu.memory_space<vmem>>
    %dma_start3A_102 = arith.constant 0 : i32
    %dma_start3A_103 = arith.constant 0 : i32
    %dma_start3A_104 = tpu.memref_slice %arg16[%dma_start3A_102, %dma_start3A_103] : memref<10112x32xf32, #tpu.memory_space<vmem_shared>> -> memref<10112x32xf32, #tpu.memory_space<vmem_shared>>
    tpu.enqueue_indirect_dma source(%arg10 : memref<128x32xf32, #tpu.memory_space<vmem>>) target(%dma_start3A_104 : memref<10112x32xf32, #tpu.memory_space<vmem_shared>>) offsets(%dma_start3A_101 : memref<128xi32, #tpu.memory_space<vmem>>) semaphore(%arg27 : memref<!tpu.dma_semaphore, #tpu.memory_space<semaphore_mem>>) {add = true}
    %dma_start3A_105 = arith.constant 7 : i32
    %dma_start3A_106 = arith.constant 0 : i32
    %dma_start3A_107 = tpu.memref_slice %arg6[%dma_start3A_105, %dma_start3A_106] : memref<40x128xi32, #tpu.memory_space<vmem>> -> memref<1x128xi32, #tpu.memory_space<vmem>>
    %dma_start3A_108 = tpu.memref_squeeze %dma_start3A_107 : memref<1x128xi32, #tpu.memory_space<vmem>> -> memref<128xi32, #tpu.memory_space<vmem>>
    %dma_start3A_109 = arith.constant 0 : i32
    %dma_start3A_110 = arith.constant 0 : i32
    %dma_start3A_111 = tpu.memref_slice %arg2[%dma_start3A_109, %dma_start3A_110] : memref<10112x32xf32, #tpu.memory_space<hbm>> -> memref<10112x32xf32, #tpu.memory_space<hbm>>
    tpu.enqueue_indirect_dma source(%dma_start3A_111 : memref<10112x32xf32, #tpu.memory_space<hbm>>) target(%arg15 : memref<128x32xf32, #tpu.memory_space<vmem>>) offsets(%dma_start3A_108 : memref<128xi32, #tpu.memory_space<vmem>>) semaphore(%arg24 : memref<!tpu.dma_semaphore, #tpu.memory_space<semaphore_mem>>)
    %dma_wait3A_112 = arith.constant 3 : i32
    %dma_wait3A_113 = arith.constant 0 : i32
    %dma_wait3A_114 = tpu.memref_slice %arg6[%dma_wait3A_112, %dma_wait3A_113] : memref<40x128xi32, #tpu.memory_space<vmem>> -> memref<1x128xi32, #tpu.memory_space<vmem>>
    %dma_wait3A_115 = tpu.memref_squeeze %dma_wait3A_114 : memref<1x128xi32, #tpu.memory_space<vmem>> -> memref<128xi32, #tpu.memory_space<vmem>>
    %dma_wait3A_116 = arith.constant 0 : i32
    %dma_wait3A_117 = arith.constant 0 : i32
    %dma_wait3A_118 = tpu.memref_slice %arg2[%dma_wait3A_116, %dma_wait3A_117] : memref<10112x32xf32, #tpu.memory_space<hbm>> -> memref<10112x32xf32, #tpu.memory_space<hbm>>
    tpu.wait_indirect_dma semaphore(%arg20 : memref<!tpu.dma_semaphore, #tpu.memory_space<semaphore_mem>>) src(%dma_wait3A_118 : memref<10112x32xf32, #tpu.memory_space<hbm>>) dst(%arg11 : memref<128x32xf32, #tpu.memory_space<vmem>>)
    %dma_start3A_119 = arith.constant 3 : i32
    %dma_start3A_120 = arith.constant 0 : i32
    %dma_start3A_121 = tpu.memref_slice %arg7[%dma_start3A_119, %dma_start3A_120] : memref<40x128xi32, #tpu.memory_space<vmem>> -> memref<1x128xi32, #tpu.memory_space<vmem>>
    %dma_start3A_122 = tpu.memref_squeeze %dma_start3A_121 : memref<1x128xi32, #tpu.memory_space<vmem>> -> memref<128xi32, #tpu.memory_space<vmem>>
    %dma_start3A_123 = arith.constant 0 : i32
    %dma_start3A_124 = arith.constant 0 : i32
    %dma_start3A_125 = tpu.memref_slice %arg16[%dma_start3A_123, %dma_start3A_124] : memref<10112x32xf32, #tpu.memory_space<vmem_shared>> -> memref<10112x32xf32, #tpu.memory_space<vmem_shared>>
    tpu.enqueue_indirect_dma source(%arg11 : memref<128x32xf32, #tpu.memory_space<vmem>>) target(%dma_start3A_125 : memref<10112x32xf32, #tpu.memory_space<vmem_shared>>) offsets(%dma_start3A_122 : memref<128xi32, #tpu.memory_space<vmem>>) semaphore(%arg28 : memref<!tpu.dma_semaphore, #tpu.memory_space<semaphore_mem>>) {add = true}
    %scan3A = arith.constant 0 : i32
    %scan3A_126 = arith.constant 1 : i32
    %scan3A_127 = arith.constant 4 : i32
    %scan3A_128 = arith.addi %scan3A_126, %scan3A_127 : i32
    %scan3A_129 = arith.constant 1 : i32
    scf.for %scan3A_248 = %scan3A_126 to %scan3A_128 step %scan3A_129  : i32 {
      %mul3A_249 = arith.constant 8 : i32
      %mul3A_250 = arith.muli %mul3A_249, %scan3A_248 : i32
      %add3A_251 = arith.constant 0 : i32
      %add3A_252 = arith.addi %mul3A_250, %add3A_251 : i32
      %dma_wait3A_253 = arith.constant 0 : i32
      %dma_wait3A_254 = arith.constant 0 : i32
      %dma_wait3A_255 = tpu.memref_slice %arg7[%dma_wait3A_253, %dma_wait3A_254] : memref<40x128xi32, #tpu.memory_space<vmem>> -> memref<1x128xi32, #tpu.memory_space<vmem>>
      %dma_wait3A_256 = tpu.memref_squeeze %dma_wait3A_255 : memref<1x128xi32, #tpu.memory_space<vmem>> -> memref<128xi32, #tpu.memory_space<vmem>>
      %dma_wait3A_257 = arith.constant 0 : i32
      %dma_wait3A_258 = arith.constant 0 : i32
      %dma_wait3A_259 = tpu.memref_slice %arg16[%dma_wait3A_257, %dma_wait3A_258] : memref<10112x32xf32, #tpu.memory_space<vmem_shared>> -> memref<10112x32xf32, #tpu.memory_space<vmem_shared>>
      tpu.wait_indirect_dma semaphore(%arg25 : memref<!tpu.dma_semaphore, #tpu.memory_space<semaphore_mem>>) src(%arg8 : memref<128x32xf32, #tpu.memory_space<vmem>>) dst(%dma_wait3A_259 : memref<10112x32xf32, #tpu.memory_space<vmem_shared>>)
      %dma_start3A_260 = arith.constant 0 : i32
      %dma_start3A_261 = tpu.memref_slice %arg6[%add3A_252, %dma_start3A_260] : memref<40x128xi32, #tpu.memory_space<vmem>> -> memref<1x128xi32, #tpu.memory_space<vmem>>
      %dma_start3A_262 = tpu.memref_squeeze %dma_start3A_261 : memref<1x128xi32, #tpu.memory_space<vmem>> -> memref<128xi32, #tpu.memory_space<vmem>>
      %dma_start3A_263 = arith.constant 0 : i32
      %dma_start3A_264 = arith.constant 0 : i32
      %dma_start3A_265 = tpu.memref_slice %arg2[%dma_start3A_263, %dma_start3A_264] : memref<10112x32xf32, #tpu.memory_space<hbm>> -> memref<10112x32xf32, #tpu.memory_space<hbm>>
      tpu.enqueue_indirect_dma source(%dma_start3A_265 : memref<10112x32xf32, #tpu.memory_space<hbm>>) target(%arg8 : memref<128x32xf32, #tpu.memory_space<vmem>>) offsets(%dma_start3A_262 : memref<128xi32, #tpu.memory_space<vmem>>) semaphore(%arg17 : memref<!tpu.dma_semaphore, #tpu.memory_space<semaphore_mem>>)
      %sub3A = arith.constant 4 : i32
      %sub3A_266 = arith.subi %add3A_252, %sub3A : i32
      %dma_wait3A_267 = arith.constant 0 : i32
      %dma_wait3A_268 = tpu.memref_slice %arg6[%sub3A_266, %dma_wait3A_267] : memref<40x128xi32, #tpu.memory_space<vmem>> -> memref<1x128xi32, #tpu.memory_space<vmem>>
      %dma_wait3A_269 = tpu.memref_squeeze %dma_wait3A_268 : memref<1x128xi32, #tpu.memory_space<vmem>> -> memref<128xi32, #tpu.memory_space<vmem>>
      %dma_wait3A_270 = arith.constant 0 : i32
      %dma_wait3A_271 = arith.constant 0 : i32
      %dma_wait3A_272 = tpu.memref_slice %arg2[%dma_wait3A_270, %dma_wait3A_271] : memref<10112x32xf32, #tpu.memory_space<hbm>> -> memref<10112x32xf32, #tpu.memory_space<hbm>>
      tpu.wait_indirect_dma semaphore(%arg21 : memref<!tpu.dma_semaphore, #tpu.memory_space<semaphore_mem>>) src(%dma_wait3A_272 : memref<10112x32xf32, #tpu.memory_space<hbm>>) dst(%arg12 : memref<128x32xf32, #tpu.memory_space<vmem>>)
      %sub3A_273 = arith.constant 4 : i32
      %sub3A_274 = arith.subi %add3A_252, %sub3A_273 : i32
      %dma_start3A_275 = arith.constant 0 : i32
      %dma_start3A_276 = tpu.memref_slice %arg7[%sub3A_274, %dma_start3A_275] : memref<40x128xi32, #tpu.memory_space<vmem>> -> memref<1x128xi32, #tpu.memory_space<vmem>>
      %dma_start3A_277 = tpu.memref_squeeze %dma_start3A_276 : memref<1x128xi32, #tpu.memory_space<vmem>> -> memref<128xi32, #tpu.memory_space<vmem>>
      %dma_start3A_278 = arith.constant 0 : i32
      %dma_start3A_279 = arith.constant 0 : i32
      %dma_start3A_280 = tpu.memref_slice %arg16[%dma_start3A_278, %dma_start3A_279] : memref<10112x32xf32, #tpu.memory_space<vmem_shared>> -> memref<10112x32xf32, #tpu.memory_space<vmem_shared>>
      tpu.enqueue_indirect_dma source(%arg12 : memref<128x32xf32, #tpu.memory_space<vmem>>) target(%dma_start3A_280 : memref<10112x32xf32, #tpu.memory_space<vmem_shared>>) offsets(%dma_start3A_277 : memref<128xi32, #tpu.memory_space<vmem>>) semaphore(%arg29 : memref<!tpu.dma_semaphore, #tpu.memory_space<semaphore_mem>>) {add = true}
      %mul3A_281 = arith.constant 8 : i32
      %mul3A_282 = arith.muli %mul3A_281, %scan3A_248 : i32
      %add3A_283 = arith.constant 1 : i32
      %add3A_284 = arith.addi %mul3A_282, %add3A_283 : i32
      %dma_wait3A_285 = arith.constant 0 : i32
      %dma_wait3A_286 = arith.constant 0 : i32
      %dma_wait3A_287 = tpu.memref_slice %arg7[%dma_wait3A_285, %dma_wait3A_286] : memref<40x128xi32, #tpu.memory_space<vmem>> -> memref<1x128xi32, #tpu.memory_space<vmem>>
      %dma_wait3A_288 = tpu.memref_squeeze %dma_wait3A_287 : memref<1x128xi32, #tpu.memory_space<vmem>> -> memref<128xi32, #tpu.memory_space<vmem>>
      %dma_wait3A_289 = arith.constant 0 : i32
      %dma_wait3A_290 = arith.constant 0 : i32
      %dma_wait3A_291 = tpu.memref_slice %arg16[%dma_wait3A_289, %dma_wait3A_290] : memref<10112x32xf32, #tpu.memory_space<vmem_shared>> -> memref<10112x32xf32, #tpu.memory_space<vmem_shared>>
      tpu.wait_indirect_dma semaphore(%arg26 : memref<!tpu.dma_semaphore, #tpu.memory_space<semaphore_mem>>) src(%arg9 : memref<128x32xf32, #tpu.memory_space<vmem>>) dst(%dma_wait3A_291 : memref<10112x32xf32, #tpu.memory_space<vmem_shared>>)
      %dma_start3A_292 = arith.constant 0 : i32
      %dma_start3A_293 = tpu.memref_slice %arg6[%add3A_284, %dma_start3A_292] : memref<40x128xi32, #tpu.memory_space<vmem>> -> memref<1x128xi32, #tpu.memory_space<vmem>>
      %dma_start3A_294 = tpu.memref_squeeze %dma_start3A_293 : memref<1x128xi32, #tpu.memory_space<vmem>> -> memref<128xi32, #tpu.memory_space<vmem>>
      %dma_start3A_295 = arith.constant 0 : i32
      %dma_start3A_296 = arith.constant 0 : i32
      %dma_start3A_297 = tpu.memref_slice %arg2[%dma_start3A_295, %dma_start3A_296] : memref<10112x32xf32, #tpu.memory_space<hbm>> -> memref<10112x32xf32, #tpu.memory_space<hbm>>
      tpu.enqueue_indirect_dma source(%dma_start3A_297 : memref<10112x32xf32, #tpu.memory_space<hbm>>) target(%arg9 : memref<128x32xf32, #tpu.memory_space<vmem>>) offsets(%dma_start3A_294 : memref<128xi32, #tpu.memory_space<vmem>>) semaphore(%arg18 : memref<!tpu.dma_semaphore, #tpu.memory_space<semaphore_mem>>)
      %sub3A_298 = arith.constant 4 : i32
      %sub3A_299 = arith.subi %add3A_284, %sub3A_298 : i32
      %dma_wait3A_300 = arith.constant 0 : i32
      %dma_wait3A_301 = tpu.memref_slice %arg6[%sub3A_299, %dma_wait3A_300] : memref<40x128xi32, #tpu.memory_space<vmem>> -> memref<1x128xi32, #tpu.memory_space<vmem>>
      %dma_wait3A_302 = tpu.memref_squeeze %dma_wait3A_301 : memref<1x128xi32, #tpu.memory_space<vmem>> -> memref<128xi32, #tpu.memory_space<vmem>>
      %dma_wait3A_303 = arith.constant 0 : i32
      %dma_wait3A_304 = arith.constant 0 : i32
      %dma_wait3A_305 = tpu.memref_slice %arg2[%dma_wait3A_303, %dma_wait3A_304] : memref<10112x32xf32, #tpu.memory_space<hbm>> -> memref<10112x32xf32, #tpu.memory_space<hbm>>
      tpu.wait_indirect_dma semaphore(%arg22 : memref<!tpu.dma_semaphore, #tpu.memory_space<semaphore_mem>>) src(%dma_wait3A_305 : memref<10112x32xf32, #tpu.memory_space<hbm>>) dst(%arg13 : memref<128x32xf32, #tpu.memory_space<vmem>>)
      %sub3A_306 = arith.constant 4 : i32
      %sub3A_307 = arith.subi %add3A_284, %sub3A_306 : i32
      %dma_start3A_308 = arith.constant 0 : i32
      %dma_start3A_309 = tpu.memref_slice %arg7[%sub3A_307, %dma_start3A_308] : memref<40x128xi32, #tpu.memory_space<vmem>> -> memref<1x128xi32, #tpu.memory_space<vmem>>
      %dma_start3A_310 = tpu.memref_squeeze %dma_start3A_309 : memref<1x128xi32, #tpu.memory_space<vmem>> -> memref<128xi32, #tpu.memory_space<vmem>>
      %dma_start3A_311 = arith.constant 0 : i32
      %dma_start3A_312 = arith.constant 0 : i32
      %dma_start3A_313 = tpu.memref_slice %arg16[%dma_start3A_311, %dma_start3A_312] : memref<10112x32xf32, #tpu.memory_space<vmem_shared>> -> memref<10112x32xf32, #tpu.memory_space<vmem_shared>>
      tpu.enqueue_indirect_dma source(%arg13 : memref<128x32xf32, #tpu.memory_space<vmem>>) target(%dma_start3A_313 : memref<10112x32xf32, #tpu.memory_space<vmem_shared>>) offsets(%dma_start3A_310 : memref<128xi32, #tpu.memory_space<vmem>>) semaphore(%arg30 : memref<!tpu.dma_semaphore, #tpu.memory_space<semaphore_mem>>) {add = true}
      %mul3A_314 = arith.constant 8 : i32
      %mul3A_315 = arith.muli %mul3A_314, %scan3A_248 : i32
      %add3A_316 = arith.constant 2 : i32
      %add3A_317 = arith.addi %mul3A_315, %add3A_316 : i32
      %dma_wait3A_318 = arith.constant 0 : i32
      %dma_wait3A_319 = arith.constant 0 : i32
      %dma_wait3A_320 = tpu.memref_slice %arg7[%dma_wait3A_318, %dma_wait3A_319] : memref<40x128xi32, #tpu.memory_space<vmem>> -> memref<1x128xi32, #tpu.memory_space<vmem>>
      %dma_wait3A_321 = tpu.memref_squeeze %dma_wait3A_320 : memref<1x128xi32, #tpu.memory_space<vmem>> -> memref<128xi32, #tpu.memory_space<vmem>>
      %dma_wait3A_322 = arith.constant 0 : i32
      %dma_wait3A_323 = arith.constant 0 : i32
      %dma_wait3A_324 = tpu.memref_slice %arg16[%dma_wait3A_322, %dma_wait3A_323] : memref<10112x32xf32, #tpu.memory_space<vmem_shared>> -> memref<10112x32xf32, #tpu.memory_space<vmem_shared>>
      tpu.wait_indirect_dma semaphore(%arg27 : memref<!tpu.dma_semaphore, #tpu.memory_space<semaphore_mem>>) src(%arg10 : memref<128x32xf32, #tpu.memory_space<vmem>>) dst(%dma_wait3A_324 : memref<10112x32xf32, #tpu.memory_space<vmem_shared>>)
      %dma_start3A_325 = arith.constant 0 : i32
      %dma_start3A_326 = tpu.memref_slice %arg6[%add3A_317, %dma_start3A_325] : memref<40x128xi32, #tpu.memory_space<vmem>> -> memref<1x128xi32, #tpu.memory_space<vmem>>
      %dma_start3A_327 = tpu.memref_squeeze %dma_start3A_326 : memref<1x128xi32, #tpu.memory_space<vmem>> -> memref<128xi32, #tpu.memory_space<vmem>>
      %dma_start3A_328 = arith.constant 0 : i32
      %dma_start3A_329 = arith.constant 0 : i32
      %dma_start3A_330 = tpu.memref_slice %arg2[%dma_start3A_328, %dma_start3A_329] : memref<10112x32xf32, #tpu.memory_space<hbm>> -> memref<10112x32xf32, #tpu.memory_space<hbm>>
      tpu.enqueue_indirect_dma source(%dma_start3A_330 : memref<10112x32xf32, #tpu.memory_space<hbm>>) target(%arg10 : memref<128x32xf32, #tpu.memory_space<vmem>>) offsets(%dma_start3A_327 : memref<128xi32, #tpu.memory_space<vmem>>) semaphore(%arg19 : memref<!tpu.dma_semaphore, #tpu.memory_space<semaphore_mem>>)
      %sub3A_331 = arith.constant 4 : i32
      %sub3A_332 = arith.subi %add3A_317, %sub3A_331 : i32
      %dma_wait3A_333 = arith.constant 0 : i32
      %dma_wait3A_334 = tpu.memref_slice %arg6[%sub3A_332, %dma_wait3A_333] : memref<40x128xi32, #tpu.memory_space<vmem>> -> memref<1x128xi32, #tpu.memory_space<vmem>>
      %dma_wait3A_335 = tpu.memref_squeeze %dma_wait3A_334 : memref<1x128xi32, #tpu.memory_space<vmem>> -> memref<128xi32, #tpu.memory_space<vmem>>
      %dma_wait3A_336 = arith.constant 0 : i32
      %dma_wait3A_337 = arith.constant 0 : i32
      %dma_wait3A_338 = tpu.memref_slice %arg2[%dma_wait3A_336, %dma_wait3A_337] : memref<10112x32xf32, #tpu.memory_space<hbm>> -> memref<10112x32xf32, #tpu.memory_space<hbm>>
      tpu.wait_indirect_dma semaphore(%arg23 : memref<!tpu.dma_semaphore, #tpu.memory_space<semaphore_mem>>) src(%dma_wait3A_338 : memref<10112x32xf32, #tpu.memory_space<hbm>>) dst(%arg14 : memref<128x32xf32, #tpu.memory_space<vmem>>)
      %sub3A_339 = arith.constant 4 : i32
      %sub3A_340 = arith.subi %add3A_317, %sub3A_339 : i32
      %dma_start3A_341 = arith.constant 0 : i32
      %dma_start3A_342 = tpu.memref_slice %arg7[%sub3A_340, %dma_start3A_341] : memref<40x128xi32, #tpu.memory_space<vmem>> -> memref<1x128xi32, #tpu.memory_space<vmem>>
      %dma_start3A_343 = tpu.memref_squeeze %dma_start3A_342 : memref<1x128xi32, #tpu.memory_space<vmem>> -> memref<128xi32, #tpu.memory_space<vmem>>
      %dma_start3A_344 = arith.constant 0 : i32
      %dma_start3A_345 = arith.constant 0 : i32
      %dma_start3A_346 = tpu.memref_slice %arg16[%dma_start3A_344, %dma_start3A_345] : memref<10112x32xf32, #tpu.memory_space<vmem_shared>> -> memref<10112x32xf32, #tpu.memory_space<vmem_shared>>
      tpu.enqueue_indirect_dma source(%arg14 : memref<128x32xf32, #tpu.memory_space<vmem>>) target(%dma_start3A_346 : memref<10112x32xf32, #tpu.memory_space<vmem_shared>>) offsets(%dma_start3A_343 : memref<128xi32, #tpu.memory_space<vmem>>) semaphore(%arg31 : memref<!tpu.dma_semaphore, #tpu.memory_space<semaphore_mem>>) {add = true}
      %mul3A_347 = arith.constant 8 : i32
      %mul3A_348 = arith.muli %mul3A_347, %scan3A_248 : i32
      %add3A_349 = arith.constant 3 : i32
      %add3A_350 = arith.addi %mul3A_348, %add3A_349 : i32
      %dma_wait3A_351 = arith.constant 0 : i32
      %dma_wait3A_352 = arith.constant 0 : i32
      %dma_wait3A_353 = tpu.memref_slice %arg7[%dma_wait3A_351, %dma_wait3A_352] : memref<40x128xi32, #tpu.memory_space<vmem>> -> memref<1x128xi32, #tpu.memory_space<vmem>>
      %dma_wait3A_354 = tpu.memref_squeeze %dma_wait3A_353 : memref<1x128xi32, #tpu.memory_space<vmem>> -> memref<128xi32, #tpu.memory_space<vmem>>
      %dma_wait3A_355 = arith.constant 0 : i32
      %dma_wait3A_356 = arith.constant 0 : i32
      %dma_wait3A_357 = tpu.memref_slice %arg16[%dma_wait3A_355, %dma_wait3A_356] : memref<10112x32xf32, #tpu.memory_space<vmem_shared>> -> memref<10112x32xf32, #tpu.memory_space<vmem_shared>>
      tpu.wait_indirect_dma semaphore(%arg28 : memref<!tpu.dma_semaphore, #tpu.memory_space<semaphore_mem>>) src(%arg11 : memref<128x32xf32, #tpu.memory_space<vmem>>) dst(%dma_wait3A_357 : memref<10112x32xf32, #tpu.memory_space<vmem_shared>>)
      %dma_start3A_358 = arith.constant 0 : i32
      %dma_start3A_359 = tpu.memref_slice %arg6[%add3A_350, %dma_start3A_358] : memref<40x128xi32, #tpu.memory_space<vmem>> -> memref<1x128xi32, #tpu.memory_space<vmem>>
      %dma_start3A_360 = tpu.memref_squeeze %dma_start3A_359 : memref<1x128xi32, #tpu.memory_space<vmem>> -> memref<128xi32, #tpu.memory_space<vmem>>
      %dma_start3A_361 = arith.constant 0 : i32
      %dma_start3A_362 = arith.constant 0 : i32
      %dma_start3A_363 = tpu.memref_slice %arg2[%dma_start3A_361, %dma_start3A_362] : memref<10112x32xf32, #tpu.memory_space<hbm>> -> memref<10112x32xf32, #tpu.memory_space<hbm>>
      tpu.enqueue_indirect_dma source(%dma_start3A_363 : memref<10112x32xf32, #tpu.memory_space<hbm>>) target(%arg11 : memref<128x32xf32, #tpu.memory_space<vmem>>) offsets(%dma_start3A_360 : memref<128xi32, #tpu.memory_space<vmem>>) semaphore(%arg20 : memref<!tpu.dma_semaphore, #tpu.memory_space<semaphore_mem>>)
      %sub3A_364 = arith.constant 4 : i32
      %sub3A_365 = arith.subi %add3A_350, %sub3A_364 : i32
      %dma_wait3A_366 = arith.constant 0 : i32
      %dma_wait3A_367 = tpu.memref_slice %arg6[%sub3A_365, %dma_wait3A_366] : memref<40x128xi32, #tpu.memory_space<vmem>> -> memref<1x128xi32, #tpu.memory_space<vmem>>
      %dma_wait3A_368 = tpu.memref_squeeze %dma_wait3A_367 : memref<1x128xi32, #tpu.memory_space<vmem>> -> memref<128xi32, #tpu.memory_space<vmem>>
      %dma_wait3A_369 = arith.constant 0 : i32
      %dma_wait3A_370 = arith.constant 0 : i32
      %dma_wait3A_371 = tpu.memref_slice %arg2[%dma_wait3A_369, %dma_wait3A_370] : memref<10112x32xf32, #tpu.memory_space<hbm>> -> memref<10112x32xf32, #tpu.memory_space<hbm>>
      tpu.wait_indirect_dma semaphore(%arg24 : memref<!tpu.dma_semaphore, #tpu.memory_space<semaphore_mem>>) src(%dma_wait3A_371 : memref<10112x32xf32, #tpu.memory_space<hbm>>) dst(%arg15 : memref<128x32xf32, #tpu.memory_space<vmem>>)
      %sub3A_372 = arith.constant 4 : i32
      %sub3A_373 = arith.subi %add3A_350, %sub3A_372 : i32
      %dma_start3A_374 = arith.constant 0 : i32
      %dma_start3A_375 = tpu.memref_slice %arg7[%sub3A_373, %dma_start3A_374] : memref<40x128xi32, #tpu.memory_space<vmem>> -> memref<1x128xi32, #tpu.memory_space<vmem>>
      %dma_start3A_376 = tpu.memref_squeeze %dma_start3A_375 : memref<1x128xi32, #tpu.memory_space<vmem>> -> memref<128xi32, #tpu.memory_space<vmem>>
      %dma_start3A_377 = arith.constant 0 : i32
      %dma_start3A_378 = arith.constant 0 : i32
      %dma_start3A_379 = tpu.memref_slice %arg16[%dma_start3A_377, %dma_start3A_378] : memref<10112x32xf32, #tpu.memory_space<vmem_shared>> -> memref<10112x32xf32, #tpu.memory_space<vmem_shared>>
      tpu.enqueue_indirect_dma source(%arg15 : memref<128x32xf32, #tpu.memory_space<vmem>>) target(%dma_start3A_379 : memref<10112x32xf32, #tpu.memory_space<vmem_shared>>) offsets(%dma_start3A_376 : memref<128xi32, #tpu.memory_space<vmem>>) semaphore(%arg32 : memref<!tpu.dma_semaphore, #tpu.memory_space<semaphore_mem>>) {add = true}
      %mul3A_380 = arith.constant 8 : i32
      %mul3A_381 = arith.muli %mul3A_380, %scan3A_248 : i32
      %add3A_382 = arith.constant 4 : i32
      %add3A_383 = arith.addi %mul3A_381, %add3A_382 : i32
      %dma_wait3A_384 = arith.constant 0 : i32
      %dma_wait3A_385 = arith.constant 0 : i32
      %dma_wait3A_386 = tpu.memref_slice %arg7[%dma_wait3A_384, %dma_wait3A_385] : memref<40x128xi32, #tpu.memory_space<vmem>> -> memref<1x128xi32, #tpu.memory_space<vmem>>
      %dma_wait3A_387 = tpu.memref_squeeze %dma_wait3A_386 : memref<1x128xi32, #tpu.memory_space<vmem>> -> memref<128xi32, #tpu.memory_space<vmem>>
      %dma_wait3A_388 = arith.constant 0 : i32
      %dma_wait3A_389 = arith.constant 0 : i32
      %dma_wait3A_390 = tpu.memref_slice %arg16[%dma_wait3A_388, %dma_wait3A_389] : memref<10112x32xf32, #tpu.memory_space<vmem_shared>> -> memref<10112x32xf32, #tpu.memory_space<vmem_shared>>
      tpu.wait_indirect_dma semaphore(%arg29 : memref<!tpu.dma_semaphore, #tpu.memory_space<semaphore_mem>>) src(%arg12 : memref<128x32xf32, #tpu.memory_space<vmem>>) dst(%dma_wait3A_390 : memref<10112x32xf32, #tpu.memory_space<vmem_shared>>)
      %dma_start3A_391 = arith.constant 0 : i32
      %dma_start3A_392 = tpu.memref_slice %arg6[%add3A_383, %dma_start3A_391] : memref<40x128xi32, #tpu.memory_space<vmem>> -> memref<1x128xi32, #tpu.memory_space<vmem>>
      %dma_start3A_393 = tpu.memref_squeeze %dma_start3A_392 : memref<1x128xi32, #tpu.memory_space<vmem>> -> memref<128xi32, #tpu.memory_space<vmem>>
      %dma_start3A_394 = arith.constant 0 : i32
      %dma_start3A_395 = arith.constant 0 : i32
      %dma_start3A_396 = tpu.memref_slice %arg2[%dma_start3A_394, %dma_start3A_395] : memref<10112x32xf32, #tpu.memory_space<hbm>> -> memref<10112x32xf32, #tpu.memory_space<hbm>>
      tpu.enqueue_indirect_dma source(%dma_start3A_396 : memref<10112x32xf32, #tpu.memory_space<hbm>>) target(%arg12 : memref<128x32xf32, #tpu.memory_space<vmem>>) offsets(%dma_start3A_393 : memref<128xi32, #tpu.memory_space<vmem>>) semaphore(%arg21 : memref<!tpu.dma_semaphore, #tpu.memory_space<semaphore_mem>>)
      %sub3A_397 = arith.constant 4 : i32
      %sub3A_398 = arith.subi %add3A_383, %sub3A_397 : i32
      %dma_wait3A_399 = arith.constant 0 : i32
      %dma_wait3A_400 = tpu.memref_slice %arg6[%sub3A_398, %dma_wait3A_399] : memref<40x128xi32, #tpu.memory_space<vmem>> -> memref<1x128xi32, #tpu.memory_space<vmem>>
      %dma_wait3A_401 = tpu.memref_squeeze %dma_wait3A_400 : memref<1x128xi32, #tpu.memory_space<vmem>> -> memref<128xi32, #tpu.memory_space<vmem>>
      %dma_wait3A_402 = arith.constant 0 : i32
      %dma_wait3A_403 = arith.constant 0 : i32
      %dma_wait3A_404 = tpu.memref_slice %arg2[%dma_wait3A_402, %dma_wait3A_403] : memref<10112x32xf32, #tpu.memory_space<hbm>> -> memref<10112x32xf32, #tpu.memory_space<hbm>>
      tpu.wait_indirect_dma semaphore(%arg17 : memref<!tpu.dma_semaphore, #tpu.memory_space<semaphore_mem>>) src(%dma_wait3A_404 : memref<10112x32xf32, #tpu.memory_space<hbm>>) dst(%arg8 : memref<128x32xf32, #tpu.memory_space<vmem>>)
      %sub3A_405 = arith.constant 4 : i32
      %sub3A_406 = arith.subi %add3A_383, %sub3A_405 : i32
      %dma_start3A_407 = arith.constant 0 : i32
      %dma_start3A_408 = tpu.memref_slice %arg7[%sub3A_406, %dma_start3A_407] : memref<40x128xi32, #tpu.memory_space<vmem>> -> memref<1x128xi32, #tpu.memory_space<vmem>>
      %dma_start3A_409 = tpu.memref_squeeze %dma_start3A_408 : memref<1x128xi32, #tpu.memory_space<vmem>> -> memref<128xi32, #tpu.memory_space<vmem>>
      %dma_start3A_410 = arith.constant 0 : i32
      %dma_start3A_411 = arith.constant 0 : i32
      %dma_start3A_412 = tpu.memref_slice %arg16[%dma_start3A_410, %dma_start3A_411] : memref<10112x32xf32, #tpu.memory_space<vmem_shared>> -> memref<10112x32xf32, #tpu.memory_space<vmem_shared>>
      tpu.enqueue_indirect_dma source(%arg8 : memref<128x32xf32, #tpu.memory_space<vmem>>) target(%dma_start3A_412 : memref<10112x32xf32, #tpu.memory_space<vmem_shared>>) offsets(%dma_start3A_409 : memref<128xi32, #tpu.memory_space<vmem>>) semaphore(%arg25 : memref<!tpu.dma_semaphore, #tpu.memory_space<semaphore_mem>>) {add = true}
      %mul3A_413 = arith.constant 8 : i32
      %mul3A_414 = arith.muli %mul3A_413, %scan3A_248 : i32
      %add3A_415 = arith.constant 5 : i32
      %add3A_416 = arith.addi %mul3A_414, %add3A_415 : i32
      %dma_wait3A_417 = arith.constant 0 : i32
      %dma_wait3A_418 = arith.constant 0 : i32
      %dma_wait3A_419 = tpu.memref_slice %arg7[%dma_wait3A_417, %dma_wait3A_418] : memref<40x128xi32, #tpu.memory_space<vmem>> -> memref<1x128xi32, #tpu.memory_space<vmem>>
      %dma_wait3A_420 = tpu.memref_squeeze %dma_wait3A_419 : memref<1x128xi32, #tpu.memory_space<vmem>> -> memref<128xi32, #tpu.memory_space<vmem>>
      %dma_wait3A_421 = arith.constant 0 : i32
      %dma_wait3A_422 = arith.constant 0 : i32
      %dma_wait3A_423 = tpu.memref_slice %arg16[%dma_wait3A_421, %dma_wait3A_422] : memref<10112x32xf32, #tpu.memory_space<vmem_shared>> -> memref<10112x32xf32, #tpu.memory_space<vmem_shared>>
      tpu.wait_indirect_dma semaphore(%arg30 : memref<!tpu.dma_semaphore, #tpu.memory_space<semaphore_mem>>) src(%arg13 : memref<128x32xf32, #tpu.memory_space<vmem>>) dst(%dma_wait3A_423 : memref<10112x32xf32, #tpu.memory_space<vmem_shared>>)
      %dma_start3A_424 = arith.constant 0 : i32
      %dma_start3A_425 = tpu.memref_slice %arg6[%add3A_416, %dma_start3A_424] : memref<40x128xi32, #tpu.memory_space<vmem>> -> memref<1x128xi32, #tpu.memory_space<vmem>>
      %dma_start3A_426 = tpu.memref_squeeze %dma_start3A_425 : memref<1x128xi32, #tpu.memory_space<vmem>> -> memref<128xi32, #tpu.memory_space<vmem>>
      %dma_start3A_427 = arith.constant 0 : i32
      %dma_start3A_428 = arith.constant 0 : i32
      %dma_start3A_429 = tpu.memref_slice %arg2[%dma_start3A_427, %dma_start3A_428] : memref<10112x32xf32, #tpu.memory_space<hbm>> -> memref<10112x32xf32, #tpu.memory_space<hbm>>
      tpu.enqueue_indirect_dma source(%dma_start3A_429 : memref<10112x32xf32, #tpu.memory_space<hbm>>) target(%arg13 : memref<128x32xf32, #tpu.memory_space<vmem>>) offsets(%dma_start3A_426 : memref<128xi32, #tpu.memory_space<vmem>>) semaphore(%arg22 : memref<!tpu.dma_semaphore, #tpu.memory_space<semaphore_mem>>)
      %sub3A_430 = arith.constant 4 : i32
      %sub3A_431 = arith.subi %add3A_416, %sub3A_430 : i32
      %dma_wait3A_432 = arith.constant 0 : i32
      %dma_wait3A_433 = tpu.memref_slice %arg6[%sub3A_431, %dma_wait3A_432] : memref<40x128xi32, #tpu.memory_space<vmem>> -> memref<1x128xi32, #tpu.memory_space<vmem>>
      %dma_wait3A_434 = tpu.memref_squeeze %dma_wait3A_433 : memref<1x128xi32, #tpu.memory_space<vmem>> -> memref<128xi32, #tpu.memory_space<vmem>>
      %dma_wait3A_435 = arith.constant 0 : i32
      %dma_wait3A_436 = arith.constant 0 : i32
      %dma_wait3A_437 = tpu.memref_slice %arg2[%dma_wait3A_435, %dma_wait3A_436] : memref<10112x32xf32, #tpu.memory_space<hbm>> -> memref<10112x32xf32, #tpu.memory_space<hbm>>
      tpu.wait_indirect_dma semaphore(%arg18 : memref<!tpu.dma_semaphore, #tpu.memory_space<semaphore_mem>>) src(%dma_wait3A_437 : memref<10112x32xf32, #tpu.memory_space<hbm>>) dst(%arg9 : memref<128x32xf32, #tpu.memory_space<vmem>>)
      %sub3A_438 = arith.constant 4 : i32
      %sub3A_439 = arith.subi %add3A_416, %sub3A_438 : i32
      %dma_start3A_440 = arith.constant 0 : i32
      %dma_start3A_441 = tpu.memref_slice %arg7[%sub3A_439, %dma_start3A_440] : memref<40x128xi32, #tpu.memory_space<vmem>> -> memref<1x128xi32, #tpu.memory_space<vmem>>
      %dma_start3A_442 = tpu.memref_squeeze %dma_start3A_441 : memref<1x128xi32, #tpu.memory_space<vmem>> -> memref<128xi32, #tpu.memory_space<vmem>>
      %dma_start3A_443 = arith.constant 0 : i32
      %dma_start3A_444 = arith.constant 0 : i32
      %dma_start3A_445 = tpu.memref_slice %arg16[%dma_start3A_443, %dma_start3A_444] : memref<10112x32xf32, #tpu.memory_space<vmem_shared>> -> memref<10112x32xf32, #tpu.memory_space<vmem_shared>>
      tpu.enqueue_indirect_dma source(%arg9 : memref<128x32xf32, #tpu.memory_space<vmem>>) target(%dma_start3A_445 : memref<10112x32xf32, #tpu.memory_space<vmem_shared>>) offsets(%dma_start3A_442 : memref<128xi32, #tpu.memory_space<vmem>>) semaphore(%arg26 : memref<!tpu.dma_semaphore, #tpu.memory_space<semaphore_mem>>) {add = true}
      %mul3A_446 = arith.constant 8 : i32
      %mul3A_447 = arith.muli %mul3A_446, %scan3A_248 : i32
      %add3A_448 = arith.constant 6 : i32
      %add3A_449 = arith.addi %mul3A_447, %add3A_448 : i32
      %dma_wait3A_450 = arith.constant 0 : i32
      %dma_wait3A_451 = arith.constant 0 : i32
      %dma_wait3A_452 = tpu.memref_slice %arg7[%dma_wait3A_450, %dma_wait3A_451] : memref<40x128xi32, #tpu.memory_space<vmem>> -> memref<1x128xi32, #tpu.memory_space<vmem>>
      %dma_wait3A_453 = tpu.memref_squeeze %dma_wait3A_452 : memref<1x128xi32, #tpu.memory_space<vmem>> -> memref<128xi32, #tpu.memory_space<vmem>>
      %dma_wait3A_454 = arith.constant 0 : i32
      %dma_wait3A_455 = arith.constant 0 : i32
      %dma_wait3A_456 = tpu.memref_slice %arg16[%dma_wait3A_454, %dma_wait3A_455] : memref<10112x32xf32, #tpu.memory_space<vmem_shared>> -> memref<10112x32xf32, #tpu.memory_space<vmem_shared>>
      tpu.wait_indirect_dma semaphore(%arg31 : memref<!tpu.dma_semaphore, #tpu.memory_space<semaphore_mem>>) src(%arg14 : memref<128x32xf32, #tpu.memory_space<vmem>>) dst(%dma_wait3A_456 : memref<10112x32xf32, #tpu.memory_space<vmem_shared>>)
      %dma_start3A_457 = arith.constant 0 : i32
      %dma_start3A_458 = tpu.memref_slice %arg6[%add3A_449, %dma_start3A_457] : memref<40x128xi32, #tpu.memory_space<vmem>> -> memref<1x128xi32, #tpu.memory_space<vmem>>
      %dma_start3A_459 = tpu.memref_squeeze %dma_start3A_458 : memref<1x128xi32, #tpu.memory_space<vmem>> -> memref<128xi32, #tpu.memory_space<vmem>>
      %dma_start3A_460 = arith.constant 0 : i32
      %dma_start3A_461 = arith.constant 0 : i32
      %dma_start3A_462 = tpu.memref_slice %arg2[%dma_start3A_460, %dma_start3A_461] : memref<10112x32xf32, #tpu.memory_space<hbm>> -> memref<10112x32xf32, #tpu.memory_space<hbm>>
      tpu.enqueue_indirect_dma source(%dma_start3A_462 : memref<10112x32xf32, #tpu.memory_space<hbm>>) target(%arg14 : memref<128x32xf32, #tpu.memory_space<vmem>>) offsets(%dma_start3A_459 : memref<128xi32, #tpu.memory_space<vmem>>) semaphore(%arg23 : memref<!tpu.dma_semaphore, #tpu.memory_space<semaphore_mem>>)
      %sub3A_463 = arith.constant 4 : i32
      %sub3A_464 = arith.subi %add3A_449, %sub3A_463 : i32
      %dma_wait3A_465 = arith.constant 0 : i32
      %dma_wait3A_466 = tpu.memref_slice %arg6[%sub3A_464, %dma_wait3A_465] : memref<40x128xi32, #tpu.memory_space<vmem>> -> memref<1x128xi32, #tpu.memory_space<vmem>>
      %dma_wait3A_467 = tpu.memref_squeeze %dma_wait3A_466 : memref<1x128xi32, #tpu.memory_space<vmem>> -> memref<128xi32, #tpu.memory_space<vmem>>
      %dma_wait3A_468 = arith.constant 0 : i32
      %dma_wait3A_469 = arith.constant 0 : i32
      %dma_wait3A_470 = tpu.memref_slice %arg2[%dma_wait3A_468, %dma_wait3A_469] : memref<10112x32xf32, #tpu.memory_space<hbm>> -> memref<10112x32xf32, #tpu.memory_space<hbm>>
      tpu.wait_indirect_dma semaphore(%arg19 : memref<!tpu.dma_semaphore, #tpu.memory_space<semaphore_mem>>) src(%dma_wait3A_470 : memref<10112x32xf32, #tpu.memory_space<hbm>>) dst(%arg10 : memref<128x32xf32, #tpu.memory_space<vmem>>)
      %sub3A_471 = arith.constant 4 : i32
      %sub3A_472 = arith.subi %add3A_449, %sub3A_471 : i32
      %dma_start3A_473 = arith.constant 0 : i32
      %dma_start3A_474 = tpu.memref_slice %arg7[%sub3A_472, %dma_start3A_473] : memref<40x128xi32, #tpu.memory_space<vmem>> -> memref<1x128xi32, #tpu.memory_space<vmem>>
      %dma_start3A_475 = tpu.memref_squeeze %dma_start3A_474 : memref<1x128xi32, #tpu.memory_space<vmem>> -> memref<128xi32, #tpu.memory_space<vmem>>
      %dma_start3A_476 = arith.constant 0 : i32
      %dma_start3A_477 = arith.constant 0 : i32
      %dma_start3A_478 = tpu.memref_slice %arg16[%dma_start3A_476, %dma_start3A_477] : memref<10112x32xf32, #tpu.memory_space<vmem_shared>> -> memref<10112x32xf32, #tpu.memory_space<vmem_shared>>
      tpu.enqueue_indirect_dma source(%arg10 : memref<128x32xf32, #tpu.memory_space<vmem>>) target(%dma_start3A_478 : memref<10112x32xf32, #tpu.memory_space<vmem_shared>>) offsets(%dma_start3A_475 : memref<128xi32, #tpu.memory_space<vmem>>) semaphore(%arg27 : memref<!tpu.dma_semaphore, #tpu.memory_space<semaphore_mem>>) {add = true}
      %mul3A_479 = arith.constant 8 : i32
      %mul3A_480 = arith.muli %mul3A_479, %scan3A_248 : i32
      %add3A_481 = arith.constant 7 : i32
      %add3A_482 = arith.addi %mul3A_480, %add3A_481 : i32
      %dma_wait3A_483 = arith.constant 0 : i32
      %dma_wait3A_484 = arith.constant 0 : i32
      %dma_wait3A_485 = tpu.memref_slice %arg7[%dma_wait3A_483, %dma_wait3A_484] : memref<40x128xi32, #tpu.memory_space<vmem>> -> memref<1x128xi32, #tpu.memory_space<vmem>>
      %dma_wait3A_486 = tpu.memref_squeeze %dma_wait3A_485 : memref<1x128xi32, #tpu.memory_space<vmem>> -> memref<128xi32, #tpu.memory_space<vmem>>
      %dma_wait3A_487 = arith.constant 0 : i32
      %dma_wait3A_488 = arith.constant 0 : i32
      %dma_wait3A_489 = tpu.memref_slice %arg16[%dma_wait3A_487, %dma_wait3A_488] : memref<10112x32xf32, #tpu.memory_space<vmem_shared>> -> memref<10112x32xf32, #tpu.memory_space<vmem_shared>>
      tpu.wait_indirect_dma semaphore(%arg32 : memref<!tpu.dma_semaphore, #tpu.memory_space<semaphore_mem>>) src(%arg15 : memref<128x32xf32, #tpu.memory_space<vmem>>) dst(%dma_wait3A_489 : memref<10112x32xf32, #tpu.memory_space<vmem_shared>>)
      %dma_start3A_490 = arith.constant 0 : i32
      %dma_start3A_491 = tpu.memref_slice %arg6[%add3A_482, %dma_start3A_490] : memref<40x128xi32, #tpu.memory_space<vmem>> -> memref<1x128xi32, #tpu.memory_space<vmem>>
      %dma_start3A_492 = tpu.memref_squeeze %dma_start3A_491 : memref<1x128xi32, #tpu.memory_space<vmem>> -> memref<128xi32, #tpu.memory_space<vmem>>
      %dma_start3A_493 = arith.constant 0 : i32
      %dma_start3A_494 = arith.constant 0 : i32
      %dma_start3A_495 = tpu.memref_slice %arg2[%dma_start3A_493, %dma_start3A_494] : memref<10112x32xf32, #tpu.memory_space<hbm>> -> memref<10112x32xf32, #tpu.memory_space<hbm>>
      tpu.enqueue_indirect_dma source(%dma_start3A_495 : memref<10112x32xf32, #tpu.memory_space<hbm>>) target(%arg15 : memref<128x32xf32, #tpu.memory_space<vmem>>) offsets(%dma_start3A_492 : memref<128xi32, #tpu.memory_space<vmem>>) semaphore(%arg24 : memref<!tpu.dma_semaphore, #tpu.memory_space<semaphore_mem>>)
      %sub3A_496 = arith.constant 4 : i32
      %sub3A_497 = arith.subi %add3A_482, %sub3A_496 : i32
      %dma_wait3A_498 = arith.constant 0 : i32
      %dma_wait3A_499 = tpu.memref_slice %arg6[%sub3A_497, %dma_wait3A_498] : memref<40x128xi32, #tpu.memory_space<vmem>> -> memref<1x128xi32, #tpu.memory_space<vmem>>
      %dma_wait3A_500 = tpu.memref_squeeze %dma_wait3A_499 : memref<1x128xi32, #tpu.memory_space<vmem>> -> memref<128xi32, #tpu.memory_space<vmem>>
      %dma_wait3A_501 = arith.constant 0 : i32
      %dma_wait3A_502 = arith.constant 0 : i32
      %dma_wait3A_503 = tpu.memref_slice %arg2[%dma_wait3A_501, %dma_wait3A_502] : memref<10112x32xf32, #tpu.memory_space<hbm>> -> memref<10112x32xf32, #tpu.memory_space<hbm>>
      tpu.wait_indirect_dma semaphore(%arg20 : memref<!tpu.dma_semaphore, #tpu.memory_space<semaphore_mem>>) src(%dma_wait3A_503 : memref<10112x32xf32, #tpu.memory_space<hbm>>) dst(%arg11 : memref<128x32xf32, #tpu.memory_space<vmem>>)
      %sub3A_504 = arith.constant 4 : i32
      %sub3A_505 = arith.subi %add3A_482, %sub3A_504 : i32
      %dma_start3A_506 = arith.constant 0 : i32
      %dma_start3A_507 = tpu.memref_slice %arg7[%sub3A_505, %dma_start3A_506] : memref<40x128xi32, #tpu.memory_space<vmem>> -> memref<1x128xi32, #tpu.memory_space<vmem>>
      %dma_start3A_508 = tpu.memref_squeeze %dma_start3A_507 : memref<1x128xi32, #tpu.memory_space<vmem>> -> memref<128xi32, #tpu.memory_space<vmem>>
      %dma_start3A_509 = arith.constant 0 : i32
      %dma_start3A_510 = arith.constant 0 : i32
      %dma_start3A_511 = tpu.memref_slice %arg16[%dma_start3A_509, %dma_start3A_510] : memref<10112x32xf32, #tpu.memory_space<vmem_shared>> -> memref<10112x32xf32, #tpu.memory_space<vmem_shared>>
      tpu.enqueue_indirect_dma source(%arg11 : memref<128x32xf32, #tpu.memory_space<vmem>>) target(%dma_start3A_511 : memref<10112x32xf32, #tpu.memory_space<vmem_shared>>) offsets(%dma_start3A_508 : memref<128xi32, #tpu.memory_space<vmem>>) semaphore(%arg28 : memref<!tpu.dma_semaphore, #tpu.memory_space<semaphore_mem>>) {add = true}
    }
    %scan3A_130 = arith.constant 4 : i32
    %dma_wait3A_131 = arith.constant 36 : i32
    %dma_wait3A_132 = arith.constant 0 : i32
    %dma_wait3A_133 = tpu.memref_slice %arg6[%dma_wait3A_131, %dma_wait3A_132] : memref<40x128xi32, #tpu.memory_space<vmem>> -> memref<1x128xi32, #tpu.memory_space<vmem>>
    %dma_wait3A_134 = tpu.memref_squeeze %dma_wait3A_133 : memref<1x128xi32, #tpu.memory_space<vmem>> -> memref<128xi32, #tpu.memory_space<vmem>>
    %dma_wait3A_135 = arith.constant 0 : i32
    %dma_wait3A_136 = arith.constant 0 : i32
    %dma_wait3A_137 = tpu.memref_slice %arg2[%dma_wait3A_135, %dma_wait3A_136] : memref<10112x32xf32, #tpu.memory_space<hbm>> -> memref<10112x32xf32, #tpu.memory_space<hbm>>
    tpu.wait_indirect_dma semaphore(%arg21 : memref<!tpu.dma_semaphore, #tpu.memory_space<semaphore_mem>>) src(%dma_wait3A_137 : memref<10112x32xf32, #tpu.memory_space<hbm>>) dst(%arg12 : memref<128x32xf32, #tpu.memory_space<vmem>>)
    %dma_start3A_138 = arith.constant 36 : i32
    %dma_start3A_139 = arith.constant 0 : i32
    %dma_start3A_140 = tpu.memref_slice %arg7[%dma_start3A_138, %dma_start3A_139] : memref<40x128xi32, #tpu.memory_space<vmem>> -> memref<1x128xi32, #tpu.memory_space<vmem>>
    %dma_start3A_141 = tpu.memref_squeeze %dma_start3A_140 : memref<1x128xi32, #tpu.memory_space<vmem>> -> memref<128xi32, #tpu.memory_space<vmem>>
    %dma_start3A_142 = arith.constant 0 : i32
    %dma_start3A_143 = arith.constant 0 : i32
    %dma_start3A_144 = tpu.memref_slice %arg16[%dma_start3A_142, %dma_start3A_143] : memref<10112x32xf32, #tpu.memory_space<vmem_shared>> -> memref<10112x32xf32, #tpu.memory_space<vmem_shared>>
    tpu.enqueue_indirect_dma source(%arg12 : memref<128x32xf32, #tpu.memory_space<vmem>>) target(%dma_start3A_144 : memref<10112x32xf32, #tpu.memory_space<vmem_shared>>) offsets(%dma_start3A_141 : memref<128xi32, #tpu.memory_space<vmem>>) semaphore(%arg29 : memref<!tpu.dma_semaphore, #tpu.memory_space<semaphore_mem>>) {add = true}
    %dma_wait3A_145 = arith.constant 37 : i32
    %dma_wait3A_146 = arith.constant 0 : i32
    %dma_wait3A_147 = tpu.memref_slice %arg6[%dma_wait3A_145, %dma_wait3A_146] : memref<40x128xi32, #tpu.memory_space<vmem>> -> memref<1x128xi32, #tpu.memory_space<vmem>>
    %dma_wait3A_148 = tpu.memref_squeeze %dma_wait3A_147 : memref<1x128xi32, #tpu.memory_space<vmem>> -> memref<128xi32, #tpu.memory_space<vmem>>
    %dma_wait3A_149 = arith.constant 0 : i32
    %dma_wait3A_150 = arith.constant 0 : i32
    %dma_wait3A_151 = tpu.memref_slice %arg2[%dma_wait3A_149, %dma_wait3A_150] : memref<10112x32xf32, #tpu.memory_space<hbm>> -> memref<10112x32xf32, #tpu.memory_space<hbm>>
    tpu.wait_indirect_dma semaphore(%arg22 : memref<!tpu.dma_semaphore, #tpu.memory_space<semaphore_mem>>) src(%dma_wait3A_151 : memref<10112x32xf32, #tpu.memory_space<hbm>>) dst(%arg13 : memref<128x32xf32, #tpu.memory_space<vmem>>)
    %dma_start3A_152 = arith.constant 37 : i32
    %dma_start3A_153 = arith.constant 0 : i32
    %dma_start3A_154 = tpu.memref_slice %arg7[%dma_start3A_152, %dma_start3A_153] : memref<40x128xi32, #tpu.memory_space<vmem>> -> memref<1x128xi32, #tpu.memory_space<vmem>>
    %dma_start3A_155 = tpu.memref_squeeze %dma_start3A_154 : memref<1x128xi32, #tpu.memory_space<vmem>> -> memref<128xi32, #tpu.memory_space<vmem>>
    %dma_start3A_156 = arith.constant 0 : i32
    %dma_start3A_157 = arith.constant 0 : i32
    %dma_start3A_158 = tpu.memref_slice %arg16[%dma_start3A_156, %dma_start3A_157] : memref<10112x32xf32, #tpu.memory_space<vmem_shared>> -> memref<10112x32xf32, #tpu.memory_space<vmem_shared>>
    tpu.enqueue_indirect_dma source(%arg13 : memref<128x32xf32, #tpu.memory_space<vmem>>) target(%dma_start3A_158 : memref<10112x32xf32, #tpu.memory_space<vmem_shared>>) offsets(%dma_start3A_155 : memref<128xi32, #tpu.memory_space<vmem>>) semaphore(%arg30 : memref<!tpu.dma_semaphore, #tpu.memory_space<semaphore_mem>>) {add = true}
    %dma_wait3A_159 = arith.constant 38 : i32
    %dma_wait3A_160 = arith.constant 0 : i32
    %dma_wait3A_161 = tpu.memref_slice %arg6[%dma_wait3A_159, %dma_wait3A_160] : memref<40x128xi32, #tpu.memory_space<vmem>> -> memref<1x128xi32, #tpu.memory_space<vmem>>
    %dma_wait3A_162 = tpu.memref_squeeze %dma_wait3A_161 : memref<1x128xi32, #tpu.memory_space<vmem>> -> memref<128xi32, #tpu.memory_space<vmem>>
    %dma_wait3A_163 = arith.constant 0 : i32
    %dma_wait3A_164 = arith.constant 0 : i32
    %dma_wait3A_165 = tpu.memref_slice %arg2[%dma_wait3A_163, %dma_wait3A_164] : memref<10112x32xf32, #tpu.memory_space<hbm>> -> memref<10112x32xf32, #tpu.memory_space<hbm>>
    tpu.wait_indirect_dma semaphore(%arg23 : memref<!tpu.dma_semaphore, #tpu.memory_space<semaphore_mem>>) src(%dma_wait3A_165 : memref<10112x32xf32, #tpu.memory_space<hbm>>) dst(%arg14 : memref<128x32xf32, #tpu.memory_space<vmem>>)
    %dma_start3A_166 = arith.constant 38 : i32
    %dma_start3A_167 = arith.constant 0 : i32
    %dma_start3A_168 = tpu.memref_slice %arg7[%dma_start3A_166, %dma_start3A_167] : memref<40x128xi32, #tpu.memory_space<vmem>> -> memref<1x128xi32, #tpu.memory_space<vmem>>
    %dma_start3A_169 = tpu.memref_squeeze %dma_start3A_168 : memref<1x128xi32, #tpu.memory_space<vmem>> -> memref<128xi32, #tpu.memory_space<vmem>>
    %dma_start3A_170 = arith.constant 0 : i32
    %dma_start3A_171 = arith.constant 0 : i32
    %dma_start3A_172 = tpu.memref_slice %arg16[%dma_start3A_170, %dma_start3A_171] : memref<10112x32xf32, #tpu.memory_space<vmem_shared>> -> memref<10112x32xf32, #tpu.memory_space<vmem_shared>>
    tpu.enqueue_indirect_dma source(%arg14 : memref<128x32xf32, #tpu.memory_space<vmem>>) target(%dma_start3A_172 : memref<10112x32xf32, #tpu.memory_space<vmem_shared>>) offsets(%dma_start3A_169 : memref<128xi32, #tpu.memory_space<vmem>>) semaphore(%arg31 : memref<!tpu.dma_semaphore, #tpu.memory_space<semaphore_mem>>) {add = true}
    %dma_wait3A_173 = arith.constant 39 : i32
    %dma_wait3A_174 = arith.constant 0 : i32
    %dma_wait3A_175 = tpu.memref_slice %arg6[%dma_wait3A_173, %dma_wait3A_174] : memref<40x128xi32, #tpu.memory_space<vmem>> -> memref<1x128xi32, #tpu.memory_space<vmem>>
    %dma_wait3A_176 = tpu.memref_squeeze %dma_wait3A_175 : memref<1x128xi32, #tpu.memory_space<vmem>> -> memref<128xi32, #tpu.memory_space<vmem>>
    %dma_wait3A_177 = arith.constant 0 : i32
    %dma_wait3A_178 = arith.constant 0 : i32
    %dma_wait3A_179 = tpu.memref_slice %arg2[%dma_wait3A_177, %dma_wait3A_178] : memref<10112x32xf32, #tpu.memory_space<hbm>> -> memref<10112x32xf32, #tpu.memory_space<hbm>>
    tpu.wait_indirect_dma semaphore(%arg24 : memref<!tpu.dma_semaphore, #tpu.memory_space<semaphore_mem>>) src(%dma_wait3A_179 : memref<10112x32xf32, #tpu.memory_space<hbm>>) dst(%arg15 : memref<128x32xf32, #tpu.memory_space<vmem>>)
    %dma_start3A_180 = arith.constant 39 : i32
    %dma_start3A_181 = arith.constant 0 : i32
    %dma_start3A_182 = tpu.memref_slice %arg7[%dma_start3A_180, %dma_start3A_181] : memref<40x128xi32, #tpu.memory_space<vmem>> -> memref<1x128xi32, #tpu.memory_space<vmem>>
    %dma_start3A_183 = tpu.memref_squeeze %dma_start3A_182 : memref<1x128xi32, #tpu.memory_space<vmem>> -> memref<128xi32, #tpu.memory_space<vmem>>
    %dma_start3A_184 = arith.constant 0 : i32
    %dma_start3A_185 = arith.constant 0 : i32
    %dma_start3A_186 = tpu.memref_slice %arg16[%dma_start3A_184, %dma_start3A_185] : memref<10112x32xf32, #tpu.memory_space<vmem_shared>> -> memref<10112x32xf32, #tpu.memory_space<vmem_shared>>
    tpu.enqueue_indirect_dma source(%arg15 : memref<128x32xf32, #tpu.memory_space<vmem>>) target(%dma_start3A_186 : memref<10112x32xf32, #tpu.memory_space<vmem_shared>>) offsets(%dma_start3A_183 : memref<128xi32, #tpu.memory_space<vmem>>) semaphore(%arg32 : memref<!tpu.dma_semaphore, #tpu.memory_space<semaphore_mem>>) {add = true}
    %dma_wait3A_187 = arith.constant 0 : i32
    %dma_wait3A_188 = arith.constant 0 : i32
    %dma_wait3A_189 = tpu.memref_slice %arg7[%dma_wait3A_187, %dma_wait3A_188] : memref<40x128xi32, #tpu.memory_space<vmem>> -> memref<1x128xi32, #tpu.memory_space<vmem>>
    %dma_wait3A_190 = tpu.memref_squeeze %dma_wait3A_189 : memref<1x128xi32, #tpu.memory_space<vmem>> -> memref<128xi32, #tpu.memory_space<vmem>>
    %dma_wait3A_191 = arith.constant 0 : i32
    %dma_wait3A_192 = arith.constant 0 : i32
    %dma_wait3A_193 = tpu.memref_slice %arg16[%dma_wait3A_191, %dma_wait3A_192] : memref<10112x32xf32, #tpu.memory_space<vmem_shared>> -> memref<10112x32xf32, #tpu.memory_space<vmem_shared>>
    tpu.wait_indirect_dma semaphore(%arg25 : memref<!tpu.dma_semaphore, #tpu.memory_space<semaphore_mem>>) src(%arg8 : memref<128x32xf32, #tpu.memory_space<vmem>>) dst(%dma_wait3A_193 : memref<10112x32xf32, #tpu.memory_space<vmem_shared>>)
    %dma_wait3A_194 = arith.constant 0 : i32
    %dma_wait3A_195 = arith.constant 0 : i32
    %dma_wait3A_196 = tpu.memref_slice %arg7[%dma_wait3A_194, %dma_wait3A_195] : memref<40x128xi32, #tpu.memory_space<vmem>> -> memref<1x128xi32, #tpu.memory_space<vmem>>
    %dma_wait3A_197 = tpu.memref_squeeze %dma_wait3A_196 : memref<1x128xi32, #tpu.memory_space<vmem>> -> memref<128xi32, #tpu.memory_space<vmem>>
    %dma_wait3A_198 = arith.constant 0 : i32
    %dma_wait3A_199 = arith.constant 0 : i32
    %dma_wait3A_200 = tpu.memref_slice %arg16[%dma_wait3A_198, %dma_wait3A_199] : memref<10112x32xf32, #tpu.memory_space<vmem_shared>> -> memref<10112x32xf32, #tpu.memory_space<vmem_shared>>
    tpu.wait_indirect_dma semaphore(%arg26 : memref<!tpu.dma_semaphore, #tpu.memory_space<semaphore_mem>>) src(%arg9 : memref<128x32xf32, #tpu.memory_space<vmem>>) dst(%dma_wait3A_200 : memref<10112x32xf32, #tpu.memory_space<vmem_shared>>)
    %dma_wait3A_201 = arith.constant 0 : i32
    %dma_wait3A_202 = arith.constant 0 : i32
    %dma_wait3A_203 = tpu.memref_slice %arg7[%dma_wait3A_201, %dma_wait3A_202] : memref<40x128xi32, #tpu.memory_space<vmem>> -> memref<1x128xi32, #tpu.memory_space<vmem>>
    %dma_wait3A_204 = tpu.memref_squeeze %dma_wait3A_203 : memref<1x128xi32, #tpu.memory_space<vmem>> -> memref<128xi32, #tpu.memory_space<vmem>>
    %dma_wait3A_205 = arith.constant 0 : i32
    %dma_wait3A_206 = arith.constant 0 : i32
    %dma_wait3A_207 = tpu.memref_slice %arg16[%dma_wait3A_205, %dma_wait3A_206] : memref<10112x32xf32, #tpu.memory_space<vmem_shared>> -> memref<10112x32xf32, #tpu.memory_space<vmem_shared>>
    tpu.wait_indirect_dma semaphore(%arg27 : memref<!tpu.dma_semaphore, #tpu.memory_space<semaphore_mem>>) src(%arg10 : memref<128x32xf32, #tpu.memory_space<vmem>>) dst(%dma_wait3A_207 : memref<10112x32xf32, #tpu.memory_space<vmem_shared>>)
    %dma_wait3A_208 = arith.constant 0 : i32
    %dma_wait3A_209 = arith.constant 0 : i32
    %dma_wait3A_210 = tpu.memref_slice %arg7[%dma_wait3A_208, %dma_wait3A_209] : memref<40x128xi32, #tpu.memory_space<vmem>> -> memref<1x128xi32, #tpu.memory_space<vmem>>
    %dma_wait3A_211 = tpu.memref_squeeze %dma_wait3A_210 : memref<1x128xi32, #tpu.memory_space<vmem>> -> memref<128xi32, #tpu.memory_space<vmem>>
    %dma_wait3A_212 = arith.constant 0 : i32
    %dma_wait3A_213 = arith.constant 0 : i32
    %dma_wait3A_214 = tpu.memref_slice %arg16[%dma_wait3A_212, %dma_wait3A_213] : memref<10112x32xf32, #tpu.memory_space<vmem_shared>> -> memref<10112x32xf32, #tpu.memory_space<vmem_shared>>
    tpu.wait_indirect_dma semaphore(%arg28 : memref<!tpu.dma_semaphore, #tpu.memory_space<semaphore_mem>>) src(%arg11 : memref<128x32xf32, #tpu.memory_space<vmem>>) dst(%dma_wait3A_214 : memref<10112x32xf32, #tpu.memory_space<vmem_shared>>)
    %dma_wait3A_215 = arith.constant 0 : i32
    %dma_wait3A_216 = arith.constant 0 : i32
    %dma_wait3A_217 = tpu.memref_slice %arg7[%dma_wait3A_215, %dma_wait3A_216] : memref<40x128xi32, #tpu.memory_space<vmem>> -> memref<1x128xi32, #tpu.memory_space<vmem>>
    %dma_wait3A_218 = tpu.memref_squeeze %dma_wait3A_217 : memref<1x128xi32, #tpu.memory_space<vmem>> -> memref<128xi32, #tpu.memory_space<vmem>>
    %dma_wait3A_219 = arith.constant 0 : i32
    %dma_wait3A_220 = arith.constant 0 : i32
    %dma_wait3A_221 = tpu.memref_slice %arg16[%dma_wait3A_219, %dma_wait3A_220] : memref<10112x32xf32, #tpu.memory_space<vmem_shared>> -> memref<10112x32xf32, #tpu.memory_space<vmem_shared>>
    tpu.wait_indirect_dma semaphore(%arg29 : memref<!tpu.dma_semaphore, #tpu.memory_space<semaphore_mem>>) src(%arg12 : memref<128x32xf32, #tpu.memory_space<vmem>>) dst(%dma_wait3A_221 : memref<10112x32xf32, #tpu.memory_space<vmem_shared>>)
    %dma_wait3A_222 = arith.constant 0 : i32
    %dma_wait3A_223 = arith.constant 0 : i32
    %dma_wait3A_224 = tpu.memref_slice %arg7[%dma_wait3A_222, %dma_wait3A_223] : memref<40x128xi32, #tpu.memory_space<vmem>> -> memref<1x128xi32, #tpu.memory_space<vmem>>
    %dma_wait3A_225 = tpu.memref_squeeze %dma_wait3A_224 : memref<1x128xi32, #tpu.memory_space<vmem>> -> memref<128xi32, #tpu.memory_space<vmem>>
    %dma_wait3A_226 = arith.constant 0 : i32
    %dma_wait3A_227 = arith.constant 0 : i32
    %dma_wait3A_228 = tpu.memref_slice %arg16[%dma_wait3A_226, %dma_wait3A_227] : memref<10112x32xf32, #tpu.memory_space<vmem_shared>> -> memref<10112x32xf32, #tpu.memory_space<vmem_shared>>
    tpu.wait_indirect_dma semaphore(%arg30 : memref<!tpu.dma_semaphore, #tpu.memory_space<semaphore_mem>>) src(%arg13 : memref<128x32xf32, #tpu.memory_space<vmem>>) dst(%dma_wait3A_228 : memref<10112x32xf32, #tpu.memory_space<vmem_shared>>)
    %dma_wait3A_229 = arith.constant 0 : i32
    %dma_wait3A_230 = arith.constant 0 : i32
    %dma_wait3A_231 = tpu.memref_slice %arg7[%dma_wait3A_229, %dma_wait3A_230] : memref<40x128xi32, #tpu.memory_space<vmem>> -> memref<1x128xi32, #tpu.memory_space<vmem>>
    %dma_wait3A_232 = tpu.memref_squeeze %dma_wait3A_231 : memref<1x128xi32, #tpu.memory_space<vmem>> -> memref<128xi32, #tpu.memory_space<vmem>>
    %dma_wait3A_233 = arith.constant 0 : i32
    %dma_wait3A_234 = arith.constant 0 : i32
    %dma_wait3A_235 = tpu.memref_slice %arg16[%dma_wait3A_233, %dma_wait3A_234] : memref<10112x32xf32, #tpu.memory_space<vmem_shared>> -> memref<10112x32xf32, #tpu.memory_space<vmem_shared>>
    tpu.wait_indirect_dma semaphore(%arg31 : memref<!tpu.dma_semaphore, #tpu.memory_space<semaphore_mem>>) src(%arg14 : memref<128x32xf32, #tpu.memory_space<vmem>>) dst(%dma_wait3A_235 : memref<10112x32xf32, #tpu.memory_space<vmem_shared>>)
    %dma_wait3A_236 = arith.constant 0 : i32
    %dma_wait3A_237 = arith.constant 0 : i32
    %dma_wait3A_238 = tpu.memref_slice %arg7[%dma_wait3A_236, %dma_wait3A_237] : memref<40x128xi32, #tpu.memory_space<vmem>> -> memref<1x128xi32, #tpu.memory_space<vmem>>
    %dma_wait3A_239 = tpu.memref_squeeze %dma_wait3A_238 : memref<1x128xi32, #tpu.memory_space<vmem>> -> memref<128xi32, #tpu.memory_space<vmem>>
    %dma_wait3A_240 = arith.constant 0 : i32
    %dma_wait3A_241 = arith.constant 0 : i32
    %dma_wait3A_242 = tpu.memref_slice %arg16[%dma_wait3A_240, %dma_wait3A_241] : memref<10112x32xf32, #tpu.memory_space<vmem_shared>> -> memref<10112x32xf32, #tpu.memory_space<vmem_shared>>
    tpu.wait_indirect_dma semaphore(%arg32 : memref<!tpu.dma_semaphore, #tpu.memory_space<semaphore_mem>>) src(%arg15 : memref<128x32xf32, #tpu.memory_space<vmem>>) dst(%dma_wait3A_242 : memref<10112x32xf32, #tpu.memory_space<vmem_shared>>)
    %barrier3A_243 = arith.constant 0 : index
    tpu.barrier barrier_id(%barrier3A_243)
    %mul3A_244 = arith.constant 632 : i32
    %mul3A_245 = arith.muli %arg1, %mul3A_244 : i32
    %mul3A_246 = arith.constant 632 : i32
    %mul3A_247 = arith.muli %arg1, %mul3A_246 : i32
    "tpu.region"() ({
      %run_scoped3A_248 = tpu.sem_alloc : memref<!tpu.dma_semaphore, #tpu.memory_space<semaphore_mem>>
      %dma_start3A_249 = arith.constant 0 : i32
      %dma_start3A_250 = arith.constant 0 : i32
      %dma_start3A_251 = tpu.memref_slice %arg5[%arg0, %dma_start3A_249, %dma_start3A_250] : memref<2x10112x32xf32, #tpu.memory_space<hbm>> -> memref<1x10112x32xf32, #tpu.memory_space<hbm>>
      %dma_start3A_252 = tpu.memref_squeeze %dma_start3A_251 : memref<1x10112x32xf32, #tpu.memory_space<hbm>> -> memref<10112x32xf32, #tpu.memory_space<hbm>>
      %dma_start3A_253 = arith.constant 0 : i32
      %dma_start3A_254 = tpu.memref_slice %dma_start3A_252[%mul3A_247, %dma_start3A_253] : memref<10112x32xf32, #tpu.memory_space<hbm>> -> memref<632x32xf32, #tpu.memory_space<hbm>>
      %dma_start3A_255 = arith.constant 0 : i32
      %dma_start3A_256 = tpu.memref_slice %arg16[%mul3A_245, %dma_start3A_255] : memref<10112x32xf32, #tpu.memory_space<vmem_shared>> -> memref<632x32xf32, #tpu.memory_space<vmem_shared>>
      tpu.enqueue_dma source(%dma_start3A_256 : memref<632x32xf32, #tpu.memory_space<vmem_shared>>) target(%dma_start3A_254 : memref<632x32xf32, #tpu.memory_space<hbm>>) target_semaphore(%run_scoped3A_248 : memref<!tpu.dma_semaphore, #tpu.memory_space<semaphore_mem>>)
      %dma_wait3A_257 = arith.constant 0 : i32
      %dma_wait3A_258 = arith.constant 0 : i32
      %dma_wait3A_259 = tpu.memref_slice %arg5[%arg0, %dma_wait3A_257, %dma_wait3A_258] : memref<2x10112x32xf32, #tpu.memory_space<hbm>> -> memref<1x10112x32xf32, #tpu.memory_space<hbm>>
      %dma_wait3A_260 = tpu.memref_squeeze %dma_wait3A_259 : memref<1x10112x32xf32, #tpu.memory_space<hbm>> -> memref<10112x32xf32, #tpu.memory_space<hbm>>
      %dma_wait3A_261 = arith.constant 0 : i32
      %dma_wait3A_262 = tpu.memref_slice %dma_wait3A_260[%mul3A_247, %dma_wait3A_261] : memref<10112x32xf32, #tpu.memory_space<hbm>> -> memref<632x32xf32, #tpu.memory_space<hbm>>
      %dma_wait3A_263 = arith.constant 0 : i32
      %dma_wait3A_264 = tpu.memref_slice %arg16[%mul3A_245, %dma_wait3A_263] : memref<10112x32xf32, #tpu.memory_space<vmem_shared>> -> memref<632x32xf32, #tpu.memory_space<vmem_shared>>
      tpu.wait_dma2 semaphore(%run_scoped3A_248 : memref<!tpu.dma_semaphore, #tpu.memory_space<semaphore_mem>>) src(%dma_wait3A_264 : memref<632x32xf32, #tpu.memory_space<vmem_shared>>) dst(%dma_wait3A_262 : memref<632x32xf32, #tpu.memory_space<hbm>>)
      tpu.yield
    }) : () -> ()
    return
  }
}

module attributes {stable_mosaic.version = 14 : i64} {
  func.func @_m1b_body(%arg0: memref<2528x128xf32, #tpu.memory_space<vmem>>, %arg1: memref<2x2528x128xf32, #tpu.memory_space<vmem>>, %arg2: memref<2528x128xf32, #tpu.memory_space<vmem>>) attributes {dimension_semantics = [], scalar_prefetch = 0 : i64, scratch_operands = 0 : i64, tpu.core_type = #tpu.core_type<tc>} {
    %get3A = arith.constant 0 : index
    %get3A_0 = arith.constant 0 : index
    %get3A_1 = arith.constant 0 : index
    %get3A_2 = vector.load %arg1[%get3A, %get3A_0, %get3A_1] : memref<2x2528x128xf32, #tpu.memory_space<vmem>>, vector<1x2528x128xf32>
    %get3A_3 = vector.shape_cast %get3A_2 : vector<1x2528x128xf32> to vector<2528x128xf32>
    %add3A = arith.constant 1.000000e+00 : f32
    %add3A_4 = vector.broadcast %add3A : f32 to vector<2528x128xf32>
    %add3A_5 = arith.addf %add3A_4, %get3A_3 : vector<2528x128xf32>
    %get3A_6 = arith.constant 1 : index
    %get3A_7 = arith.constant 0 : index
    %get3A_8 = arith.constant 0 : index
    %get3A_9 = vector.load %arg1[%get3A_6, %get3A_7, %get3A_8] : memref<2x2528x128xf32, #tpu.memory_space<vmem>>, vector<1x2528x128xf32>
    %get3A_10 = vector.shape_cast %get3A_9 : vector<1x2528x128xf32> to vector<2528x128xf32>
    %add3A_11 = arith.addf %add3A_5, %get3A_10 : vector<2528x128xf32>
    %rsqrt3A = math.rsqrt %add3A_11 : vector<2528x128xf32>
    %get3A_12 = arith.constant 0 : index
    %get3A_13 = arith.constant 0 : index
    %get3A_14 = vector.load %arg0[%get3A_12, %get3A_13] : memref<2528x128xf32, #tpu.memory_space<vmem>>, vector<2528x128xf32>
    %mul3A = arith.mulf %get3A_14, %rsqrt3A : vector<2528x128xf32>
    %swap3A = arith.constant 0 : index
    %swap3A_15 = arith.constant 0 : index
    %swap3A_16 = vector.load %arg2[%swap3A, %swap3A_15] : memref<2528x128xf32, #tpu.memory_space<vmem>>, vector<2528x128xf32>
    tpu.vector_store %arg2[%swap3A, %swap3A_15], %mul3A {strides = array<i32>} : memref<2528x128xf32, #tpu.memory_space<vmem>>, vector<2528x128xf32>,
    return
  }
}

module attributes {stable_mosaic.version = 14 : i64} {
  func.func @_m1_body(%arg0: memref<10000x256xf32, #tpu.memory_space<vmem>>, %arg1: memref<256x32xf32, #tpu.memory_space<vmem>>, %arg2: memref<10112x32xf32, #tpu.memory_space<vmem>>) attributes {dimension_semantics = [], scalar_prefetch = 0 : i64, scratch_operands = 0 : i64, tpu.core_type = #tpu.core_type<tc>} {
    %get3A = arith.constant 0 : index
    %get3A_0 = arith.constant 0 : index
    %get3A_1 = vector.load %arg0[%get3A, %get3A_0] : memref<10000x256xf32, #tpu.memory_space<vmem>>, vector<10000x256xf32>
    %convert_element_type3A = arith.truncf %get3A_1 : vector<10000x256xf32> to vector<10000x256xbf16>
    %get3A_2 = arith.constant 0 : index
    %get3A_3 = arith.constant 0 : index
    %get3A_4 = vector.load %arg1[%get3A_2, %get3A_3] : memref<256x32xf32, #tpu.memory_space<vmem>>, vector<256x32xf32>
    %convert_element_type3A_5 = arith.truncf %get3A_4 : vector<256x32xf32> to vector<256x32xbf16>
    %dot_general3A = arith.constant dense<0.000000e+00> : vector<10000x32xf32>
    %dot_general3A_6 = tpu.matmul %convert_element_type3A, %convert_element_type3A_5, %dot_general3A {dimension_numbers = #tpu.dot_dimension_numbers<[1], [0], [0], [1], [0, 0, 1, 1], [], []>, transpose_lhs_hint = false} : vector<10000x256xbf16>, vector<256x32xbf16>, vector<10000x32xf32> -> vector<10000x32xf32>
    %swap3A = arith.constant 0 : index
    %swap3A_7 = arith.constant 0 : index
    %swap3A_8 = vector.load %arg2[%swap3A, %swap3A_7] : memref<10112x32xf32, #tpu.memory_space<vmem>>, vector<10000x32xf32>
    tpu.vector_store %arg2[%swap3A, %swap3A_7], %dot_general3A_6 {strides = array<i32>} : memref<10112x32xf32, #tpu.memory_space<vmem>>, vector<10000x32xf32>,
    %broadcast_in_dim3A = arith.constant 0.000000e+00 : f32
    %broadcast_in_dim3A_9 = vector.broadcast %broadcast_in_dim3A : f32 to vector<112x32xf32>
    %swap3A_10 = arith.constant 10000 : index
    %swap3A_11 = arith.constant 0 : index
    %swap3A_12 = vector.load %arg2[%swap3A_10, %swap3A_11] : memref<10112x32xf32, #tpu.memory_space<vmem>>, vector<112x32xf32>
    tpu.vector_store %arg2[%swap3A_10, %swap3A_11], %broadcast_in_dim3A_9 {strides = array<i32>} : memref<10112x32xf32, #tpu.memory_space<vmem>>, vector<112x32xf32>,
    return
  }
}

module attributes {stable_mosaic.version = 14 : i64} {
  func.func @_m2_body(%arg0: memref<2x2528x128xf32, #tpu.memory_space<vmem>>, %arg1: memref<2x2528x128xf32, #tpu.memory_space<vmem>>, %arg2: memref<1x128xf32, #tpu.memory_space<vmem>>, %arg3: memref<128x128xf32, #tpu.memory_space<vmem>>, %arg4: memref<2528x128xf32, #tpu.memory_space<vmem>>) attributes {dimension_semantics = [], scalar_prefetch = 0 : i64, scratch_operands = 0 : i64, tpu.core_type = #tpu.core_type<tc>} {
    %get3A = arith.constant 0 : index
    %get3A_0 = arith.constant 0 : index
    %get3A_1 = arith.constant 0 : index
    %get3A_2 = vector.load %arg1[%get3A, %get3A_0, %get3A_1] : memref<2x2528x128xf32, #tpu.memory_space<vmem>>, vector<1x2528x128xf32>
    %get3A_3 = vector.shape_cast %get3A_2 : vector<1x2528x128xf32> to vector<2528x128xf32>
    %add3A = arith.constant 1.000000e+00 : f32
    %add3A_4 = vector.broadcast %add3A : f32 to vector<2528x128xf32>
    %add3A_5 = arith.addf %add3A_4, %get3A_3 : vector<2528x128xf32>
    %get3A_6 = arith.constant 1 : index
    %get3A_7 = arith.constant 0 : index
    %get3A_8 = arith.constant 0 : index
    %get3A_9 = vector.load %arg1[%get3A_6, %get3A_7, %get3A_8] : memref<2x2528x128xf32, #tpu.memory_space<vmem>>, vector<1x2528x128xf32>
    %get3A_10 = vector.shape_cast %get3A_9 : vector<1x2528x128xf32> to vector<2528x128xf32>
    %add3A_11 = arith.addf %add3A_5, %get3A_10 : vector<2528x128xf32>
    %rsqrt3A = math.rsqrt %add3A_11 : vector<2528x128xf32>
    %get3A_12 = arith.constant 0 : index
    %get3A_13 = arith.constant 0 : index
    %get3A_14 = arith.constant 0 : index
    %get3A_15 = vector.load %arg0[%get3A_12, %get3A_13, %get3A_14] : memref<2x2528x128xf32, #tpu.memory_space<vmem>>, vector<1x2528x128xf32>
    %get3A_16 = vector.shape_cast %get3A_15 : vector<1x2528x128xf32> to vector<2528x128xf32>
    %get3A_17 = arith.constant 1 : index
    %get3A_18 = arith.constant 0 : index
    %get3A_19 = arith.constant 0 : index
    %get3A_20 = vector.load %arg0[%get3A_17, %get3A_18, %get3A_19] : memref<2x2528x128xf32, #tpu.memory_space<vmem>>, vector<1x2528x128xf32>
    %get3A_21 = vector.shape_cast %get3A_20 : vector<1x2528x128xf32> to vector<2528x128xf32>
    %add3A_22 = arith.addf %get3A_16, %get3A_21 : vector<2528x128xf32>
    %mul3A = arith.mulf %add3A_22, %rsqrt3A : vector<2528x128xf32>
    %get3A_23 = arith.constant 0 : index
    %get3A_24 = arith.constant 0 : index
    %get3A_25 = vector.load %arg2[%get3A_23, %get3A_24] : memref<1x128xf32, #tpu.memory_space<vmem>>, vector<1x128xf32>
    %add3A_26 = vector.broadcast %get3A_25 : vector<1x128xf32> to vector<2528x128xf32>
    %add3A_27 = arith.addf %mul3A, %add3A_26 : vector<2528x128xf32>
    %max3A = arith.constant 0.000000e+00 : f32
    %max3A_28 = vector.broadcast %max3A : f32 to vector<2528x128xf32>
    %max3A_29 = arith.maximumf %add3A_27, %max3A_28 : vector<2528x128xf32>
    %get3A_30 = arith.constant 0 : index
    %get3A_31 = arith.constant 0 : index
    %get3A_32 = vector.load %arg3[%get3A_30, %get3A_31] : memref<128x128xf32, #tpu.memory_space<vmem>>, vector<128x128xf32>
    %dot_general3A = arith.constant dense<0.000000e+00> : vector<2528x128xf32>
    %dot_general3A_33 = tpu.matmul %max3A_29, %get3A_32, %dot_general3A {dimension_numbers = #tpu.dot_dimension_numbers<[1], [0], [0], [1], [0, 0, 1, 1], [], []>, transpose_lhs_hint = false} : vector<2528x128xf32>, vector<128x128xf32>, vector<2528x128xf32> -> vector<2528x128xf32>
    %mul3A_34 = arith.mulf %dot_general3A_33, %rsqrt3A : vector<2528x128xf32>
    %iota3A = tpu.iota {dimensions = array<i32: 0>} : vector<2528x128xi32>
    %lt3A = arith.constant 2500 : i32
    %lt3A_35 = vector.broadcast %lt3A : i32 to vector<2528x128xi32>
    %lt3A_36 = arith.cmpi slt, %iota3A, %lt3A_35 : vector<2528x128xi32>
    %jit3A = arith.constant 0.000000e+00 : f32
    %broadcast_in_dim3A = vector.broadcast %jit3A : f32 to vector<2528x128xf32>
    %select_n3A = arith.select %lt3A_36, %mul3A_34, %broadcast_in_dim3A : vector<2528x128xi1>, vector<2528x128xf32>
    %swap3A = arith.constant 0 : index
    %swap3A_37 = arith.constant 0 : index
    %swap3A_38 = vector.load %arg4[%swap3A, %swap3A_37] : memref<2528x128xf32, #tpu.memory_space<vmem>>, vector<2528x128xf32>
    tpu.vector_store %arg4[%swap3A, %swap3A_37], %select_n3A {strides = array<i32>} : memref<2528x128xf32, #tpu.memory_space<vmem>>, vector<2528x128xf32>,
    return
  }
}

module attributes {stable_mosaic.version = 14 : i64} {
  func.func @_m3_body(%arg0: memref<2x2528x128xf32, #tpu.memory_space<vmem>>, %arg1: memref<2x2528x128xf32, #tpu.memory_space<vmem>>, %arg2: memref<1x128xf32, #tpu.memory_space<vmem>>, %arg3: memref<4x2528xi32, #tpu.memory_space<vmem>>, %arg4: memref<32x32xf32, #tpu.memory_space<vmem>>, %arg5: memref<1x32xf32, #tpu.memory_space<vmem>>, %arg6: memref<32x2xf32, #tpu.memory_space<vmem>>, %arg7: memref<1x2xf32, #tpu.memory_space<vmem>>, %arg8: memref<32x2xf32, #tpu.memory_space<vmem>>, %arg9: memref<1x2xf32, #tpu.memory_space<vmem>>, %arg10: memref<64x2xf32, #tpu.memory_space<vmem>>, %arg11: memref<64x2xf32, #tpu.memory_space<vmem>>) attributes {dimension_semantics = [], scalar_prefetch = 0 : i64, scratch_operands = 0 : i64, tpu.core_type = #tpu.core_type<tc>} {
    %get3A = arith.constant 0 : index
    %get3A_0 = arith.constant 0 : index
    %get3A_1 = arith.constant 0 : index
    %get3A_2 = vector.load %arg1[%get3A, %get3A_0, %get3A_1] : memref<2x2528x128xf32, #tpu.memory_space<vmem>>, vector<1x2528x128xf32>
    %get3A_3 = vector.shape_cast %get3A_2 : vector<1x2528x128xf32> to vector<2528x128xf32>
    %add3A = arith.constant 1.000000e+00 : f32
    %add3A_4 = vector.broadcast %add3A : f32 to vector<2528x128xf32>
    %add3A_5 = arith.addf %add3A_4, %get3A_3 : vector<2528x128xf32>
    %get3A_6 = arith.constant 1 : index
    %get3A_7 = arith.constant 0 : index
    %get3A_8 = arith.constant 0 : index
    %get3A_9 = vector.load %arg1[%get3A_6, %get3A_7, %get3A_8] : memref<2x2528x128xf32, #tpu.memory_space<vmem>>, vector<1x2528x128xf32>
    %get3A_10 = vector.shape_cast %get3A_9 : vector<1x2528x128xf32> to vector<2528x128xf32>
    %add3A_11 = arith.addf %add3A_5, %get3A_10 : vector<2528x128xf32>
    %rsqrt3A = math.rsqrt %add3A_11 : vector<2528x128xf32>
    %get3A_12 = arith.constant 0 : index
    %get3A_13 = arith.constant 0 : index
    %get3A_14 = arith.constant 0 : index
    %get3A_15 = vector.load %arg0[%get3A_12, %get3A_13, %get3A_14] : memref<2x2528x128xf32, #tpu.memory_space<vmem>>, vector<1x2528x128xf32>
    %get3A_16 = vector.shape_cast %get3A_15 : vector<1x2528x128xf32> to vector<2528x128xf32>
    %get3A_17 = arith.constant 1 : index
    %get3A_18 = arith.constant 0 : index
    %get3A_19 = arith.constant 0 : index
    %get3A_20 = vector.load %arg0[%get3A_17, %get3A_18, %get3A_19] : memref<2x2528x128xf32, #tpu.memory_space<vmem>>, vector<1x2528x128xf32>
    %get3A_21 = vector.shape_cast %get3A_20 : vector<1x2528x128xf32> to vector<2528x128xf32>
    %add3A_22 = arith.addf %get3A_16, %get3A_21 : vector<2528x128xf32>
    %mul3A = arith.mulf %add3A_22, %rsqrt3A : vector<2528x128xf32>
    %get3A_23 = arith.constant 0 : index
    %get3A_24 = arith.constant 0 : index
    %get3A_25 = vector.load %arg2[%get3A_23, %get3A_24] : memref<1x128xf32, #tpu.memory_space<vmem>>, vector<1x128xf32>
    %add3A_26 = vector.broadcast %get3A_25 : vector<1x128xf32> to vector<2528x128xf32>
    %add3A_27 = arith.addf %mul3A, %add3A_26 : vector<2528x128xf32>
    %max3A = arith.constant 0.000000e+00 : f32
    %max3A_28 = vector.broadcast %max3A : f32 to vector<2528x128xf32>
    %max3A_29 = arith.maximumf %add3A_27, %max3A_28 : vector<2528x128xf32>
    %iota3A = tpu.iota {dimensions = array<i32: 0>} : vector<64x2528xi32>
    %broadcast_in_dim3A = arith.constant 0.000000e+00 : f32
    %broadcast_in_dim3A_30 = vector.broadcast %broadcast_in_dim3A : f32 to vector<64x32xf32>
    %broadcast_in_dim3A_31 = arith.constant 0.000000e+00 : f32
    %broadcast_in_dim3A_32 = vector.broadcast %broadcast_in_dim3A_31 : f32 to vector<64x1xf32>
    %get3A_33 = arith.constant 0 : index
    %get3A_34 = arith.constant 0 : index
    %get3A_35 = vector.load %arg3[%get3A_33, %get3A_34] : memref<4x2528xi32, #tpu.memory_space<vmem>>, vector<1x2528xi32>
    %eq3A = vector.broadcast %get3A_35 : vector<1x2528xi32> to vector<64x2528xi32>
    %eq3A_36 = arith.cmpi eq, %eq3A, %iota3A : vector<64x2528xi32>
    %convert_element_type3A = arith.extui %eq3A_36 : vector<64x2528xi1> to vector<64x2528xi32>
    %convert_element_type3A_37 = arith.sitofp %convert_element_type3A : vector<64x2528xi32> to vector<64x2528xf32>
    %dot_general3A = arith.constant dense<0.000000e+00> : vector<64x128xf32>
    %dot_general3A_38 = tpu.matmul %convert_element_type3A_37, %max3A_29, %dot_general3A {dimension_numbers = #tpu.dot_dimension_numbers<[1], [0], [0], [1], [0, 0, 1, 1], [], []>, transpose_lhs_hint = false} : vector<64x2528xf32>, vector<2528x128xf32>, vector<64x128xf32> -> vector<64x128xf32>
    %slice3A = vector.extract_strided_slice %dot_general3A_38 {offsets = [0, 0], sizes = [64, 32], strides = [1, 1]} : vector<64x128xf32> to vector<64x32xf32>
    %add3A_39 = arith.addf %broadcast_in_dim3A_30, %slice3A : vector<64x32xf32>
    %reduce_sum3A = arith.constant dense<0.000000e+00> : vector<64xf32>
    %reduce_sum3A_40 = vector.multi_reduction <add>, %convert_element_type3A_37, %reduce_sum3A [1] : vector<64x2528xf32> to vector<64xf32>
    %broadcast_in_dim3A_41 = vector.shape_cast %reduce_sum3A_40 : vector<64xf32> to vector<64x1xf32>
    %add3A_42 = arith.addf %broadcast_in_dim3A_32, %broadcast_in_dim3A_41 : vector<64x1xf32>
    %get3A_43 = arith.constant 1 : index
    %get3A_44 = arith.constant 0 : index
    %get3A_45 = vector.load %arg3[%get3A_43, %get3A_44] : memref<4x2528xi32, #tpu.memory_space<vmem>>, vector<1x2528xi32>
    %eq3A_46 = vector.broadcast %get3A_45 : vector<1x2528xi32> to vector<64x2528xi32>
    %eq3A_47 = arith.cmpi eq, %eq3A_46, %iota3A : vector<64x2528xi32>
    %convert_element_type3A_48 = arith.extui %eq3A_47 : vector<64x2528xi1> to vector<64x2528xi32>
    %convert_element_type3A_49 = arith.sitofp %convert_element_type3A_48 : vector<64x2528xi32> to vector<64x2528xf32>
    %dot_general3A_50 = arith.constant dense<0.000000e+00> : vector<64x128xf32>
    %dot_general3A_51 = tpu.matmul %convert_element_type3A_49, %max3A_29, %dot_general3A_50 {dimension_numbers = #tpu.dot_dimension_numbers<[1], [0], [0], [1], [0, 0, 1, 1], [], []>, transpose_lhs_hint = false} : vector<64x2528xf32>, vector<2528x128xf32>, vector<64x128xf32> -> vector<64x128xf32>
    %slice3A_52 = vector.extract_strided_slice %dot_general3A_51 {offsets = [0, 32], sizes = [64, 32], strides = [1, 1]} : vector<64x128xf32> to vector<64x32xf32>
    %add3A_53 = arith.addf %add3A_39, %slice3A_52 : vector<64x32xf32>
    %reduce_sum3A_54 = arith.constant dense<0.000000e+00> : vector<64xf32>
    %reduce_sum3A_55 = vector.multi_reduction <add>, %convert_element_type3A_49, %reduce_sum3A_54 [1] : vector<64x2528xf32> to vector<64xf32>
    %broadcast_in_dim3A_56 = vector.shape_cast %reduce_sum3A_55 : vector<64xf32> to vector<64x1xf32>
    %add3A_57 = arith.addf %add3A_42, %broadcast_in_dim3A_56 : vector<64x1xf32>
    %get3A_58 = arith.constant 2 : index
    %get3A_59 = arith.constant 0 : index
    %get3A_60 = vector.load %arg3[%get3A_58, %get3A_59] : memref<4x2528xi32, #tpu.memory_space<vmem>>, vector<1x2528xi32>
    %eq3A_61 = vector.broadcast %get3A_60 : vector<1x2528xi32> to vector<64x2528xi32>
    %eq3A_62 = arith.cmpi eq, %eq3A_61, %iota3A : vector<64x2528xi32>
    %convert_element_type3A_63 = arith.extui %eq3A_62 : vector<64x2528xi1> to vector<64x2528xi32>
    %convert_element_type3A_64 = arith.sitofp %convert_element_type3A_63 : vector<64x2528xi32> to vector<64x2528xf32>
    %dot_general3A_65 = arith.constant dense<0.000000e+00> : vector<64x128xf32>
    %dot_general3A_66 = tpu.matmul %convert_element_type3A_64, %max3A_29, %dot_general3A_65 {dimension_numbers = #tpu.dot_dimension_numbers<[1], [0], [0], [1], [0, 0, 1, 1], [], []>, transpose_lhs_hint = false} : vector<64x2528xf32>, vector<2528x128xf32>, vector<64x128xf32> -> vector<64x128xf32>
    %slice3A_67 = vector.extract_strided_slice %dot_general3A_66 {offsets = [0, 64], sizes = [64, 32], strides = [1, 1]} : vector<64x128xf32> to vector<64x32xf32>
    %add3A_68 = arith.addf %add3A_53, %slice3A_67 : vector<64x32xf32>
    %reduce_sum3A_69 = arith.constant dense<0.000000e+00> : vector<64xf32>
    %reduce_sum3A_70 = vector.multi_reduction <add>, %convert_element_type3A_64, %reduce_sum3A_69 [1] : vector<64x2528xf32> to vector<64xf32>
    %broadcast_in_dim3A_71 = vector.shape_cast %reduce_sum3A_70 : vector<64xf32> to vector<64x1xf32>
    %add3A_72 = arith.addf %add3A_57, %broadcast_in_dim3A_71 : vector<64x1xf32>
    %get3A_73 = arith.constant 3 : index
    %get3A_74 = arith.constant 0 : index
    %get3A_75 = vector.load %arg3[%get3A_73, %get3A_74] : memref<4x2528xi32, #tpu.memory_space<vmem>>, vector<1x2528xi32>
    %eq3A_76 = vector.broadcast %get3A_75 : vector<1x2528xi32> to vector<64x2528xi32>
    %eq3A_77 = arith.cmpi eq, %eq3A_76, %iota3A : vector<64x2528xi32>
    %convert_element_type3A_78 = arith.extui %eq3A_77 : vector<64x2528xi1> to vector<64x2528xi32>
    %convert_element_type3A_79 = arith.sitofp %convert_element_type3A_78 : vector<64x2528xi32> to vector<64x2528xf32>
    %dot_general3A_80 = arith.constant dense<0.000000e+00> : vector<64x128xf32>
    %dot_general3A_81 = tpu.matmul %convert_element_type3A_79, %max3A_29, %dot_general3A_80 {dimension_numbers = #tpu.dot_dimension_numbers<[1], [0], [0], [1], [0, 0, 1, 1], [], []>, transpose_lhs_hint = false} : vector<64x2528xf32>, vector<2528x128xf32>, vector<64x128xf32> -> vector<64x128xf32>
    %slice3A_82 = vector.extract_strided_slice %dot_general3A_81 {offsets = [0, 96], sizes = [64, 32], strides = [1, 1]} : vector<64x128xf32> to vector<64x32xf32>
    %add3A_83 = arith.addf %add3A_68, %slice3A_82 : vector<64x32xf32>
    %reduce_sum3A_84 = arith.constant dense<0.000000e+00> : vector<64xf32>
    %reduce_sum3A_85 = vector.multi_reduction <add>, %convert_element_type3A_79, %reduce_sum3A_84 [1] : vector<64x2528xf32> to vector<64xf32>
    %broadcast_in_dim3A_86 = vector.shape_cast %reduce_sum3A_85 : vector<64xf32> to vector<64x1xf32>
    %add3A_87 = arith.addf %add3A_72, %broadcast_in_dim3A_86 : vector<64x1xf32>
    %max3A_88 = arith.constant 1.000000e+00 : f32
    %max3A_89 = vector.broadcast %max3A_88 : f32 to vector<64x1xf32>
    %max3A_90 = arith.maximumf %add3A_87, %max3A_89 : vector<64x1xf32>
    %div3A = vector.broadcast %max3A_90 : vector<64x1xf32> to vector<64x32xf32>
    %div3A_91 = arith.divf %add3A_83, %div3A : vector<64x32xf32>
    %get3A_92 = arith.constant 0 : index
    %get3A_93 = arith.constant 0 : index
    %get3A_94 = vector.load %arg4[%get3A_92, %get3A_93] : memref<32x32xf32, #tpu.memory_space<vmem>>, vector<32x32xf32>
    %dot_general3A_95 = arith.constant dense<0.000000e+00> : vector<64x32xf32>
    %dot_general3A_96 = tpu.matmul %div3A_91, %get3A_94, %dot_general3A_95 {dimension_numbers = #tpu.dot_dimension_numbers<[1], [0], [0], [1], [0, 0, 1, 1], [], []>, transpose_lhs_hint = false} : vector<64x32xf32>, vector<32x32xf32>, vector<64x32xf32> -> vector<64x32xf32>
    %get3A_97 = arith.constant 0 : index
    %get3A_98 = arith.constant 0 : index
    %get3A_99 = vector.load %arg5[%get3A_97, %get3A_98] : memref<1x32xf32, #tpu.memory_space<vmem>>, vector<1x32xf32>
    %add3A_100 = vector.broadcast %get3A_99 : vector<1x32xf32> to vector<64x32xf32>
    %add3A_101 = arith.addf %dot_general3A_96, %add3A_100 : vector<64x32xf32>
    %max3A_102 = arith.constant 0.000000e+00 : f32
    %max3A_103 = vector.broadcast %max3A_102 : f32 to vector<64x32xf32>
    %max3A_104 = arith.maximumf %add3A_101, %max3A_103 : vector<64x32xf32>
    %get3A_105 = arith.constant 0 : index
    %get3A_106 = arith.constant 0 : index
    %get3A_107 = vector.load %arg6[%get3A_105, %get3A_106] : memref<32x2xf32, #tpu.memory_space<vmem>>, vector<32x2xf32>
    %dot_general3A_108 = arith.constant dense<0.000000e+00> : vector<64x2xf32>
    %dot_general3A_109 = tpu.matmul %max3A_104, %get3A_107, %dot_general3A_108 {dimension_numbers = #tpu.dot_dimension_numbers<[1], [0], [0], [1], [0, 0, 1, 1], [], []>, transpose_lhs_hint = false} : vector<64x32xf32>, vector<32x2xf32>, vector<64x2xf32> -> vector<64x2xf32>
    %get3A_110 = arith.constant 0 : index
    %get3A_111 = arith.constant 0 : index
    %get3A_112 = vector.load %arg7[%get3A_110, %get3A_111] : memref<1x2xf32, #tpu.memory_space<vmem>>, vector<1x2xf32>
    %add3A_113 = vector.broadcast %get3A_112 : vector<1x2xf32> to vector<64x2xf32>
    %add3A_114 = arith.addf %dot_general3A_109, %add3A_113 : vector<64x2xf32>
    %swap3A = arith.constant 0 : index
    %swap3A_115 = arith.constant 0 : index
    %swap3A_116 = vector.load %arg10[%swap3A, %swap3A_115] : memref<64x2xf32, #tpu.memory_space<vmem>>, vector<64x2xf32>
    tpu.vector_store %arg10[%swap3A, %swap3A_115], %add3A_114 {strides = array<i32>} : memref<64x2xf32, #tpu.memory_space<vmem>>, vector<64x2xf32>,
    %get3A_117 = arith.constant 0 : index
    %get3A_118 = arith.constant 0 : index
    %get3A_119 = vector.load %arg8[%get3A_117, %get3A_118] : memref<32x2xf32, #tpu.memory_space<vmem>>, vector<32x2xf32>
    %dot_general3A_120 = arith.constant dense<0.000000e+00> : vector<64x2xf32>
    %dot_general3A_121 = tpu.matmul %max3A_104, %get3A_119, %dot_general3A_120 {dimension_numbers = #tpu.dot_dimension_numbers<[1], [0], [0], [1], [0, 0, 1, 1], [], []>, transpose_lhs_hint = false} : vector<64x32xf32>, vector<32x2xf32>, vector<64x2xf32> -> vector<64x2xf32>
    %get3A_122 = arith.constant 0 : index
    %get3A_123 = arith.constant 0 : index
    %get3A_124 = vector.load %arg9[%get3A_122, %get3A_123] : memref<1x2xf32, #tpu.memory_space<vmem>>, vector<1x2xf32>
    %add3A_125 = vector.broadcast %get3A_124 : vector<1x2xf32> to vector<64x2xf32>
    %add3A_126 = arith.addf %dot_general3A_121, %add3A_125 : vector<64x2xf32>
    %swap3A_127 = arith.constant 0 : index
    %swap3A_128 = arith.constant 0 : index
    %swap3A_129 = vector.load %arg11[%swap3A_127, %swap3A_128] : memref<64x2xf32, #tpu.memory_space<vmem>>, vector<64x2xf32>
    tpu.vector_store %arg11[%swap3A_127, %swap3A_128], %add3A_126 {strides = array<i32>} : memref<64x2xf32, #tpu.memory_space<vmem>>, vector<64x2xf32>,
    return
  }
}

</mosaic_0001>

<sc_bundles>
// kernel: kernel.12.cloned.1.call-start
scs
__scs_entry_jumppad:
0x0: {  	(pc) =	sbr.rel $0x88, $3  }
0x1: {  	(tag) =	ssettag $0x0;
	lr =	simm.s32 $0x1  }
0x2: {  	[smem:$0x3F94] =	sst lr;
	_ =	strace $0xD0000000  }
0x3: {  	_ = 	snop  }
0x4: {  	_ = 	snop  }
0x5: {  	_ = 	snop  }
0x6: {  	_ = 	snop  }
0x7: {  	_ = 	snop  }
__scs_overlays_trampoline_lowered:
0x8: {  	[smem:$0x3FA3] =	sst s0  }
0x9: {  	[smem:$0x3FA4] =	sst s1  }
0xa: {  	[smem:$0x3FA5] =	sst s2  }
0xb: {  	[smem:$0x3FA6] =	sst s3  }
0xc: {  	[smem:$0x3FA7] =	sst s4  }
0xd: {  	[smem:$0x3FA8] =	sst s5  }
0xe: {  	[smem:$0x3FA9] =	sst s6  }
0xf: {  	[smem:$0x3FAA] =	sst s7  }
0x10: {  	[smem:$0x3FAB] =	sst s8  }
0x11: {  	[smem:$0x3FAC] =	sst s9;
	s0 =	simm.s32 @!p0 $0x0  }
0x12: {  	s1 =	sld [smem:$0x3F92];
	s0 =	simm.s32 @p0 $0x1  }
0x13: {  	[smem:$0x3FAD] =	sst s0;
	s0 =	simm.s32 @!p1 $0x0  }
0x14: {  	s2 =	sld [smem:$0x3F91];
	s0 =	simm.s32 @p1 $0x1  }
0x15: {  	[smem:$0x3FAE] =	sst s0;
	s0 =	simm.s32 @!p2 $0x0  }
0x16: {  	s3 =	sld [smem:$0x3FDB];
	s0 =	simm.s32 @p2 $0x1  }
0x17: {  	s4 =	simm.s32 $0x1BF5;
	[smem:$0x3FB0] =	sst s0  }
0x18: {  	s0 =	sld [smem:$0x3F93];
	_ =	swait.ge [sflag:s4], $0x0  }
0x19: {  	s7 =	sld [smem:$0x3F94]  }
0x1a: {  	s8 =	sadd.s32 $0xFFFFE003, lr  }
0x1b: {  	s9 =	sadd.s32 $0xFFFFFEF7, lr;
	s5 =	simm.s32 $0xFFFFFFFF;
	p2 =	slt.u32 s8, $0xFFFFF086  }
0x1c: {  	p1 =	slt.u32 s9, $0xF7A;
	s5 =	simm.s32 @!p2 $0x0  }
0x1d: {  	s5 =	simm.s32 @p1 $0x1;
	p0 =	seq.s32 s7, s2  }
0x1e: {  	s7 =	smul.u32 @!p0 $0xF7A, s2;
	p2 =	seq.s32 @!p0 s5, $0x0  }
0x1f: {  	s9 =	smul.u32 $0xF7A, s1;
	s8 =	simm.s32 @!p0 $0x1BF5;
	p2 =	por !p2, p0  }
0x20: {  	[sflag:s8] =	ssyncset.s32 @!p0 $0xFFFFF086;
	s6 =	sadd.s32 @!p0 s3, s7;
	s7 =	simm.s32 @!p0 $0x108  }
0x21: {  	s3 =	sadd.s32 s3, s9;
	s6 =	sadd.s32 @!p0 $0x88, s6;
	s7 =	simm.s32 @p2 $0x1082  }
0x22: {  	[simem:s7], [sflag:s8] =	dma.local @!p0 [hbm:s6], $0xF7A  }
0x23: {  	s9 =	sor.u32 $0xD0000000, s2;
	s6 =	simm.s32 $0x108;
	_ =	swait.ge @!p0 [sflag:s8], $0x0  }
0x24: {  	s3 =	sadd.s32 $0x88, s3;
	s6 =	simm.s32 @!p1 $0x1082;
	[sflag:s4] =	ssyncset.s32 $0xFFFFF086  }
0x25: {  	[simem:s6], [sflag:s4] =	dma.local [hbm:s3], $0xF7A  }
0x26: {  	[smem:$0x3F94] =	sst s1;
	(tag) =	ssettag s2;
	_ =	strace s9  }
0x27: {  	s1 =	sld [smem:$0x3FA4]  }
0x28: {  	s2 =	sld [smem:$0x3FA5]  }
0x29: {  	s4 =	sld [smem:$0x3FA7]  }
0x2a: {  	p0 =	seq.s32 s5, $0x0;
	s5 =	sld [smem:$0x3FA8]  }
0x2b: {  	s6 =	sld [smem:$0x3FA9]  }
0x2c: {  	s7 =	sld [smem:$0x3FAA]  }
0x2d: {  	s3 =	simm.s32 $0x108;
	s8 =	sld [smem:$0x3FAB]  }
0x2e: {  	s3 =	simm.s32 @!p0 $0x1082;
	s9 =	sld [smem:$0x3FAC]  }
0x2f: {  	lr =	sadd.s32 s0, s3;
	s0 =	sld [smem:$0x3FA3]  }
0x30: {  	s3 =	sld [smem:$0x3FA6]  }
0x31: {  	[smem:$0x3FAF] =	sst s10  }
0x32: {  	s10 =	sld [smem:$0x3FAD];
	_ =	sdelay $0x3  }
0x33: {  	p0 =	seq.s32 s10, $0x1;
	s10 =	sld [smem:$0x3FAF];
	_ =	sdelay $0x3  }
0x34: {  	[smem:$0x3FAF] =	sst s10  }
0x35: {  	s10 =	sld [smem:$0x3FAE];
	_ =	sdelay $0x3  }
0x36: {  	p1 =	seq.s32 s10, $0x1;
	s10 =	sld [smem:$0x3FAF];
	_ =	sdelay $0x3  }
0x37: {  	[smem:$0x3FAF] =	sst s10  }
0x38: {  	s10 =	sld [smem:$0x3FB0]  }
0x39: {  	_ = 	snop;
	(pc) =	sbr.ind lr, $3  }
0x3a: {  	_ = 	snop  }
0x3b: {  	_ = 	snop  }
0x3c: {  	p2 =	seq.s32 s10, $0x1;
	s10 =	sld [smem:$0x3FAF]  }
0x3d: {  	_ =	shalt  }
0x3e: {  	_ =	shalt  }
0x3f: {  	_ =	shalt  }
0x40: {  	_ =	shalt  }
0x41: {  	_ =	shalt  }
0x42: {  	_ =	shalt  }
0x43: {  	_ =	shalt  }
0x44: {  	_ =	shalt  }
0x45: {  	_ =	shalt  }
0x46: {  	_ =	shalt  }
0x47: {  	_ =	shalt  }
0x48: {  	_ =	shalt  }
0x49: {  	_ =	shalt  }
0x4a: {  	_ =	shalt  }
0x4b: {  	_ =	shalt  }
0x4c: {  	_ =	shalt  }
0x4d: {  	_ =	shalt  }
0x4e: {  	_ =	shalt  }
0x4f: {  	_ =	shalt  }
0x50: {  	_ =	shalt  }
0x51: {  	_ =	shalt  }
0x52: {  	_ =	shalt  }
0x53: {  	_ =	shalt  }
0x54: {  	_ =	shalt  }
0x55: {  	_ =	shalt  }
0x56: {  	_ =	shalt  }
0x57: {  	_ =	shalt  }
0x58: {  	_ =	shalt  }
0x59: {  	_ =	shalt  }
0x5a: {  	_ =	shalt  }
0x5b: {  	_ =	shalt  }
0x5c: {  	_ =	shalt  }
0x5d: {  	_ =	shalt  }
0x5e: {  	_ =	shalt  }
0x5f: {  	_ =	shalt  }
0x60: {  	_ =	shalt  }
0x61: {  	_ =	shalt  }
0x62: {  	_ =	shalt  }
0x63: {  	_ =	shalt  }
0x64: {  	_ =	shalt  }
0x65: {  	_ =	shalt  }
0x66: {  	_ =	shalt  }
0x67: {  	_ =	shalt  }
0x68: {  	_ =	shalt  }
0x69: {  	_ =	shalt  }
0x6a: {  	_ =	shalt  }
0x6b: {  	_ =	shalt  }
0x6c: {  	_ =	shalt  }
0x6d: {  	_ =	shalt  }
0x6e: {  	_ =	shalt  }
0x6f: {  	_ =	shalt  }
0x70: {  	_ =	shalt  }
0x71: {  	_ =	shalt  }
0x72: {  	_ =	shalt  }
0x73: {  	_ =	shalt  }
0x74: {  	_ =	shalt  }
0x75: {  	_ =	shalt  }
0x76: {  	_ =	shalt  }
0x77: {  	_ =	shalt  }
0x78: {  	_ =	shalt  }
0x79: {  	_ =	shalt  }
0x7a: {  	_ =	shalt  }
0x7b: {  	_ =	shalt  }
0x7c: {  	_ =	shalt  }
0x7d: {  	_ =	shalt  }
0x7e: {  	_ =	shalt  }
0x7f: {  	_ =	shalt  }
0x80: {  	_ =	shalt  }
0x81: {  	_ =	shalt  }
0x82: {  	_ =	shalt  }
0x83: {  	_ =	shalt  }
0x84: {  	_ =	shalt  }
0x85: {  	_ =	shalt  }
0x86: {  	_ =	shalt  }
0x87: {  	_ =	shalt  }
.Lfunc_end0:
.L_simem_size_0:
called_computation.1_lowered:
.L_overlay_start_0:
0x88: {  	s2 =	sld [smem:$0x3FD9]  }
0x89: {  	s3 =	sld [smem:$0x3FFE];
	_ =	sdelay $0x1  }
0x8a: {  	s1 =	srdreg.scid  }
0x8b: {  	s0 =	sand.u32 $0x1, s1  }
0x8c: {  	s16 =	sshll.u32 s0, $0xA;
	s2 =	sadd.s32 s3, s2  }
0x8d: {  	s2 =	sadd.s32 s2, s16  }
0x8e: {  	[smem:$0x3FBB] =	sst s2  }
0x8f: {  	_ = 	snop  }
0x90: {  	(tm) =	ssettm $0x1  }
0x91: {  	s17 =	sld [smem:$0x3FFB];
	_ =	sdelay $0x3  }
0x92: {  	_ =	strace s17  }
0x93: {  	s2 =	sld [smem:$0x3FFC];
	_ =	sdelay $0x3  }
0x94: {  	_ =	strace s2  }
0x95: {  	s2 =	sld [smem:$0x3FFD];
	_ =	sdelay $0x3  }
0x96: {  	_ =	strace s2  }
0x97: {  	_ =	strace $0x8FFFFFFF  }
0x98: {  	s18 =	sld [smem:$0x3FDB];
	_ =	sdelay $0x1  }
0x99: {  	s19 =	simm.s32 $_scs_section_size  }
0x9a: {  	s4 =	simm.s32 $_size__tile_overlayer_lowered;
	s5 =	simm.s32 $_tile_overlayer_lowered  }
0x9b: {  	s22 =	simm.s32 $0x1BFF;
	s21 =	sshll.u32 s5, $0x1;
	s2 =	sadd.s32 s19, s18  }
0x9c: {  	s6 =	simm.s32 $0x0;
	s20 =	sshll.u32 s4, $0x1;
	s4 =	sadd.s32 s21, s2  }
0x9d: {  	[timem:s6], [sflag:s22] =	dma.local [hbm:s4], s20  }
0x9e: {  	_ =	swait.ge [sflag:s22], s20  }
0x9f: {  	s3 =	ssub.s32 $0x0, s20;
	[sflag:s22] =	ssyncset.done $0x0  }
0xa0: {  	[sflag:s22] =	ssyncadd.s32 s3;
	_ =	sdelay $0x1  }
0xa1: {  	s23 =	simm.s32 $0x1B8B  }
0xa2: {  	_ =	swait.ge [sflag:s23], $0x1  }
0xa3: {  	[sflag:s23] =	ssyncset.done $0x0  }
0xa4: {  	s25 =	simm.s32 $0x1B8E;
	s24 =	sld [smem:$0x3FFE];
	[sflag:s23] =	ssyncadd.s32 $0xFFFFFFFF  }
0xa5: {  	s26 =	simm.s32 $execute0_lowered;
	[smem:$0x3FD2] =	sst s25  }
0xa6: {  	s4 =	sshll.u32 s26, $0x1;
	_ =	strace $0x80000049;
	[dreg:$0x1] =	wrdreg $0xFFFFFFFF  }
0xa7: {  	s28 =	simm.s32 $_size_execute0_lowered;
	s2 =	sadd.s32 s2, s4;
	[dreg:$0x0] =	wrdreg $0x0  }
0xa8: {  	s4 =	sshll.u32 s28, $0x1;
	[dreg:$0x2] =	wrdreg s2  }
0xa9: {  	[dreg:$0x3] =	wrdreg s4  }
0xaa: {  	[dreg:$0x4] =	wrdreg $0xC0  }
0xab: {  	_ =	task [dreg:s6], $0x5FFFF  }
0xac: {  	[dreg:$0x1] =	wrdreg $0xFFFFFFFF  }
0xad: {  	[dreg:$0x0] =	wrdreg $0x60  }
0xae: {  	[dreg:$0x2] =	wrdreg s24  }
0xaf: {  	[dreg:$0x3] =	wrdreg $0xA8000  }
0xb0: {  	[dreg:$0x4] =	wrdreg $0x9  }
0xb1: {  	_ =	task.clear_ibuf [dreg:s6], $0x5FFFF;
	_ =	strace $0x90000049  }
0xb2: {  	s29 =	simm.s32 $0x9;
	_ =	strace $0x8000004B  }
0xb3: {  	_ =	swait.ge [sflag:s29], $0x1  }
0xb4: {  	[sflag:s29] =	ssyncadd.s32 $0xFFFFFFFF  }
0xb5: {  	_ =	strace $0x9000004B  }
0xb6: {  	_ =	sfence  }
0xb7: {  	s30 =	sld [smem:$0x0];
	_ =	sdelay $0x2  }
0xb8: {  	s31 =	sshll.u32 s1, $0xD;
	s1 =	sshrl.u32 s1, $0x2  }
0xb9: {  	s3 =	sand.u32 $0x4000, s31;
	s1 =	sadd.s32 s1, s30  }
0xba: {  	s0 =	sor.u32 s3, s0;
	s1 =	sshll.u32 s1, $0x11  }
0xbb: {  	s0 =	sor.u32 s1, s0  }
0xbc: {  	s0 =	sadd.s32 $0x8F2B, s0  }
0xbd: {  	[sflag:s0] =	ssyncadd.remote.s32 $0x1  }
0xbe: {  	_ =	sfence.sel $0xFFFF  }
0xbf: {  	[dreg:$0x0] =	wrdreg $0xFFFFFFFF;
	(pc) =	sbr.abs _section_cstart, $3  }
0xc0: {  	[dreg:$0x1] =	wrdreg $0xFFFFFFFF  }
0xc1: {  	_ =	task.clear_ibuf [dreg:s6], $0x2FFFF;
	_ =	strace $0x9FFFFFFF  }
0xc2: {  	(tm) =	ssettm $0x7FFFFFFF  }
0xc3: {  	_ =	shalt  }
tec
execute0_lowered:
.L_overlay_start_1:
0x0: {  	(tag) =	ssettag $0x1  }
0x1: {  	s0 =	rddreg [dreg:$0x0]  }
0x2: {  	s1 =	rddreg [dreg:$0x1]  }
0x3: {  	s2 =	srdreg.scid;
	s4 =	simm.s32 $0x0;
	s11 =	stileid.u32  }
0x4: {  	s14 =	simm.s32 $0x1;
	s15 =	simm.s32 $0x80;
	s16 =	simm.s32 $0x2800  }
0x5: {  	s17 =	simm.s32 $0x3800;
	s19 =	simm.s32 $0x4800;
	s21 =	simm.s32 $0x5800  }
0x6: {  	s28 =	simm.s32 $0x2;
	s31 =	simm.s32 $0x8800;
	s20 =	simm.s32 $0x9800  }
0x7: {  	s22 =	simm.s32 $0x4;
	s29 =	simm.s32 $0x9;
	s30 =	simm.s32 $0x5  }
0x8: {  	s18 =	simm.s32 $0x6;
	s13 =	simm.s32 $0xD;
	s12 =	simm.s32 $0xF  }
0x9: {  	s2 =	sand.u32 $0x1, s2;
	[smem:$0x7FF] =	sst s4;
	s4 =	sadd.s32 $0x17A00, s0  }
0xa: {  	s5 =	sadd.s32 $0xDC00, s0;
	s10 =	smul.u32 $0x4F00, s11;
	s25 =	sshll.u32 s11, $0x6  }
0xb: {  	s3 =	sshll.u32 s2, $0x4;
	_ =	strace $0x8000004A;
	s6 =	smul.u32 $0x9E00, s2  }
0xc: {  	s7 =	ssub.s32 $0x2, s2;
	p0 =	seq.s32 s2, $0x0;
	[dreg:$0x6] =	wrdreg s25  }
0xd: {  	s2 =	simm.s32 $0xA;
	s3 =	sor.u32 s11, s3;
	s9 =	sshrl.u32 s7, $0x1  }
0xe: {  	s23 =	sadd.s32 s10, s1;
	s24 =	sshrl.u32 s10, $0x3;
	s5 =	smov.u32 @p0 s4  }
0xf: {  	s3 =	smul.u32 $0x280, s3;
	s6 =	sadd.s32 s6, s0;
	s7 =	ssub.s32 s7, s9  }
0x10: {  	s5 =	sadd.s32 s5, s24;
	s11 =	sshrl.u32 s23, $0x3;
	s23 =	simm.s32 $0x6800  }
0x11: {  	s9 =	simm.s32 $0xE;
	s6 =	sadd.s32 $0x21800, s6;
	[dreg:$0x5] =	wrdreg s5  }
0x12: {  	s7 =	smax.u32 s7, $0x1;
	s5 =	sor.u32 $0x1C01, s25;
	[dreg:$0x8] =	wrdreg s11  }
0x13: {  	s25 =	simm.s32 $0xB;
	s8 =	sadd.s32 s3, s0;
	[dreg:$0x4] =	wrdreg s7  }
0x14: {  	s0 =	sadd.s32 $0x8A00, s0;
	[dreg:$0x7] =	wrdreg s5;
	s26 =	sadd.s32 s24, s6  }
0x15: {  	s5 =	simm.s32 $0x7;
	s6 =	simm.s32 $0xC;
	s7 =	simm.s32 $0x8  }
0x16: {  	s24 =	simm.s32 $0x0;
	s8 =	sadd.s32 $0x3A00, s8;
	[dreg:$0xa] =	wrdreg s26  }
0x17: {  	s0 =	sadd.s32 s3, s0;
	s26 =	simm.s32 $0x7800;
	[dreg:$0x3] =	wrdreg s8  }
0x18: {  	[dreg:$0x9] =	wrdreg s0;
	s0 =	simm.s32 $0x3;
	s8 =	simm.s32 $0x10  }
.LBB2_1:
0x19: {  	[dreg:$0xb] =	wrdreg s24  }
0x1a: {  	s3 =	rddreg [dreg:$0x5]  }
0x1b: {  	s10 =	rddreg [dreg:$0x7]  }
0x1c: {  	[spmem:s11], [sflag:s10] =	dma.local [hbm:s3], $0x9E0  }
0x1d: {  	s24 =	simm.s32 $0x11;
	s3 =	simm.s32 $0x0;
	s10 =	rddreg [dreg:$0x3]  }
0x1e: {  	[tilespmem:s3], [sflag:$0x11] =	stream.linear.gather [hbm4b:s10+s3], $0x1400, $0x38;
	[tilespmem:$0xF700] =	vst v63  }
0x1f: {  	_ =	swait.ge [sflag:s24], $0x1400  }
0x20: {  	[sflag:s24] =	ssyncset.done $0x0  }
0x21: {  	s11 =	simm.s32 $0x1400;
	s10 =	rddreg [dreg:$0x9];
	[sflag:s24] =	ssyncadd.s32 $0xFFFFEC00  }
0x22: {  	[tilespmem:s11], [sflag:$0x11] =	stream.linear.gather [hbm4b:s10+s3], $0x1400, $0x38;
	[tilespmem:$0xF700] =	vst v63  }
0x23: {  	_ =	swait.ge [sflag:s24], $0x1400  }
0x24: {  	[sflag:s24] =	ssyncset.done $0x0  }
0x25: {  	[sflag:s24] =	ssyncadd.s32 $0xFFFFEC00  }
0x26: {  	_ =	swait.ge [sflag:s14], $0x9E0  }
0x27: {  	[sflag:s14] =	ssyncset.done $0x0  }
0x28: {  	[sflag:s14] =	ssyncadd.s32 $0xFFFFF620  }
0x29: {  	[bflag:$0x0] =	sbarrier.arrive $0xFFFF  }
0x2a: {  	[tilespmem:s16], [sflag:$0x1] =	stream.indirect.gather [hbm4b:s4+s15], $0x20, s3, s15, $0xb8;
	[tilespmem:$0xF700] =	vst v63  }
0x2b: {  	_ = 	snop  }
0x2c: {  	[tilespmem:s17], [sflag:$0x2] =	stream.indirect.gather [hbm4b:s4+s15], $0x20, s15, s15, $0xb8;
	[tilespmem:$0xF700] =	vst v63  }
0x2d: {  	s24 =	simm.s32 $0x100  }
0x2e: {  	[tilespmem:s19], [sflag:$0x3] =	stream.indirect.gather [hbm4b:s4+s15], $0x20, s24, s15, $0xb8;
	[tilespmem:$0xF700] =	vst v63  }
0x2f: {  	s10 =	simm.s32 $0x180  }
0x30: {  	[tilespmem:s21], [sflag:$0x4] =	stream.indirect.gather [hbm4b:s4+s15], $0x20, s10, s15, $0xb8;
	[tilespmem:$0xF700] =	vst v63  }
0x31: {  	s24 =	simm.s32 $0x200  }
0x32: {  	[tilespmem:s23], [sflag:$0x5] =	stream.indirect.gather [hbm4b:s4+s15], $0x20, s24, s15, $0xb8;
	[tilespmem:$0xF700] =	vst v63  }
0x33: {  	_ =	swait.ge [sflag:s14], $0x1000  }
0x34: {  	[sflag:s14] =	ssyncset.done $0x0  }
0x35: {  	[sflag:s14] =	ssyncadd.s32 $0xFFFFF000  }
0x36: {  	[spmem:s1] =	stream.indirect.scatter.add.f32 [tilespmem:s16], [sflag:$0x9], $0x20, s11, s15, $0xb8;
	[tilespmem:$0xF700] =	vst v63  }
0x37: {  	s10 =	simm.s32 $0x280  }
0x38: {  	[tilespmem:s26], [sflag:$0x6] =	stream.indirect.gather [hbm4b:s4+s15], $0x20, s10, s15, $0xb8;
	[tilespmem:$0xF700] =	vst v63  }
0x39: {  	_ =	swait.ge [sflag:s28], $0x1000  }
0x3a: {  	[sflag:s28] =	ssyncset.done $0x0  }
0x3b: {  	s11 =	simm.s32 $0x1480;
	[sflag:s28] =	ssyncadd.s32 $0xFFFFF000  }
0x3c: {  	[spmem:s1] =	stream.indirect.scatter.add.f32 [tilespmem:s17], [sflag:$0xA], $0x20, s11, s15, $0xb8;
	[tilespmem:$0xF700] =	vst v63  }
0x3d: {  	s24 =	simm.s32 $0x300  }
0x3e: {  	[tilespmem:s31], [sflag:$0x7] =	stream.indirect.gather [hbm4b:s4+s15], $0x20, s24, s15, $0xb8;
	[tilespmem:$0xF700] =	vst v63  }
0x3f: {  	_ =	swait.ge [sflag:s0], $0x1000  }
0x40: {  	[sflag:s0] =	ssyncset.done $0x0  }
0x41: {  	s10 =	simm.s32 $0x1500;
	[sflag:s0] =	ssyncadd.s32 $0xFFFFF000  }
0x42: {  	[spmem:s1] =	stream.indirect.scatter.add.f32 [tilespmem:s19], [sflag:$0xB], $0x20, s10, s15, $0xb8;
	[tilespmem:$0xF700] =	vst v63  }
0x43: {  	s11 =	simm.s32 $0x380  }
0x44: {  	[tilespmem:s20], [sflag:$0x8] =	stream.indirect.gather [hbm4b:s4+s15], $0x20, s11, s15, $0xb8;
	[tilespmem:$0xF700] =	vst v63  }
0x45: {  	_ =	swait.ge [sflag:s22], $0x1000  }
0x46: {  	[sflag:s22] =	ssyncset.done $0x0  }
0x47: {  	s24 =	simm.s32 $0x1580;
	[sflag:s22] =	ssyncadd.s32 $0xFFFFF000  }
0x48: {  	[spmem:s1] =	stream.indirect.scatter.add.f32 [tilespmem:s21], [sflag:$0xC], $0x20, s24, s15, $0xb8;
	[tilespmem:$0xF700] =	vst v63  }
0x49: {  	_ =	swait.ge [sflag:s29], $0x1000  }
0x4a: {  	[sflag:s29] =	ssyncset.done $0x0  }
0x4b: {  	s10 =	simm.s32 $0x400;
	[sflag:s29] =	ssyncadd.s32 $0xFFFFF000  }
0x4c: {  	[tilespmem:s16], [sflag:$0x1] =	stream.indirect.gather [hbm4b:s4+s15], $0x20, s10, s15, $0xb8;
	[tilespmem:$0xF700] =	vst v63  }
0x4d: {  	_ =	swait.ge [sflag:s30], $0x1000  }
0x4e: {  	[sflag:s30] =	ssyncset.done $0x0  }
0x4f: {  	s11 =	simm.s32 $0x1600;
	[sflag:s30] =	ssyncadd.s32 $0xFFFFF000  }
0x50: {  	[spmem:s1] =	stream.indirect.scatter.add.f32 [tilespmem:s23], [sflag:$0xD], $0x20, s11, s15, $0xb8;
	[tilespmem:$0xF700] =	vst v63  }
0x51: {  	_ =	swait.ge [sflag:s2], $0x1000  }
0x52: {  	[sflag:s2] =	ssyncset.done $0x0  }
0x53: {  	s24 =	simm.s32 $0x480;
	[sflag:s2] =	ssyncadd.s32 $0xFFFFF000  }
0x54: {  	[tilespmem:s17], [sflag:$0x2] =	stream.indirect.gather [hbm4b:s4+s15], $0x20, s24, s15, $0xb8;
	[tilespmem:$0xF700] =	vst v63  }
0x55: {  	_ =	swait.ge [sflag:s18], $0x1000  }
0x56: {  	[sflag:s18] =	ssyncset.done $0x0  }
0x57: {  	s10 =	simm.s32 $0x1680;
	[sflag:s18] =	ssyncadd.s32 $0xFFFFF000  }
0x58: {  	[spmem:s1] =	stream.indirect.scatter.add.f32 [tilespmem:s26], [sflag:$0xE], $0x20, s10, s15, $0xb8;
	[tilespmem:$0xF700] =	vst v63  }
0x59: {  	_ =	swait.ge [sflag:s25], $0x1000  }
0x5a: {  	[sflag:s25] =	ssyncset.done $0x0  }
0x5b: {  	s11 =	simm.s32 $0x500;
	[sflag:s25] =	ssyncadd.s32 $0xFFFFF000  }
0x5c: {  	[tilespmem:s19], [sflag:$0x3] =	stream.indirect.gather [hbm4b:s4+s15], $0x20, s11, s15, $0xb8;
	[tilespmem:$0xF700] =	vst v63  }
0x5d: {  	_ =	swait.ge [sflag:s5], $0x1000  }
0x5e: {  	[sflag:s5] =	ssyncset.done $0x0  }
0x5f: {  	s24 =	simm.s32 $0x1700;
	[sflag:s5] =	ssyncadd.s32 $0xFFFFF000  }
0x60: {  	[spmem:s1] =	stream.indirect.scatter.add.f32 [tilespmem:s31], [sflag:$0xF], $0x20, s24, s15, $0xb8;
	[tilespmem:$0xF700] =	vst v63  }
0x61: {  	_ =	swait.ge [sflag:s6], $0x1000  }
0x62: {  	[sflag:s6] =	ssyncset.done $0x0  }
0x63: {  	s10 =	simm.s32 $0x580;
	[sflag:s6] =	ssyncadd.s32 $0xFFFFF000  }
0x64: {  	[tilespmem:s21], [sflag:$0x4] =	stream.indirect.gather [hbm4b:s4+s15], $0x20, s10, s15, $0xb8;
	[tilespmem:$0xF700] =	vst v63  }
0x65: {  	_ =	swait.ge [sflag:s7], $0x1000  }
0x66: {  	[sflag:s7] =	ssyncset.done $0x0  }
0x67: {  	s11 =	simm.s32 $0x1780;
	[sflag:s7] =	ssyncadd.s32 $0xFFFFF000  }
0x68: {  	[spmem:s1] =	stream.indirect.scatter.add.f32 [tilespmem:s20], [sflag:$0x10], $0x20, s11, s15, $0xb8;
	[tilespmem:$0xF700] =	vst v63  }
0x69: {  	_ =	swait.ge [sflag:s13], $0x1000  }
0x6a: {  	[sflag:s13] =	ssyncset.done $0x0  }
0x6b: {  	s24 =	simm.s32 $0x600;
	[sflag:s13] =	ssyncadd.s32 $0xFFFFF000  }
0x6c: {  	[tilespmem:s23], [sflag:$0x5] =	stream.indirect.gather [hbm4b:s4+s15], $0x20, s24, s15, $0xb8;
	[tilespmem:$0xF700] =	vst v63  }
0x6d: {  	_ =	swait.ge [sflag:s14], $0x1000  }
0x6e: {  	[sflag:s14] =	ssyncset.done $0x0  }
0x6f: {  	s10 =	simm.s32 $0x1800;
	[sflag:s14] =	ssyncadd.s32 $0xFFFFF000  }
0x70: {  	[spmem:s1] =	stream.indirect.scatter.add.f32 [tilespmem:s16], [sflag:$0x9], $0x20, s10, s15, $0xb8;
	[tilespmem:$0xF700] =	vst v63  }
0x71: {  	_ =	swait.ge [sflag:s9], $0x1000  }
0x72: {  	[sflag:s9] =	ssyncset.done $0x0  }
0x73: {  	s11 =	simm.s32 $0x680;
	[sflag:s9] =	ssyncadd.s32 $0xFFFFF000  }
0x74: {  	[tilespmem:s26], [sflag:$0x6] =	stream.indirect.gather [hbm4b:s4+s15], $0x20, s11, s15, $0xb8;
	[tilespmem:$0xF700] =	vst v63  }
0x75: {  	_ =	swait.ge [sflag:s28], $0x1000  }
0x76: {  	[sflag:s28] =	ssyncset.done $0x0  }
0x77: {  	s24 =	simm.s32 $0x1880;
	[sflag:s28] =	ssyncadd.s32 $0xFFFFF000  }
0x78: {  	[spmem:s1] =	stream.indirect.scatter.add.f32 [tilespmem:s17], [sflag:$0xA], $0x20, s24, s15, $0xb8;
	[tilespmem:$0xF700] =	vst v63  }
0x79: {  	_ =	swait.ge [sflag:s12], $0x1000  }
0x7a: {  	[sflag:s12] =	ssyncset.done $0x0  }
0x7b: {  	s10 =	simm.s32 $0x700;
	[sflag:s12] =	ssyncadd.s32 $0xFFFFF000  }
0x7c: {  	[tilespmem:s31], [sflag:$0x7] =	stream.indirect.gather [hbm4b:s4+s15], $0x20, s10, s15, $0xb8;
	[tilespmem:$0xF700] =	vst v63  }
0x7d: {  	_ =	swait.ge [sflag:s0], $0x1000  }
0x7e: {  	[sflag:s0] =	ssyncset.done $0x0  }
0x7f: {  	s11 =	simm.s32 $0x1900;
	[sflag:s0] =	ssyncadd.s32 $0xFFFFF000  }
0x80: {  	[spmem:s1] =	stream.indirect.scatter.add.f32 [tilespmem:s19], [sflag:$0xB], $0x20, s11, s15, $0xb8;
	[tilespmem:$0xF700] =	vst v63  }
0x81: {  	_ =	swait.ge [sflag:s8], $0x1000  }
0x82: {  	[sflag:s8] =	ssyncset.done $0x0  }
0x83: {  	s24 =	simm.s32 $0x780;
	[sflag:s8] =	ssyncadd.s32 $0xFFFFF000  }
0x84: {  	[tilespmem:s20], [sflag:$0x8] =	stream.indirect.gather [hbm4b:s4+s15], $0x20, s24, s15, $0xb8;
	[tilespmem:$0xF700] =	vst v63  }
0x85: {  	_ =	swait.ge [sflag:s22], $0x1000  }
0x86: {  	[sflag:s22] =	ssyncset.done $0x0  }
0x87: {  	s3 =	simm.s32 $0x1000;
	s10 =	simm.s32 $0x1980;
	[sflag:s22] =	ssyncadd.s32 $0xFFFFF000  }
.LBB2_2:
0x88: {  	[spmem:s1] =	stream.indirect.scatter.add.f32 [tilespmem:s21], [sflag:$0xC], $0x20, s10, s15, $0xb8;
	[tilespmem:$0xF700] =	vst v63  }
0x89: {  	s10 =	smov.u32 s3  }
0x8a: {  	p0 =	sne.s32 s3, $0x3000;
	s3 =	sadd.s32 $0x1000, s3;
	_ =	swait.ge [sflag:s29], $0x1000  }
0x8b: {  	s10 =	sshra.s32 s10, $0x2;
	[sflag:s29] =	ssyncset.done $0x0  }
0x8c: {  	s11 =	sadd.s32 $0x400, s10;
	[sflag:s29] =	ssyncadd.s32 $0xFFFFF000  }
0x8d: {  	[tilespmem:s16], [sflag:$0x1] =	stream.indirect.gather [hbm4b:s4+s15], $0x20, s11, s15, $0xb8;
	[tilespmem:$0xF700] =	vst v63  }
0x8e: {  	_ =	swait.ge [sflag:s30], $0x1000  }
0x8f: {  	[sflag:s30] =	ssyncset.done $0x0  }
0x90: {  	s11 =	sadd.s32 $0x1600, s10;
	[sflag:s30] =	ssyncadd.s32 $0xFFFFF000  }
0x91: {  	[spmem:s1] =	stream.indirect.scatter.add.f32 [tilespmem:s23], [sflag:$0xD], $0x20, s11, s15, $0xb8;
	[tilespmem:$0xF700] =	vst v63  }
0x92: {  	_ =	swait.ge [sflag:s2], $0x1000  }
0x93: {  	[sflag:s2] =	ssyncset.done $0x0  }
0x94: {  	s11 =	sadd.s32 $0x480, s10;
	[sflag:s2] =	ssyncadd.s32 $0xFFFFF000  }
0x95: {  	[tilespmem:s17], [sflag:$0x2] =	stream.indirect.gather [hbm4b:s4+s15], $0x20, s11, s15, $0xb8;
	[tilespmem:$0xF700] =	vst v63  }
0x96: {  	_ =	swait.ge [sflag:s18], $0x1000  }
0x97: {  	[sflag:s18] =	ssyncset.done $0x0  }
0x98: {  	s11 =	sadd.s32 $0x1680, s10;
	[sflag:s18] =	ssyncadd.s32 $0xFFFFF000  }
0x99: {  	[spmem:s1] =	stream.indirect.scatter.add.f32 [tilespmem:s26], [sflag:$0xE], $0x20, s11, s15, $0xb8;
	[tilespmem:$0xF700] =	vst v63  }
0x9a: {  	_ =	swait.ge [sflag:s25], $0x1000  }
0x9b: {  	[sflag:s25] =	ssyncset.done $0x0  }
0x9c: {  	s11 =	sadd.s32 $0x500, s10;
	[sflag:s25] =	ssyncadd.s32 $0xFFFFF000  }
0x9d: {  	[tilespmem:s19], [sflag:$0x3] =	stream.indirect.gather [hbm4b:s4+s15], $0x20, s11, s15, $0xb8;
	[tilespmem:$0xF700] =	vst v63  }
0x9e: {  	_ =	swait.ge [sflag:s5], $0x1000  }
0x9f: {  	[sflag:s5] =	ssyncset.done $0x0  }
0xa0: {  	s11 =	sadd.s32 $0x1700, s10;
	[sflag:s5] =	ssyncadd.s32 $0xFFFFF000  }
0xa1: {  	[spmem:s1] =	stream.indirect.scatter.add.f32 [tilespmem:s31], [sflag:$0xF], $0x20, s11, s15, $0xb8;
	[tilespmem:$0xF700] =	vst v63  }
0xa2: {  	_ =	swait.ge [sflag:s6], $0x1000  }
0xa3: {  	[sflag:s6] =	ssyncset.done $0x0  }
0xa4: {  	s11 =	sadd.s32 $0x580, s10;
	[sflag:s6] =	ssyncadd.s32 $0xFFFFF000  }
0xa5: {  	[tilespmem:s21], [sflag:$0x4] =	stream.indirect.gather [hbm4b:s4+s15], $0x20, s11, s15, $0xb8;
	[tilespmem:$0xF700] =	vst v63  }
0xa6: {  	_ =	swait.ge [sflag:s7], $0x1000  }
0xa7: {  	[sflag:s7] =	ssyncset.done $0x0  }
0xa8: {  	s11 =	sadd.s32 $0x1780, s10;
	[sflag:s7] =	ssyncadd.s32 $0xFFFFF000  }
0xa9: {  	[spmem:s1] =	stream.indirect.scatter.add.f32 [tilespmem:s20], [sflag:$0x10], $0x20, s11, s15, $0xb8;
	[tilespmem:$0xF700] =	vst v63  }
0xaa: {  	_ =	swait.ge [sflag:s13], $0x1000  }
0xab: {  	[sflag:s13] =	ssyncset.done $0x0  }
0xac: {  	s11 =	sadd.s32 $0x600, s10;
	[sflag:s13] =	ssyncadd.s32 $0xFFFFF000  }
0xad: {  	[tilespmem:s23], [sflag:$0x5] =	stream.indirect.gather [hbm4b:s4+s15], $0x20, s11, s15, $0xb8;
	[tilespmem:$0xF700] =	vst v63  }
0xae: {  	_ =	swait.ge [sflag:s14], $0x1000  }
0xaf: {  	[sflag:s14] =	ssyncset.done $0x0  }
0xb0: {  	s11 =	sadd.s32 $0x1800, s10;
	[sflag:s14] =	ssyncadd.s32 $0xFFFFF000  }
0xb1: {  	[spmem:s1] =	stream.indirect.scatter.add.f32 [tilespmem:s16], [sflag:$0x9], $0x20, s11, s15, $0xb8;
	[tilespmem:$0xF700] =	vst v63  }
0xb2: {  	_ =	swait.ge [sflag:s9], $0x1000  }
0xb3: {  	[sflag:s9] =	ssyncset.done $0x0  }
0xb4: {  	s11 =	sadd.s32 $0x680, s10;
	[sflag:s9] =	ssyncadd.s32 $0xFFFFF000  }
0xb5: {  	[tilespmem:s26], [sflag:$0x6] =	stream.indirect.gather [hbm4b:s4+s15], $0x20, s11, s15, $0xb8;
	[tilespmem:$0xF700] =	vst v63  }
0xb6: {  	_ =	swait.ge [sflag:s28], $0x1000  }
0xb7: {  	[sflag:s28] =	ssyncset.done $0x0  }
0xb8: {  	s11 =	sadd.s32 $0x1880, s10;
	[sflag:s28] =	ssyncadd.s32 $0xFFFFF000  }
0xb9: {  	[spmem:s1] =	stream.indirect.scatter.add.f32 [tilespmem:s17], [sflag:$0xA], $0x20, s11, s15, $0xb8;
	[tilespmem:$0xF700] =	vst v63  }
0xba: {  	_ =	swait.ge [sflag:s12], $0x1000  }
0xbb: {  	[sflag:s12] =	ssyncset.done $0x0  }
0xbc: {  	s11 =	sadd.s32 $0x700, s10;
	[sflag:s12] =	ssyncadd.s32 $0xFFFFF000  }
0xbd: {  	[tilespmem:s31], [sflag:$0x7] =	stream.indirect.gather [hbm4b:s4+s15], $0x20, s11, s15, $0xb8;
	[tilespmem:$0xF700] =	vst v63  }
0xbe: {  	_ =	swait.ge [sflag:s0], $0x1000  }
0xbf: {  	[sflag:s0] =	ssyncset.done $0x0  }
0xc0: {  	s11 =	sadd.s32 $0x1900, s10;
	[sflag:s0] =	ssyncadd.s32 $0xFFFFF000  }
0xc1: {  	[spmem:s1] =	stream.indirect.scatter.add.f32 [tilespmem:s19], [sflag:$0xB], $0x20, s11, s15, $0xb8;
	[tilespmem:$0xF700] =	vst v63  }
0xc2: {  	_ =	swait.ge [sflag:s8], $0x1000  }
0xc3: {  	[sflag:s8] =	ssyncset.done $0x0  }
.Ltmp0:
0xc4: {  	s11 =	sadd.s32 $0x780, s10;
	[sflag:s8] =	ssyncadd.s32 $0xFFFFF000;
	(pc) =	sbr.rel @p0 .LBB2_2-.Ltmp0, $4  }
0xc5: {  	[tilespmem:s20], [sflag:$0x8] =	stream.indirect.gather [hbm4b:s4+s15], $0x20, s11, s15, $0xb8;
	[tilespmem:$0xF700] =	vst v63  }
0xc6: {  	_ =	swait.ge [sflag:s22], $0x1000  }
0xc7: {  	[sflag:s22] =	ssyncset.done $0x0  }
0xc8: {  	s10 =	sadd.s32 $0x1980, s10;
	[sflag:s22] =	ssyncadd.s32 $0xFFFFF000  }
0xc9: {  	[spmem:s1] =	stream.indirect.scatter.add.f32 [tilespmem:s21], [sflag:$0xC], $0x20, s10, s15, $0xb8;
	[tilespmem:$0xF700] =	vst v63  }
0xca: {  	_ =	swait.ge [sflag:s30], $0x1000  }
0xcb: {  	[sflag:s30] =	ssyncset.done $0x0  }
0xcc: {  	s3 =	simm.s32 $0x2600;
	[sflag:s30] =	ssyncadd.s32 $0xFFFFF000  }
0xcd: {  	[spmem:s1] =	stream.indirect.scatter.add.f32 [tilespmem:s23], [sflag:$0xD], $0x20, s3, s15, $0xb8;
	[tilespmem:$0xF700] =	vst v63  }
0xce: {  	_ =	swait.ge [sflag:s18], $0x1000  }
0xcf: {  	[sflag:s18] =	ssyncset.done $0x0  }
0xd0: {  	s11 =	simm.s32 $0x2680;
	[sflag:s18] =	ssyncadd.s32 $0xFFFFF000  }
0xd1: {  	[spmem:s1] =	stream.indirect.scatter.add.f32 [tilespmem:s26], [sflag:$0xE], $0x20, s11, s15, $0xb8;
	[tilespmem:$0xF700] =	vst v63  }
0xd2: {  	_ =	swait.ge [sflag:s5], $0x1000  }
0xd3: {  	[sflag:s5] =	ssyncset.done $0x0  }
0xd4: {  	s24 =	simm.s32 $0x2700;
	[sflag:s5] =	ssyncadd.s32 $0xFFFFF000  }
0xd5: {  	[spmem:s1] =	stream.indirect.scatter.add.f32 [tilespmem:s31], [sflag:$0xF], $0x20, s24, s15, $0xb8;
	[tilespmem:$0xF700] =	vst v63  }
0xd6: {  	_ =	swait.ge [sflag:s7], $0x1000  }
0xd7: {  	[sflag:s7] =	ssyncset.done $0x0  }
0xd8: {  	s10 =	simm.s32 $0x2780;
	[sflag:s7] =	ssyncadd.s32 $0xFFFFF000  }
0xd9: {  	[spmem:s1] =	stream.indirect.scatter.add.f32 [tilespmem:s20], [sflag:$0x10], $0x20, s10, s15, $0xb8;
	[tilespmem:$0xF700] =	vst v63  }
0xda: {  	_ =	swait.ge [sflag:s29], $0x1000  }
0xdb: {  	[sflag:s29] =	ssyncset.done $0x0  }
0xdc: {  	[sflag:s29] =	ssyncadd.s32 $0xFFFFF000  }
0xdd: {  	_ =	swait.ge [sflag:s2], $0x1000  }
0xde: {  	[sflag:s2] =	ssyncset.done $0x0  }
0xdf: {  	[sflag:s2] =	ssyncadd.s32 $0xFFFFF000  }
0xe0: {  	_ =	swait.ge [sflag:s25], $0x1000  }
0xe1: {  	[sflag:s25] =	ssyncset.done $0x0  }
0xe2: {  	[sflag:s25] =	ssyncadd.s32 $0xFFFFF000  }
0xe3: {  	_ =	swait.ge [sflag:s6], $0x1000  }
0xe4: {  	[sflag:s6] =	ssyncset.done $0x0  }
0xe5: {  	[sflag:s6] =	ssyncadd.s32 $0xFFFFF000  }
0xe6: {  	_ =	swait.ge [sflag:s13], $0x1000  }
0xe7: {  	[sflag:s13] =	ssyncset.done $0x0  }
0xe8: {  	[sflag:s13] =	ssyncadd.s32 $0xFFFFF000  }
0xe9: {  	_ =	swait.ge [sflag:s9], $0x1000  }
0xea: {  	[sflag:s9] =	ssyncset.done $0x0  }
0xeb: {  	[sflag:s9] =	ssyncadd.s32 $0xFFFFF000  }
0xec: {  	_ =	swait.ge [sflag:s12], $0x1000  }
0xed: {  	[sflag:s12] =	ssyncset.done $0x0  }
0xee: {  	[sflag:s12] =	ssyncadd.s32 $0xFFFFF000  }
0xef: {  	_ =	swait.ge [sflag:s8], $0x1000  }
0xf0: {  	[sflag:s8] =	ssyncset.done $0x0  }
0xf1: {  	[sflag:s8] =	ssyncadd.s32 $0xFFFFF000  }
0xf2: {  	[bflag:$0x0] =	sbarrier.arrive $0xFFFF  }
0xf3: {  	s11 =	rddreg [dreg:$0x6]  }
0xf4: {  	s24 =	rddreg [dreg:$0xa]  }
0xf5: {  	s10 =	simm.s32 $0x11;
	s3 =	sor.u32 $0x1C11, s11;
	s11 =	rddreg [dreg:$0x8]  }
0xf6: {  	[hbm:s24], [sflag:s3] =	dma.local [spmem:s11], $0x9E0  }
0xf7: {  	_ =	swait.ge [sflag:s10], $0x9E0  }
0xf8: {  	s24 =	rddreg [dreg:$0xb]  }
0xf9: {  	s3 =	rddreg [dreg:$0x4];
	s24 =	sadd.s32 $0x1, s24  }
0xfa: {  	p0 =	sne.s32 s24, s3  }
.Ltmp1:
0xfb: {  	_ = 	snop;
	(pc) =	sbr.rel @p0 .LBB2_1-.Ltmp1, $3  }
0xfc: {  	_ =	sdelay $0x1  }
0xfd: {  	[sflag:s10] =	ssyncset.done $0x0  }
0xfe: {  	[sflag:s10] =	ssyncadd.s32 $0xFFFFF620  }
0xff: {  	_ =	sfence.sel $0x180000  }
0x100: {  	[bflag:$0x0] =	sbarrier.arrive $0xFFFF  }
0x101: {  	_ =	strace $0x9000004A  }
0x102: {  	s0 =	stileid.u32;
	[bflag:$0x2] =	sbarrier.arrive $0xFFFF  }
0x103: {  	p0 =	sne.s32 s0, $0x0;
	s0 =	rddreg [dreg:$0x2]  }
0x104: {  	s0 =	sadd.s32 @!p0 $0x100000, s0  }
0x105: {  	[sflag:s0] =	ssyncadd.tile.s32 @!p0 $0x1;
	_ =	shalt  }
.Lfunc_end2:
_tile_overlayer_lowered:
.L_overlay_start_2:
0x106: {  	(tag) =	ssettag $0x2  }
0x107: {  	s0 =	rddreg [dreg:$0x0];
	s2 =	stileid.u32  }
0x108: {  	s1 =	rddreg [dreg:$0x1];
	p0 =	sne.s32 s2, $0x0  }
0x109: {  	s3 =	rddreg [dreg:$0x2];
	[bflag:$0x3] =	sbarrier.arrive $0xFFFF;
	s2 =	simm.s32 @!p0 $0x1C11  }
0x10a: {  	[timem:s3], [sflag:s2] =	dma.local @!p0 [hbm:s0], s1  }
0x10b: {  	s0 =	simm.s32 @!p0 $0x11  }
0x10c: {  	_ =	swait.ge @!p0 [sflag:s0], s1  }
0x10d: {  	s1 =	ssub.s32 @!p0 $0x0, s1;
	[sflag:s0] =	ssyncset.done @!p0 $0x0  }
0x10e: {  	[sflag:s0] =	ssyncadd.s32 @!p0 s1  }
0x10f: {  	[bflag:$0x3] =	sbarrier.arrive $0xFFFF  }
0x110: {  	_ =	shalt  }

// kernel: kernel.15.cloned.1.call-start
scs
__scs_entry_jumppad:
0x0: {  	(pc) =	sbr.rel $0x88, $3  }
0x1: {  	(tag) =	ssettag $0x0;
	lr =	simm.s32 $0x1  }
0x2: {  	[smem:$0x3F94] =	sst lr;
	_ =	strace $0xD0000000  }
0x3: {  	_ = 	snop  }
0x4: {  	_ = 	snop  }
0x5: {  	_ = 	snop  }
0x6: {  	_ = 	snop  }
0x7: {  	_ = 	snop  }
__scs_overlays_trampoline_lowered:
0x8: {  	[smem:$0x3FA3] =	sst s0  }
0x9: {  	[smem:$0x3FA4] =	sst s1  }
0xa: {  	[smem:$0x3FA5] =	sst s2  }
0xb: {  	[smem:$0x3FA6] =	sst s3  }
0xc: {  	[smem:$0x3FA7] =	sst s4  }
0xd: {  	[smem:$0x3FA8] =	sst s5  }
0xe: {  	[smem:$0x3FA9] =	sst s6  }
0xf: {  	[smem:$0x3FAA] =	sst s7  }
0x10: {  	[smem:$0x3FAB] =	sst s8  }
0x11: {  	[smem:$0x3FAC] =	sst s9;
	s0 =	simm.s32 @!p0 $0x0  }
0x12: {  	s1 =	sld [smem:$0x3F92];
	s0 =	simm.s32 @p0 $0x1  }
0x13: {  	[smem:$0x3FAD] =	sst s0;
	s0 =	simm.s32 @!p1 $0x0  }
0x14: {  	s2 =	sld [smem:$0x3F91];
	s0 =	simm.s32 @p1 $0x1  }
0x15: {  	[smem:$0x3FAE] =	sst s0;
	s0 =	simm.s32 @!p2 $0x0  }
0x16: {  	s3 =	sld [smem:$0x3FDB];
	s0 =	simm.s32 @p2 $0x1  }
0x17: {  	s4 =	simm.s32 $0x1BF5;
	[smem:$0x3FB0] =	sst s0  }
0x18: {  	s0 =	sld [smem:$0x3F93];
	_ =	swait.ge [sflag:s4], $0x0  }
0x19: {  	s7 =	sld [smem:$0x3F94]  }
0x1a: {  	s8 =	sadd.s32 $0xFFFFE003, lr  }
0x1b: {  	s9 =	sadd.s32 $0xFFFFFEF7, lr;
	s5 =	simm.s32 $0xFFFFFFFF;
	p2 =	slt.u32 s8, $0xFFFFF086  }
0x1c: {  	p1 =	slt.u32 s9, $0xF7A;
	s5 =	simm.s32 @!p2 $0x0  }
0x1d: {  	s5 =	simm.s32 @p1 $0x1;
	p0 =	seq.s32 s7, s2  }
0x1e: {  	s7 =	smul.u32 @!p0 $0xF7A, s2;
	p2 =	seq.s32 @!p0 s5, $0x0  }
0x1f: {  	s9 =	smul.u32 $0xF7A, s1;
	s8 =	simm.s32 @!p0 $0x1BF5;
	p2 =	por !p2, p0  }
0x20: {  	[sflag:s8] =	ssyncset.s32 @!p0 $0xFFFFF086;
	s6 =	sadd.s32 @!p0 s3, s7;
	s7 =	simm.s32 @!p0 $0x108  }
0x21: {  	s3 =	sadd.s32 s3, s9;
	s6 =	sadd.s32 @!p0 $0x88, s6;
	s7 =	simm.s32 @p2 $0x1082  }
0x22: {  	[simem:s7], [sflag:s8] =	dma.local @!p0 [hbm:s6], $0xF7A  }
0x23: {  	s9 =	sor.u32 $0xD0000000, s2;
	s6 =	simm.s32 $0x108;
	_ =	swait.ge @!p0 [sflag:s8], $0x0  }
0x24: {  	s3 =	sadd.s32 $0x88, s3;
	s6 =	simm.s32 @!p1 $0x1082;
	[sflag:s4] =	ssyncset.s32 $0xFFFFF086  }
0x25: {  	[simem:s6], [sflag:s4] =	dma.local [hbm:s3], $0xF7A  }
0x26: {  	[smem:$0x3F94] =	sst s1;
	(tag) =	ssettag s2;
	_ =	strace s9  }
0x27: {  	s1 =	sld [smem:$0x3FA4]  }
0x28: {  	s2 =	sld [smem:$0x3FA5]  }
0x29: {  	s4 =	sld [smem:$0x3FA7]  }
0x2a: {  	p0 =	seq.s32 s5, $0x0;
	s5 =	sld [smem:$0x3FA8]  }
0x2b: {  	s6 =	sld [smem:$0x3FA9]  }
0x2c: {  	s7 =	sld [smem:$0x3FAA]  }
0x2d: {  	s3 =	simm.s32 $0x108;
	s8 =	sld [smem:$0x3FAB]  }
0x2e: {  	s3 =	simm.s32 @!p0 $0x1082;
	s9 =	sld [smem:$0x3FAC]  }
0x2f: {  	lr =	sadd.s32 s0, s3;
	s0 =	sld [smem:$0x3FA3]  }
0x30: {  	s3 =	sld [smem:$0x3FA6]  }
0x31: {  	[smem:$0x3FAF] =	sst s10  }
0x32: {  	s10 =	sld [smem:$0x3FAD];
	_ =	sdelay $0x3  }
0x33: {  	p0 =	seq.s32 s10, $0x1;
	s10 =	sld [smem:$0x3FAF];
	_ =	sdelay $0x3  }
0x34: {  	[smem:$0x3FAF] =	sst s10  }
0x35: {  	s10 =	sld [smem:$0x3FAE];
	_ =	sdelay $0x3  }
0x36: {  	p1 =	seq.s32 s10, $0x1;
	s10 =	sld [smem:$0x3FAF];
	_ =	sdelay $0x3  }
0x37: {  	[smem:$0x3FAF] =	sst s10  }
0x38: {  	s10 =	sld [smem:$0x3FB0]  }
0x39: {  	_ = 	snop;
	(pc) =	sbr.ind lr, $3  }
0x3a: {  	_ = 	snop  }
0x3b: {  	_ = 	snop  }
0x3c: {  	p2 =	seq.s32 s10, $0x1;
	s10 =	sld [smem:$0x3FAF]  }
0x3d: {  	_ =	shalt  }
0x3e: {  	_ =	shalt  }
0x3f: {  	_ =	shalt  }
0x40: {  	_ =	shalt  }
0x41: {  	_ =	shalt  }
0x42: {  	_ =	shalt  }
0x43: {  	_ =	shalt  }
0x44: {  	_ =	shalt  }
0x45: {  	_ =	shalt  }
0x46: {  	_ =	shalt  }
0x47: {  	_ =	shalt  }
0x48: {  	_ =	shalt  }
0x49: {  	_ =	shalt  }
0x4a: {  	_ =	shalt  }
0x4b: {  	_ =	shalt  }
0x4c: {  	_ =	shalt  }
0x4d: {  	_ =	shalt  }
0x4e: {  	_ =	shalt  }
0x4f: {  	_ =	shalt  }
0x50: {  	_ =	shalt  }
0x51: {  	_ =	shalt  }
0x52: {  	_ =	shalt  }
0x53: {  	_ =	shalt  }
0x54: {  	_ =	shalt  }
0x55: {  	_ =	shalt  }
0x56: {  	_ =	shalt  }
0x57: {  	_ =	shalt  }
0x58: {  	_ =	shalt  }
0x59: {  	_ =	shalt  }
0x5a: {  	_ =	shalt  }
0x5b: {  	_ =	shalt  }
0x5c: {  	_ =	shalt  }
0x5d: {  	_ =	shalt  }
0x5e: {  	_ =	shalt  }
0x5f: {  	_ =	shalt  }
0x60: {  	_ =	shalt  }
0x61: {  	_ =	shalt  }
0x62: {  	_ =	shalt  }
0x63: {  	_ =	shalt  }
0x64: {  	_ =	shalt  }
0x65: {  	_ =	shalt  }
0x66: {  	_ =	shalt  }
0x67: {  	_ =	shalt  }
0x68: {  	_ =	shalt  }
0x69: {  	_ =	shalt  }
0x6a: {  	_ =	shalt  }
0x6b: {  	_ =	shalt  }
0x6c: {  	_ =	shalt  }
0x6d: {  	_ =	shalt  }
0x6e: {  	_ =	shalt  }
0x6f: {  	_ =	shalt  }
0x70: {  	_ =	shalt  }
0x71: {  	_ =	shalt  }
0x72: {  	_ =	shalt  }
0x73: {  	_ =	shalt  }
0x74: {  	_ =	shalt  }
0x75: {  	_ =	shalt  }
0x76: {  	_ =	shalt  }
0x77: {  	_ =	shalt  }
0x78: {  	_ =	shalt  }
0x79: {  	_ =	shalt  }
0x7a: {  	_ =	shalt  }
0x7b: {  	_ =	shalt  }
0x7c: {  	_ =	shalt  }
0x7d: {  	_ =	shalt  }
0x7e: {  	_ =	shalt  }
0x7f: {  	_ =	shalt  }
0x80: {  	_ =	shalt  }
0x81: {  	_ =	shalt  }
0x82: {  	_ =	shalt  }
0x83: {  	_ =	shalt  }
0x84: {  	_ =	shalt  }
0x85: {  	_ =	shalt  }
0x86: {  	_ =	shalt  }
0x87: {  	_ =	shalt  }
.Lfunc_end0:
.L_simem_size_0:
called_computation.2_lowered:
.L_overlay_start_0:
0x88: {  	s2 =	sld [smem:$0x3FD9]  }
0x89: {  	s3 =	sld [smem:$0x3FFE];
	_ =	sdelay $0x1  }
0x8a: {  	s1 =	srdreg.scid  }
0x8b: {  	s0 =	sand.u32 $0x1, s1  }
0x8c: {  	s16 =	sshll.u32 s0, $0xA;
	s2 =	sadd.s32 s3, s2  }
0x8d: {  	s2 =	sadd.s32 s2, s16  }
0x8e: {  	[smem:$0x3FBB] =	sst s2  }
0x8f: {  	_ = 	snop  }
0x90: {  	(tm) =	ssettm $0x1  }
0x91: {  	s17 =	sld [smem:$0x3FFB];
	_ =	sdelay $0x3  }
0x92: {  	_ =	strace s17  }
0x93: {  	s2 =	sld [smem:$0x3FFC];
	_ =	sdelay $0x3  }
0x94: {  	_ =	strace s2  }
0x95: {  	s2 =	sld [smem:$0x3FFD];
	_ =	sdelay $0x3  }
0x96: {  	_ =	strace s2  }
0x97: {  	_ =	strace $0x8FFFFFFF  }
0x98: {  	s18 =	sld [smem:$0x3FDB];
	_ =	sdelay $0x1  }
0x99: {  	s19 =	simm.s32 $_scs_section_size  }
0x9a: {  	s4 =	simm.s32 $_size__tile_overlayer_lowered;
	s5 =	simm.s32 $_tile_overlayer_lowered  }
0x9b: {  	s22 =	simm.s32 $0x1BFF;
	s21 =	sshll.u32 s5, $0x1;
	s2 =	sadd.s32 s19, s18  }
0x9c: {  	s6 =	simm.s32 $0x0;
	s20 =	sshll.u32 s4, $0x1;
	s4 =	sadd.s32 s21, s2  }
0x9d: {  	[timem:s6], [sflag:s22] =	dma.local [hbm:s4], s20  }
0x9e: {  	_ =	swait.ge [sflag:s22], s20  }
0x9f: {  	s3 =	ssub.s32 $0x0, s20;
	[sflag:s22] =	ssyncset.done $0x0  }
0xa0: {  	[sflag:s22] =	ssyncadd.s32 s3;
	_ =	sdelay $0x1  }
0xa1: {  	s23 =	simm.s32 $0x1B8B  }
0xa2: {  	_ =	swait.ge [sflag:s23], $0x1  }
0xa3: {  	[sflag:s23] =	ssyncset.done $0x0  }
0xa4: {  	s25 =	simm.s32 $0x1B8E;
	s24 =	sld [smem:$0x3FFE];
	[sflag:s23] =	ssyncadd.s32 $0xFFFFFFFF  }
0xa5: {  	s26 =	simm.s32 $execute0_lowered;
	[smem:$0x3FD2] =	sst s25  }
0xa6: {  	s4 =	sshll.u32 s26, $0x1;
	_ =	strace $0x8000004C;
	[dreg:$0x1] =	wrdreg $0xFFFFFFFF  }
0xa7: {  	s28 =	simm.s32 $_size_execute0_lowered;
	s2 =	sadd.s32 s2, s4;
	[dreg:$0x0] =	wrdreg $0x0  }
0xa8: {  	s4 =	sshll.u32 s28, $0x1;
	[dreg:$0x2] =	wrdreg s2  }
0xa9: {  	[dreg:$0x3] =	wrdreg s4  }
0xaa: {  	[dreg:$0x4] =	wrdreg $0xC0  }
0xab: {  	_ =	task [dreg:s6], $0x5FFFF  }
0xac: {  	[dreg:$0x1] =	wrdreg $0xFFFFFFFF  }
0xad: {  	[dreg:$0x0] =	wrdreg $0x60  }
0xae: {  	[dreg:$0x2] =	wrdreg s24  }
0xaf: {  	[dreg:$0x3] =	wrdreg $0xA8000  }
0xb0: {  	[dreg:$0x4] =	wrdreg $0x9  }
0xb1: {  	_ =	task.clear_ibuf [dreg:s6], $0x5FFFF;
	_ =	strace $0x9000004C  }
0xb2: {  	s29 =	simm.s32 $0x9;
	_ =	strace $0x8000004E  }
0xb3: {  	_ =	swait.ge [sflag:s29], $0x1  }
0xb4: {  	[sflag:s29] =	ssyncadd.s32 $0xFFFFFFFF  }
0xb5: {  	_ =	strace $0x9000004E  }
0xb6: {  	_ =	sfence  }
0xb7: {  	s30 =	sld [smem:$0x0];
	_ =	sdelay $0x2  }
0xb8: {  	s31 =	sshll.u32 s1, $0xD;
	s1 =	sshrl.u32 s1, $0x2  }
0xb9: {  	s3 =	sand.u32 $0x4000, s31;
	s1 =	sadd.s32 s1, s30  }
0xba: {  	s0 =	sor.u32 s3, s0;
	s1 =	sshll.u32 s1, $0x11  }
0xbb: {  	s0 =	sor.u32 s1, s0  }
0xbc: {  	s0 =	sadd.s32 $0x8F2B, s0  }
0xbd: {  	[sflag:s0] =	ssyncadd.remote.s32 $0x1  }
0xbe: {  	_ =	sfence.sel $0xFFFF  }
0xbf: {  	[dreg:$0x0] =	wrdreg $0xFFFFFFFF;
	(pc) =	sbr.abs _section_cstart, $3  }
0xc0: {  	[dreg:$0x1] =	wrdreg $0xFFFFFFFF  }
0xc1: {  	_ =	task.clear_ibuf [dreg:s6], $0x2FFFF;
	_ =	strace $0x9FFFFFFF  }
0xc2: {  	(tm) =	ssettm $0x7FFFFFFF  }
0xc3: {  	_ =	shalt  }
tec
execute0_lowered:
.L_overlay_start_1:
0x0: {  	(tag) =	ssettag $0x1  }
0x1: {  	s0 =	rddreg [dreg:$0x0]  }
0x2: {  	s1 =	rddreg [dreg:$0x1]  }
0x3: {  	s2 =	srdreg.scid;
	s4 =	simm.s32 $0x0;
	s11 =	stileid.u32  }
0x4: {  	s14 =	simm.s32 $0x1;
	s15 =	simm.s32 $0x80;
	s16 =	simm.s32 $0x2800  }
0x5: {  	s17 =	simm.s32 $0x3800;
	s19 =	simm.s32 $0x4800;
	s21 =	simm.s32 $0x5800  }
0x6: {  	s28 =	simm.s32 $0x2;
	s31 =	simm.s32 $0x8800;
	s20 =	simm.s32 $0x9800  }
0x7: {  	s22 =	simm.s32 $0x4;
	s29 =	simm.s32 $0x9;
	s30 =	simm.s32 $0x5  }
0x8: {  	s18 =	simm.s32 $0x6;
	s13 =	simm.s32 $0xD;
	s12 =	simm.s32 $0xF  }
0x9: {  	s2 =	sand.u32 $0x1, s2;
	[smem:$0x7FF] =	sst s4;
	s4 =	sadd.s32 $0x17A00, s0  }
0xa: {  	s5 =	sadd.s32 $0xDC00, s0;
	s10 =	smul.u32 $0x4F00, s11;
	s25 =	sshll.u32 s11, $0x6  }
0xb: {  	s3 =	sshll.u32 s2, $0x4;
	_ =	strace $0x8000004D;
	s6 =	smul.u32 $0x9E00, s2  }
0xc: {  	s7 =	ssub.s32 $0x2, s2;
	p0 =	seq.s32 s2, $0x0;
	[dreg:$0x6] =	wrdreg s25  }
0xd: {  	s2 =	simm.s32 $0xA;
	s3 =	sor.u32 s11, s3;
	s9 =	sshrl.u32 s7, $0x1  }
0xe: {  	s23 =	sadd.s32 s10, s1;
	s24 =	sshrl.u32 s10, $0x3;
	s5 =	smov.u32 @p0 s4  }
0xf: {  	s3 =	smul.u32 $0x280, s3;
	s6 =	sadd.s32 s6, s0;
	s7 =	ssub.s32 s7, s9  }
0x10: {  	s5 =	sadd.s32 s5, s24;
	s11 =	sshrl.u32 s23, $0x3;
	s23 =	simm.s32 $0x6800  }
0x11: {  	s9 =	simm.s32 $0xE;
	s6 =	sadd.s32 $0x21800, s6;
	[dreg:$0x5] =	wrdreg s5  }
0x12: {  	s7 =	smax.u32 s7, $0x1;
	s5 =	sor.u32 $0x1C01, s25;
	[dreg:$0x8] =	wrdreg s11  }
0x13: {  	s25 =	simm.s32 $0xB;
	s8 =	sadd.s32 s3, s0;
	[dreg:$0x4] =	wrdreg s7  }
0x14: {  	s0 =	sadd.s32 $0x8A00, s0;
	[dreg:$0x7] =	wrdreg s5;
	s26 =	sadd.s32 s24, s6  }
0x15: {  	s5 =	simm.s32 $0x7;
	s6 =	simm.s32 $0xC;
	s7 =	simm.s32 $0x8  }
0x16: {  	s24 =	simm.s32 $0x0;
	s8 =	sadd.s32 $0x3A00, s8;
	[dreg:$0xa] =	wrdreg s26  }
0x17: {  	s0 =	sadd.s32 s3, s0;
	s26 =	simm.s32 $0x7800;
	[dreg:$0x3] =	wrdreg s8  }
0x18: {  	[dreg:$0x9] =	wrdreg s0;
	s0 =	simm.s32 $0x3;
	s8 =	simm.s32 $0x10  }
.LBB2_1:
0x19: {  	[dreg:$0xb] =	wrdreg s24  }
0x1a: {  	s3 =	rddreg [dreg:$0x5]  }
0x1b: {  	s10 =	rddreg [dreg:$0x7]  }
0x1c: {  	[spmem:s11], [sflag:s10] =	dma.local [hbm:s3], $0x9E0  }
0x1d: {  	s24 =	simm.s32 $0x11;
	s3 =	simm.s32 $0x0;
	s10 =	rddreg [dreg:$0x3]  }
0x1e: {  	[tilespmem:s3], [sflag:$0x11] =	stream.linear.gather [hbm4b:s10+s3], $0x1400, $0x38;
	[tilespmem:$0xF700] =	vst v63  }
0x1f: {  	_ =	swait.ge [sflag:s24], $0x1400  }
0x20: {  	[sflag:s24] =	ssyncset.done $0x0  }
0x21: {  	s11 =	simm.s32 $0x1400;
	s10 =	rddreg [dreg:$0x9];
	[sflag:s24] =	ssyncadd.s32 $0xFFFFEC00  }
0x22: {  	[tilespmem:s11], [sflag:$0x11] =	stream.linear.gather [hbm4b:s10+s3], $0x1400, $0x38;
	[tilespmem:$0xF700] =	vst v63  }
0x23: {  	_ =	swait.ge [sflag:s24], $0x1400  }
0x24: {  	[sflag:s24] =	ssyncset.done $0x0  }
0x25: {  	[sflag:s24] =	ssyncadd.s32 $0xFFFFEC00  }
0x26: {  	_ =	swait.ge [sflag:s14], $0x9E0  }
0x27: {  	[sflag:s14] =	ssyncset.done $0x0  }
0x28: {  	[sflag:s14] =	ssyncadd.s32 $0xFFFFF620  }
0x29: {  	[bflag:$0x0] =	sbarrier.arrive $0xFFFF  }
0x2a: {  	[tilespmem:s16], [sflag:$0x1] =	stream.indirect.gather [hbm4b:s4+s15], $0x20, s3, s15, $0xb8;
	[tilespmem:$0xF700] =	vst v63  }
0x2b: {  	_ = 	snop  }
0x2c: {  	[tilespmem:s17], [sflag:$0x2] =	stream.indirect.gather [hbm4b:s4+s15], $0x20, s15, s15, $0xb8;
	[tilespmem:$0xF700] =	vst v63  }
0x2d: {  	s24 =	simm.s32 $0x100  }
0x2e: {  	[tilespmem:s19], [sflag:$0x3] =	stream.indirect.gather [hbm4b:s4+s15], $0x20, s24, s15, $0xb8;
	[tilespmem:$0xF700] =	vst v63  }
0x2f: {  	s10 =	simm.s32 $0x180  }
0x30: {  	[tilespmem:s21], [sflag:$0x4] =	stream.indirect.gather [hbm4b:s4+s15], $0x20, s10, s15, $0xb8;
	[tilespmem:$0xF700] =	vst v63  }
0x31: {  	s24 =	simm.s32 $0x200  }
0x32: {  	[tilespmem:s23], [sflag:$0x5] =	stream.indirect.gather [hbm4b:s4+s15], $0x20, s24, s15, $0xb8;
	[tilespmem:$0xF700] =	vst v63  }
0x33: {  	_ =	swait.ge [sflag:s14], $0x1000  }
0x34: {  	[sflag:s14] =	ssyncset.done $0x0  }
0x35: {  	[sflag:s14] =	ssyncadd.s32 $0xFFFFF000  }
0x36: {  	[spmem:s1] =	stream.indirect.scatter.add.f32 [tilespmem:s16], [sflag:$0x9], $0x20, s11, s15, $0xb8;
	[tilespmem:$0xF700] =	vst v63  }
0x37: {  	s10 =	simm.s32 $0x280  }
0x38: {  	[tilespmem:s26], [sflag:$0x6] =	stream.indirect.gather [hbm4b:s4+s15], $0x20, s10, s15, $0xb8;
	[tilespmem:$0xF700] =	vst v63  }
0x39: {  	_ =	swait.ge [sflag:s28], $0x1000  }
0x3a: {  	[sflag:s28] =	ssyncset.done $0x0  }
0x3b: {  	s11 =	simm.s32 $0x1480;
	[sflag:s28] =	ssyncadd.s32 $0xFFFFF000  }
0x3c: {  	[spmem:s1] =	stream.indirect.scatter.add.f32 [tilespmem:s17], [sflag:$0xA], $0x20, s11, s15, $0xb8;
	[tilespmem:$0xF700] =	vst v63  }
0x3d: {  	s24 =	simm.s32 $0x300  }
0x3e: {  	[tilespmem:s31], [sflag:$0x7] =	stream.indirect.gather [hbm4b:s4+s15], $0x20, s24, s15, $0xb8;
	[tilespmem:$0xF700] =	vst v63  }
0x3f: {  	_ =	swait.ge [sflag:s0], $0x1000  }
0x40: {  	[sflag:s0] =	ssyncset.done $0x0  }
0x41: {  	s10 =	simm.s32 $0x1500;
	[sflag:s0] =	ssyncadd.s32 $0xFFFFF000  }
0x42: {  	[spmem:s1] =	stream.indirect.scatter.add.f32 [tilespmem:s19], [sflag:$0xB], $0x20, s10, s15, $0xb8;
	[tilespmem:$0xF700] =	vst v63  }
0x43: {  	s11 =	simm.s32 $0x380  }
0x44: {  	[tilespmem:s20], [sflag:$0x8] =	stream.indirect.gather [hbm4b:s4+s15], $0x20, s11, s15, $0xb8;
	[tilespmem:$0xF700] =	vst v63  }
0x45: {  	_ =	swait.ge [sflag:s22], $0x1000  }
0x46: {  	[sflag:s22] =	ssyncset.done $0x0  }
0x47: {  	s24 =	simm.s32 $0x1580;
	[sflag:s22] =	ssyncadd.s32 $0xFFFFF000  }
0x48: {  	[spmem:s1] =	stream.indirect.scatter.add.f32 [tilespmem:s21], [sflag:$0xC], $0x20, s24, s15, $0xb8;
	[tilespmem:$0xF700] =	vst v63  }
0x49: {  	_ =	swait.ge [sflag:s29], $0x1000  }
0x4a: {  	[sflag:s29] =	ssyncset.done $0x0  }
0x4b: {  	s10 =	simm.s32 $0x400;
	[sflag:s29] =	ssyncadd.s32 $0xFFFFF000  }
0x4c: {  	[tilespmem:s16], [sflag:$0x1] =	stream.indirect.gather [hbm4b:s4+s15], $0x20, s10, s15, $0xb8;
	[tilespmem:$0xF700] =	vst v63  }
0x4d: {  	_ =	swait.ge [sflag:s30], $0x1000  }
0x4e: {  	[sflag:s30] =	ssyncset.done $0x0  }
0x4f: {  	s11 =	simm.s32 $0x1600;
	[sflag:s30] =	ssyncadd.s32 $0xFFFFF000  }
0x50: {  	[spmem:s1] =	stream.indirect.scatter.add.f32 [tilespmem:s23], [sflag:$0xD], $0x20, s11, s15, $0xb8;
	[tilespmem:$0xF700] =	vst v63  }
0x51: {  	_ =	swait.ge [sflag:s2], $0x1000  }
0x52: {  	[sflag:s2] =	ssyncset.done $0x0  }
0x53: {  	s24 =	simm.s32 $0x480;
	[sflag:s2] =	ssyncadd.s32 $0xFFFFF000  }
0x54: {  	[tilespmem:s17], [sflag:$0x2] =	stream.indirect.gather [hbm4b:s4+s15], $0x20, s24, s15, $0xb8;
	[tilespmem:$0xF700] =	vst v63  }
0x55: {  	_ =	swait.ge [sflag:s18], $0x1000  }
0x56: {  	[sflag:s18] =	ssyncset.done $0x0  }
0x57: {  	s10 =	simm.s32 $0x1680;
	[sflag:s18] =	ssyncadd.s32 $0xFFFFF000  }
0x58: {  	[spmem:s1] =	stream.indirect.scatter.add.f32 [tilespmem:s26], [sflag:$0xE], $0x20, s10, s15, $0xb8;
	[tilespmem:$0xF700] =	vst v63  }
0x59: {  	_ =	swait.ge [sflag:s25], $0x1000  }
0x5a: {  	[sflag:s25] =	ssyncset.done $0x0  }
0x5b: {  	s11 =	simm.s32 $0x500;
	[sflag:s25] =	ssyncadd.s32 $0xFFFFF000  }
0x5c: {  	[tilespmem:s19], [sflag:$0x3] =	stream.indirect.gather [hbm4b:s4+s15], $0x20, s11, s15, $0xb8;
	[tilespmem:$0xF700] =	vst v63  }
0x5d: {  	_ =	swait.ge [sflag:s5], $0x1000  }
0x5e: {  	[sflag:s5] =	ssyncset.done $0x0  }
0x5f: {  	s24 =	simm.s32 $0x1700;
	[sflag:s5] =	ssyncadd.s32 $0xFFFFF000  }
0x60: {  	[spmem:s1] =	stream.indirect.scatter.add.f32 [tilespmem:s31], [sflag:$0xF], $0x20, s24, s15, $0xb8;
	[tilespmem:$0xF700] =	vst v63  }
0x61: {  	_ =	swait.ge [sflag:s6], $0x1000  }
0x62: {  	[sflag:s6] =	ssyncset.done $0x0  }
0x63: {  	s10 =	simm.s32 $0x580;
	[sflag:s6] =	ssyncadd.s32 $0xFFFFF000  }
0x64: {  	[tilespmem:s21], [sflag:$0x4] =	stream.indirect.gather [hbm4b:s4+s15], $0x20, s10, s15, $0xb8;
	[tilespmem:$0xF700] =	vst v63  }
0x65: {  	_ =	swait.ge [sflag:s7], $0x1000  }
0x66: {  	[sflag:s7] =	ssyncset.done $0x0  }
0x67: {  	s11 =	simm.s32 $0x1780;
	[sflag:s7] =	ssyncadd.s32 $0xFFFFF000  }
0x68: {  	[spmem:s1] =	stream.indirect.scatter.add.f32 [tilespmem:s20], [sflag:$0x10], $0x20, s11, s15, $0xb8;
	[tilespmem:$0xF700] =	vst v63  }
0x69: {  	_ =	swait.ge [sflag:s13], $0x1000  }
0x6a: {  	[sflag:s13] =	ssyncset.done $0x0  }
0x6b: {  	s24 =	simm.s32 $0x600;
	[sflag:s13] =	ssyncadd.s32 $0xFFFFF000  }
0x6c: {  	[tilespmem:s23], [sflag:$0x5] =	stream.indirect.gather [hbm4b:s4+s15], $0x20, s24, s15, $0xb8;
	[tilespmem:$0xF700] =	vst v63  }
0x6d: {  	_ =	swait.ge [sflag:s14], $0x1000  }
0x6e: {  	[sflag:s14] =	ssyncset.done $0x0  }
0x6f: {  	s10 =	simm.s32 $0x1800;
	[sflag:s14] =	ssyncadd.s32 $0xFFFFF000  }
0x70: {  	[spmem:s1] =	stream.indirect.scatter.add.f32 [tilespmem:s16], [sflag:$0x9], $0x20, s10, s15, $0xb8;
	[tilespmem:$0xF700] =	vst v63  }
0x71: {  	_ =	swait.ge [sflag:s9], $0x1000  }
0x72: {  	[sflag:s9] =	ssyncset.done $0x0  }
0x73: {  	s11 =	simm.s32 $0x680;
	[sflag:s9] =	ssyncadd.s32 $0xFFFFF000  }
0x74: {  	[tilespmem:s26], [sflag:$0x6] =	stream.indirect.gather [hbm4b:s4+s15], $0x20, s11, s15, $0xb8;
	[tilespmem:$0xF700] =	vst v63  }
0x75: {  	_ =	swait.ge [sflag:s28], $0x1000  }
0x76: {  	[sflag:s28] =	ssyncset.done $0x0  }
0x77: {  	s24 =	simm.s32 $0x1880;
	[sflag:s28] =	ssyncadd.s32 $0xFFFFF000  }
0x78: {  	[spmem:s1] =	stream.indirect.scatter.add.f32 [tilespmem:s17], [sflag:$0xA], $0x20, s24, s15, $0xb8;
	[tilespmem:$0xF700] =	vst v63  }
0x79: {  	_ =	swait.ge [sflag:s12], $0x1000  }
0x7a: {  	[sflag:s12] =	ssyncset.done $0x0  }
0x7b: {  	s10 =	simm.s32 $0x700;
	[sflag:s12] =	ssyncadd.s32 $0xFFFFF000  }
0x7c: {  	[tilespmem:s31], [sflag:$0x7] =	stream.indirect.gather [hbm4b:s4+s15], $0x20, s10, s15, $0xb8;
	[tilespmem:$0xF700] =	vst v63  }
0x7d: {  	_ =	swait.ge [sflag:s0], $0x1000  }
0x7e: {  	[sflag:s0] =	ssyncset.done $0x0  }
0x7f: {  	s11 =	simm.s32 $0x1900;
	[sflag:s0] =	ssyncadd.s32 $0xFFFFF000  }
0x80: {  	[spmem:s1] =	stream.indirect.scatter.add.f32 [tilespmem:s19], [sflag:$0xB], $0x20, s11, s15, $0xb8;
	[tilespmem:$0xF700] =	vst v63  }
0x81: {  	_ =	swait.ge [sflag:s8], $0x1000  }
0x82: {  	[sflag:s8] =	ssyncset.done $0x0  }
0x83: {  	s24 =	simm.s32 $0x780;
	[sflag:s8] =	ssyncadd.s32 $0xFFFFF000  }
0x84: {  	[tilespmem:s20], [sflag:$0x8] =	stream.indirect.gather [hbm4b:s4+s15], $0x20, s24, s15, $0xb8;
	[tilespmem:$0xF700] =	vst v63  }
0x85: {  	_ =	swait.ge [sflag:s22], $0x1000  }
0x86: {  	[sflag:s22] =	ssyncset.done $0x0  }
0x87: {  	s3 =	simm.s32 $0x1000;
	s10 =	simm.s32 $0x1980;
	[sflag:s22] =	ssyncadd.s32 $0xFFFFF000  }
.LBB2_2:
0x88: {  	[spmem:s1] =	stream.indirect.scatter.add.f32 [tilespmem:s21], [sflag:$0xC], $0x20, s10, s15, $0xb8;
	[tilespmem:$0xF700] =	vst v63  }
0x89: {  	s10 =	smov.u32 s3  }
0x8a: {  	p0 =	sne.s32 s3, $0x3000;
	s3 =	sadd.s32 $0x1000, s3;
	_ =	swait.ge [sflag:s29], $0x1000  }
0x8b: {  	s10 =	sshra.s32 s10, $0x2;
	[sflag:s29] =	ssyncset.done $0x0  }
0x8c: {  	s11 =	sadd.s32 $0x400, s10;
	[sflag:s29] =	ssyncadd.s32 $0xFFFFF000  }
0x8d: {  	[tilespmem:s16], [sflag:$0x1] =	stream.indirect.gather [hbm4b:s4+s15], $0x20, s11, s15, $0xb8;
	[tilespmem:$0xF700] =	vst v63  }
0x8e: {  	_ =	swait.ge [sflag:s30], $0x1000  }
0x8f: {  	[sflag:s30] =	ssyncset.done $0x0  }
0x90: {  	s11 =	sadd.s32 $0x1600, s10;
	[sflag:s30] =	ssyncadd.s32 $0xFFFFF000  }
0x91: {  	[spmem:s1] =	stream.indirect.scatter.add.f32 [tilespmem:s23], [sflag:$0xD], $0x20, s11, s15, $0xb8;
	[tilespmem:$0xF700] =	vst v63  }
0x92: {  	_ =	swait.ge [sflag:s2], $0x1000  }
0x93: {  	[sflag:s2] =	ssyncset.done $0x0  }
0x94: {  	s11 =	sadd.s32 $0x480, s10;
	[sflag:s2] =	ssyncadd.s32 $0xFFFFF000  }
0x95: {  	[tilespmem:s17], [sflag:$0x2] =	stream.indirect.gather [hbm4b:s4+s15], $0x20, s11, s15, $0xb8;
	[tilespmem:$0xF700] =	vst v63  }
0x96: {  	_ =	swait.ge [sflag:s18], $0x1000  }
0x97: {  	[sflag:s18] =	ssyncset.done $0x0  }
0x98: {  	s11 =	sadd.s32 $0x1680, s10;
	[sflag:s18] =	ssyncadd.s32 $0xFFFFF000  }
0x99: {  	[spmem:s1] =	stream.indirect.scatter.add.f32 [tilespmem:s26], [sflag:$0xE], $0x20, s11, s15, $0xb8;
	[tilespmem:$0xF700] =	vst v63  }
0x9a: {  	_ =	swait.ge [sflag:s25], $0x1000  }
0x9b: {  	[sflag:s25] =	ssyncset.done $0x0  }
0x9c: {  	s11 =	sadd.s32 $0x500, s10;
	[sflag:s25] =	ssyncadd.s32 $0xFFFFF000  }
0x9d: {  	[tilespmem:s19], [sflag:$0x3] =	stream.indirect.gather [hbm4b:s4+s15], $0x20, s11, s15, $0xb8;
	[tilespmem:$0xF700] =	vst v63  }
0x9e: {  	_ =	swait.ge [sflag:s5], $0x1000  }
0x9f: {  	[sflag:s5] =	ssyncset.done $0x0  }
0xa0: {  	s11 =	sadd.s32 $0x1700, s10;
	[sflag:s5] =	ssyncadd.s32 $0xFFFFF000  }
0xa1: {  	[spmem:s1] =	stream.indirect.scatter.add.f32 [tilespmem:s31], [sflag:$0xF], $0x20, s11, s15, $0xb8;
	[tilespmem:$0xF700] =	vst v63  }
0xa2: {  	_ =	swait.ge [sflag:s6], $0x1000  }
0xa3: {  	[sflag:s6] =	ssyncset.done $0x0  }
0xa4: {  	s11 =	sadd.s32 $0x580, s10;
	[sflag:s6] =	ssyncadd.s32 $0xFFFFF000  }
0xa5: {  	[tilespmem:s21], [sflag:$0x4] =	stream.indirect.gather [hbm4b:s4+s15], $0x20, s11, s15, $0xb8;
	[tilespmem:$0xF700] =	vst v63  }
0xa6: {  	_ =	swait.ge [sflag:s7], $0x1000  }
0xa7: {  	[sflag:s7] =	ssyncset.done $0x0  }
0xa8: {  	s11 =	sadd.s32 $0x1780, s10;
	[sflag:s7] =	ssyncadd.s32 $0xFFFFF000  }
0xa9: {  	[spmem:s1] =	stream.indirect.scatter.add.f32 [tilespmem:s20], [sflag:$0x10], $0x20, s11, s15, $0xb8;
	[tilespmem:$0xF700] =	vst v63  }
0xaa: {  	_ =	swait.ge [sflag:s13], $0x1000  }
0xab: {  	[sflag:s13] =	ssyncset.done $0x0  }
0xac: {  	s11 =	sadd.s32 $0x600, s10;
	[sflag:s13] =	ssyncadd.s32 $0xFFFFF000  }
0xad: {  	[tilespmem:s23], [sflag:$0x5] =	stream.indirect.gather [hbm4b:s4+s15], $0x20, s11, s15, $0xb8;
	[tilespmem:$0xF700] =	vst v63  }
0xae: {  	_ =	swait.ge [sflag:s14], $0x1000  }
0xaf: {  	[sflag:s14] =	ssyncset.done $0x0  }
0xb0: {  	s11 =	sadd.s32 $0x1800, s10;
	[sflag:s14] =	ssyncadd.s32 $0xFFFFF000  }
0xb1: {  	[spmem:s1] =	stream.indirect.scatter.add.f32 [tilespmem:s16], [sflag:$0x9], $0x20, s11, s15, $0xb8;
	[tilespmem:$0xF700] =	vst v63  }
0xb2: {  	_ =	swait.ge [sflag:s9], $0x1000  }
0xb3: {  	[sflag:s9] =	ssyncset.done $0x0  }
0xb4: {  	s11 =	sadd.s32 $0x680, s10;
	[sflag:s9] =	ssyncadd.s32 $0xFFFFF000  }
0xb5: {  	[tilespmem:s26], [sflag:$0x6] =	stream.indirect.gather [hbm4b:s4+s15], $0x20, s11, s15, $0xb8;
	[tilespmem:$0xF700] =	vst v63  }
0xb6: {  	_ =	swait.ge [sflag:s28], $0x1000  }
0xb7: {  	[sflag:s28] =	ssyncset.done $0x0  }
0xb8: {  	s11 =	sadd.s32 $0x1880, s10;
	[sflag:s28] =	ssyncadd.s32 $0xFFFFF000  }
0xb9: {  	[spmem:s1] =	stream.indirect.scatter.add.f32 [tilespmem:s17], [sflag:$0xA], $0x20, s11, s15, $0xb8;
	[tilespmem:$0xF700] =	vst v63  }
0xba: {  	_ =	swait.ge [sflag:s12], $0x1000  }
0xbb: {  	[sflag:s12] =	ssyncset.done $0x0  }
0xbc: {  	s11 =	sadd.s32 $0x700, s10;
	[sflag:s12] =	ssyncadd.s32 $0xFFFFF000  }
0xbd: {  	[tilespmem:s31], [sflag:$0x7] =	stream.indirect.gather [hbm4b:s4+s15], $0x20, s11, s15, $0xb8;
	[tilespmem:$0xF700] =	vst v63  }
0xbe: {  	_ =	swait.ge [sflag:s0], $0x1000  }
0xbf: {  	[sflag:s0] =	ssyncset.done $0x0  }
0xc0: {  	s11 =	sadd.s32 $0x1900, s10;
	[sflag:s0] =	ssyncadd.s32 $0xFFFFF000  }
0xc1: {  	[spmem:s1] =	stream.indirect.scatter.add.f32 [tilespmem:s19], [sflag:$0xB], $0x20, s11, s15, $0xb8;
	[tilespmem:$0xF700] =	vst v63  }
0xc2: {  	_ =	swait.ge [sflag:s8], $0x1000  }
0xc3: {  	[sflag:s8] =	ssyncset.done $0x0  }
.Ltmp0:
0xc4: {  	s11 =	sadd.s32 $0x780, s10;
	[sflag:s8] =	ssyncadd.s32 $0xFFFFF000;
	(pc) =	sbr.rel @p0 .LBB2_2-.Ltmp0, $4  }
0xc5: {  	[tilespmem:s20], [sflag:$0x8] =	stream.indirect.gather [hbm4b:s4+s15], $0x20, s11, s15, $0xb8;
	[tilespmem:$0xF700] =	vst v63  }
0xc6: {  	_ =	swait.ge [sflag:s22], $0x1000  }
0xc7: {  	[sflag:s22] =	ssyncset.done $0x0  }
0xc8: {  	s10 =	sadd.s32 $0x1980, s10;
	[sflag:s22] =	ssyncadd.s32 $0xFFFFF000  }
0xc9: {  	[spmem:s1] =	stream.indirect.scatter.add.f32 [tilespmem:s21], [sflag:$0xC], $0x20, s10, s15, $0xb8;
	[tilespmem:$0xF700] =	vst v63  }
0xca: {  	_ =	swait.ge [sflag:s30], $0x1000  }
0xcb: {  	[sflag:s30] =	ssyncset.done $0x0  }
0xcc: {  	s3 =	simm.s32 $0x2600;
	[sflag:s30] =	ssyncadd.s32 $0xFFFFF000  }
0xcd: {  	[spmem:s1] =	stream.indirect.scatter.add.f32 [tilespmem:s23], [sflag:$0xD], $0x20, s3, s15, $0xb8;
	[tilespmem:$0xF700] =	vst v63  }
0xce: {  	_ =	swait.ge [sflag:s18], $0x1000  }
0xcf: {  	[sflag:s18] =	ssyncset.done $0x0  }
0xd0: {  	s11 =	simm.s32 $0x2680;
	[sflag:s18] =	ssyncadd.s32 $0xFFFFF000  }
0xd1: {  	[spmem:s1] =	stream.indirect.scatter.add.f32 [tilespmem:s26], [sflag:$0xE], $0x20, s11, s15, $0xb8;
	[tilespmem:$0xF700] =	vst v63  }
0xd2: {  	_ =	swait.ge [sflag:s5], $0x1000  }
0xd3: {  	[sflag:s5] =	ssyncset.done $0x0  }
0xd4: {  	s24 =	simm.s32 $0x2700;
	[sflag:s5] =	ssyncadd.s32 $0xFFFFF000  }
0xd5: {  	[spmem:s1] =	stream.indirect.scatter.add.f32 [tilespmem:s31], [sflag:$0xF], $0x20, s24, s15, $0xb8;
	[tilespmem:$0xF700] =	vst v63  }
0xd6: {  	_ =	swait.ge [sflag:s7], $0x1000  }
0xd7: {  	[sflag:s7] =	ssyncset.done $0x0  }
0xd8: {  	s10 =	simm.s32 $0x2780;
	[sflag:s7] =	ssyncadd.s32 $0xFFFFF000  }
0xd9: {  	[spmem:s1] =	stream.indirect.scatter.add.f32 [tilespmem:s20], [sflag:$0x10], $0x20, s10, s15, $0xb8;
	[tilespmem:$0xF700] =	vst v63  }
0xda: {  	_ =	swait.ge [sflag:s29], $0x1000  }
0xdb: {  	[sflag:s29] =	ssyncset.done $0x0  }
0xdc: {  	[sflag:s29] =	ssyncadd.s32 $0xFFFFF000  }
0xdd: {  	_ =	swait.ge [sflag:s2], $0x1000  }
0xde: {  	[sflag:s2] =	ssyncset.done $0x0  }
0xdf: {  	[sflag:s2] =	ssyncadd.s32 $0xFFFFF000  }
0xe0: {  	_ =	swait.ge [sflag:s25], $0x1000  }
0xe1: {  	[sflag:s25] =	ssyncset.done $0x0  }
0xe2: {  	[sflag:s25] =	ssyncadd.s32 $0xFFFFF000  }
0xe3: {  	_ =	swait.ge [sflag:s6], $0x1000  }
0xe4: {  	[sflag:s6] =	ssyncset.done $0x0  }
0xe5: {  	[sflag:s6] =	ssyncadd.s32 $0xFFFFF000  }
0xe6: {  	_ =	swait.ge [sflag:s13], $0x1000  }
0xe7: {  	[sflag:s13] =	ssyncset.done $0x0  }
0xe8: {  	[sflag:s13] =	ssyncadd.s32 $0xFFFFF000  }
0xe9: {  	_ =	swait.ge [sflag:s9], $0x1000  }
0xea: {  	[sflag:s9] =	ssyncset.done $0x0  }
0xeb: {  	[sflag:s9] =	ssyncadd.s32 $0xFFFFF000  }
0xec: {  	_ =	swait.ge [sflag:s12], $0x1000  }
0xed: {  	[sflag:s12] =	ssyncset.done $0x0  }
0xee: {  	[sflag:s12] =	ssyncadd.s32 $0xFFFFF000  }
0xef: {  	_ =	swait.ge [sflag:s8], $0x1000  }
0xf0: {  	[sflag:s8] =	ssyncset.done $0x0  }
0xf1: {  	[sflag:s8] =	ssyncadd.s32 $0xFFFFF000  }
0xf2: {  	[bflag:$0x0] =	sbarrier.arrive $0xFFFF  }
0xf3: {  	s11 =	rddreg [dreg:$0x6]  }
0xf4: {  	s24 =	rddreg [dreg:$0xa]  }
0xf5: {  	s10 =	simm.s32 $0x11;
	s3 =	sor.u32 $0x1C11, s11;
	s11 =	rddreg [dreg:$0x8]  }
0xf6: {  	[hbm:s24], [sflag:s3] =	dma.local [spmem:s11], $0x9E0  }
0xf7: {  	_ =	swait.ge [sflag:s10], $0x9E0  }
0xf8: {  	s24 =	rddreg [dreg:$0xb]  }
0xf9: {  	s3 =	rddreg [dreg:$0x4];
	s24 =	sadd.s32 $0x1, s24  }
0xfa: {  	p0 =	sne.s32 s24, s3  }
.Ltmp1:
0xfb: {  	_ = 	snop;
	(pc) =	sbr.rel @p0 .LBB2_1-.Ltmp1, $3  }
0xfc: {  	_ =	sdelay $0x1  }
0xfd: {  	[sflag:s10] =	ssyncset.done $0x0  }
0xfe: {  	[sflag:s10] =	ssyncadd.s32 $0xFFFFF620  }
0xff: {  	_ =	sfence.sel $0x180000  }
0x100: {  	[bflag:$0x0] =	sbarrier.arrive $0xFFFF  }
0x101: {  	_ =	strace $0x9000004D  }
0x102: {  	s0 =	stileid.u32;
	[bflag:$0x2] =	sbarrier.arrive $0xFFFF  }
0x103: {  	p0 =	sne.s32 s0, $0x0;
	s0 =	rddreg [dreg:$0x2]  }
0x104: {  	s0 =	sadd.s32 @!p0 $0x100000, s0  }
0x105: {  	[sflag:s0] =	ssyncadd.tile.s32 @!p0 $0x1;
	_ =	shalt  }
.Lfunc_end2:
_tile_overlayer_lowered:
.L_overlay_start_2:
0x106: {  	(tag) =	ssettag $0x2  }
0x107: {  	s0 =	rddreg [dreg:$0x0];
	s2 =	stileid.u32  }
0x108: {  	s1 =	rddreg [dreg:$0x1];
	p0 =	sne.s32 s2, $0x0  }
0x109: {  	s3 =	rddreg [dreg:$0x2];
	[bflag:$0x3] =	sbarrier.arrive $0xFFFF;
	s2 =	simm.s32 @!p0 $0x1C11  }
0x10a: {  	[timem:s3], [sflag:s2] =	dma.local @!p0 [hbm:s0], s1  }
0x10b: {  	s0 =	simm.s32 @!p0 $0x11  }
0x10c: {  	_ =	swait.ge @!p0 [sflag:s0], s1  }
0x10d: {  	s1 =	ssub.s32 @!p0 $0x0, s1;
	[sflag:s0] =	ssyncset.done @!p0 $0x0  }
0x10e: {  	[sflag:s0] =	ssyncadd.s32 @!p0 s1  }
0x10f: {  	[bflag:$0x3] =	sbarrier.arrive $0xFFFF  }
0x110: {  	_ =	shalt  }

// kernel: kernel.9.cloned.1.call-start
scs
__scs_entry_jumppad:
0x0: {  	(pc) =	sbr.rel $0x88, $3  }
0x1: {  	(tag) =	ssettag $0x0;
	lr =	simm.s32 $0x1  }
0x2: {  	[smem:$0x3F94] =	sst lr;
	_ =	strace $0xD0000000  }
0x3: {  	_ = 	snop  }
0x4: {  	_ = 	snop  }
0x5: {  	_ = 	snop  }
0x6: {  	_ = 	snop  }
0x7: {  	_ = 	snop  }
__scs_overlays_trampoline_lowered:
0x8: {  	[smem:$0x3FA3] =	sst s0  }
0x9: {  	[smem:$0x3FA4] =	sst s1  }
0xa: {  	[smem:$0x3FA5] =	sst s2  }
0xb: {  	[smem:$0x3FA6] =	sst s3  }
0xc: {  	[smem:$0x3FA7] =	sst s4  }
0xd: {  	[smem:$0x3FA8] =	sst s5  }
0xe: {  	[smem:$0x3FA9] =	sst s6  }
0xf: {  	[smem:$0x3FAA] =	sst s7  }
0x10: {  	[smem:$0x3FAB] =	sst s8  }
0x11: {  	[smem:$0x3FAC] =	sst s9;
	s0 =	simm.s32 @!p0 $0x0  }
0x12: {  	s1 =	sld [smem:$0x3F92];
	s0 =	simm.s32 @p0 $0x1  }
0x13: {  	[smem:$0x3FAD] =	sst s0;
	s0 =	simm.s32 @!p1 $0x0  }
0x14: {  	s2 =	sld [smem:$0x3F91];
	s0 =	simm.s32 @p1 $0x1  }
0x15: {  	[smem:$0x3FAE] =	sst s0;
	s0 =	simm.s32 @!p2 $0x0  }
0x16: {  	s3 =	sld [smem:$0x3FDB];
	s0 =	simm.s32 @p2 $0x1  }
0x17: {  	s4 =	simm.s32 $0x1BF5;
	[smem:$0x3FB0] =	sst s0  }
0x18: {  	s0 =	sld [smem:$0x3F93];
	_ =	swait.ge [sflag:s4], $0x0  }
0x19: {  	s7 =	sld [smem:$0x3F94]  }
0x1a: {  	s8 =	sadd.s32 $0xFFFFE003, lr  }
0x1b: {  	s9 =	sadd.s32 $0xFFFFFEF7, lr;
	s5 =	simm.s32 $0xFFFFFFFF;
	p2 =	slt.u32 s8, $0xFFFFF086  }
0x1c: {  	p1 =	slt.u32 s9, $0xF7A;
	s5 =	simm.s32 @!p2 $0x0  }
0x1d: {  	s5 =	simm.s32 @p1 $0x1;
	p0 =	seq.s32 s7, s2  }
0x1e: {  	s7 =	smul.u32 @!p0 $0xF7A, s2;
	p2 =	seq.s32 @!p0 s5, $0x0  }
0x1f: {  	s9 =	smul.u32 $0xF7A, s1;
	s8 =	simm.s32 @!p0 $0x1BF5;
	p2 =	por !p2, p0  }
0x20: {  	[sflag:s8] =	ssyncset.s32 @!p0 $0xFFFFF086;
	s6 =	sadd.s32 @!p0 s3, s7;
	s7 =	simm.s32 @!p0 $0x108  }
0x21: {  	s3 =	sadd.s32 s3, s9;
	s6 =	sadd.s32 @!p0 $0x88, s6;
	s7 =	simm.s32 @p2 $0x1082  }
0x22: {  	[simem:s7], [sflag:s8] =	dma.local @!p0 [hbm:s6], $0xF7A  }
0x23: {  	s9 =	sor.u32 $0xD0000000, s2;
	s6 =	simm.s32 $0x108;
	_ =	swait.ge @!p0 [sflag:s8], $0x0  }
0x24: {  	s3 =	sadd.s32 $0x88, s3;
	s6 =	simm.s32 @!p1 $0x1082;
	[sflag:s4] =	ssyncset.s32 $0xFFFFF086  }
0x25: {  	[simem:s6], [sflag:s4] =	dma.local [hbm:s3], $0xF7A  }
0x26: {  	[smem:$0x3F94] =	sst s1;
	(tag) =	ssettag s2;
	_ =	strace s9  }
0x27: {  	s1 =	sld [smem:$0x3FA4]  }
0x28: {  	s2 =	sld [smem:$0x3FA5]  }
0x29: {  	s4 =	sld [smem:$0x3FA7]  }
0x2a: {  	p0 =	seq.s32 s5, $0x0;
	s5 =	sld [smem:$0x3FA8]  }
0x2b: {  	s6 =	sld [smem:$0x3FA9]  }
0x2c: {  	s7 =	sld [smem:$0x3FAA]  }
0x2d: {  	s3 =	simm.s32 $0x108;
	s8 =	sld [smem:$0x3FAB]  }
0x2e: {  	s3 =	simm.s32 @!p0 $0x1082;
	s9 =	sld [smem:$0x3FAC]  }
0x2f: {  	lr =	sadd.s32 s0, s3;
	s0 =	sld [smem:$0x3FA3]  }
0x30: {  	s3 =	sld [smem:$0x3FA6]  }
0x31: {  	[smem:$0x3FAF] =	sst s10  }
0x32: {  	s10 =	sld [smem:$0x3FAD];
	_ =	sdelay $0x3  }
0x33: {  	p0 =	seq.s32 s10, $0x1;
	s10 =	sld [smem:$0x3FAF];
	_ =	sdelay $0x3  }
0x34: {  	[smem:$0x3FAF] =	sst s10  }
0x35: {  	s10 =	sld [smem:$0x3FAE];
	_ =	sdelay $0x3  }
0x36: {  	p1 =	seq.s32 s10, $0x1;
	s10 =	sld [smem:$0x3FAF];
	_ =	sdelay $0x3  }
0x37: {  	[smem:$0x3FAF] =	sst s10  }
0x38: {  	s10 =	sld [smem:$0x3FB0]  }
0x39: {  	_ = 	snop;
	(pc) =	sbr.ind lr, $3  }
0x3a: {  	_ = 	snop  }
0x3b: {  	_ = 	snop  }
0x3c: {  	p2 =	seq.s32 s10, $0x1;
	s10 =	sld [smem:$0x3FAF]  }
0x3d: {  	_ =	shalt  }
0x3e: {  	_ =	shalt  }
0x3f: {  	_ =	shalt  }
0x40: {  	_ =	shalt  }
0x41: {  	_ =	shalt  }
0x42: {  	_ =	shalt  }
0x43: {  	_ =	shalt  }
0x44: {  	_ =	shalt  }
0x45: {  	_ =	shalt  }
0x46: {  	_ =	shalt  }
0x47: {  	_ =	shalt  }
0x48: {  	_ =	shalt  }
0x49: {  	_ =	shalt  }
0x4a: {  	_ =	shalt  }
0x4b: {  	_ =	shalt  }
0x4c: {  	_ =	shalt  }
0x4d: {  	_ =	shalt  }
0x4e: {  	_ =	shalt  }
0x4f: {  	_ =	shalt  }
0x50: {  	_ =	shalt  }
0x51: {  	_ =	shalt  }
0x52: {  	_ =	shalt  }
0x53: {  	_ =	shalt  }
0x54: {  	_ =	shalt  }
0x55: {  	_ =	shalt  }
0x56: {  	_ =	shalt  }
0x57: {  	_ =	shalt  }
0x58: {  	_ =	shalt  }
0x59: {  	_ =	shalt  }
0x5a: {  	_ =	shalt  }
0x5b: {  	_ =	shalt  }
0x5c: {  	_ =	shalt  }
0x5d: {  	_ =	shalt  }
0x5e: {  	_ =	shalt  }
0x5f: {  	_ =	shalt  }
0x60: {  	_ =	shalt  }
0x61: {  	_ =	shalt  }
0x62: {  	_ =	shalt  }
0x63: {  	_ =	shalt  }
0x64: {  	_ =	shalt  }
0x65: {  	_ =	shalt  }
0x66: {  	_ =	shalt  }
0x67: {  	_ =	shalt  }
0x68: {  	_ =	shalt  }
0x69: {  	_ =	shalt  }
0x6a: {  	_ =	shalt  }
0x6b: {  	_ =	shalt  }
0x6c: {  	_ =	shalt  }
0x6d: {  	_ =	shalt  }
0x6e: {  	_ =	shalt  }
0x6f: {  	_ =	shalt  }
0x70: {  	_ =	shalt  }
0x71: {  	_ =	shalt  }
0x72: {  	_ =	shalt  }
0x73: {  	_ =	shalt  }
0x74: {  	_ =	shalt  }
0x75: {  	_ =	shalt  }
0x76: {  	_ =	shalt  }
0x77: {  	_ =	shalt  }
0x78: {  	_ =	shalt  }
0x79: {  	_ =	shalt  }
0x7a: {  	_ =	shalt  }
0x7b: {  	_ =	shalt  }
0x7c: {  	_ =	shalt  }
0x7d: {  	_ =	shalt  }
0x7e: {  	_ =	shalt  }
0x7f: {  	_ =	shalt  }
0x80: {  	_ =	shalt  }
0x81: {  	_ =	shalt  }
0x82: {  	_ =	shalt  }
0x83: {  	_ =	shalt  }
0x84: {  	_ =	shalt  }
0x85: {  	_ =	shalt  }
0x86: {  	_ =	shalt  }
0x87: {  	_ =	shalt  }
.Lfunc_end0:
.L_simem_size_0:
called_computation_lowered:
.L_overlay_start_0:
0x88: {  	s2 =	sld [smem:$0x3FD9]  }
0x89: {  	s3 =	sld [smem:$0x3FFE];
	_ =	sdelay $0x1  }
0x8a: {  	s1 =	srdreg.scid  }
0x8b: {  	s0 =	sand.u32 $0x1, s1  }
0x8c: {  	s16 =	sshll.u32 s0, $0xA;
	s2 =	sadd.s32 s3, s2  }
0x8d: {  	s2 =	sadd.s32 s2, s16  }
0x8e: {  	[smem:$0x3FBB] =	sst s2  }
0x8f: {  	_ = 	snop  }
0x90: {  	(tm) =	ssettm $0x1  }
0x91: {  	s17 =	sld [smem:$0x3FFB];
	_ =	sdelay $0x3  }
0x92: {  	_ =	strace s17  }
0x93: {  	s2 =	sld [smem:$0x3FFC];
	_ =	sdelay $0x3  }
0x94: {  	_ =	strace s2  }
0x95: {  	s2 =	sld [smem:$0x3FFD];
	_ =	sdelay $0x3  }
0x96: {  	_ =	strace s2  }
0x97: {  	_ =	strace $0x8FFFFFFF  }
0x98: {  	s18 =	sld [smem:$0x3FDB];
	_ =	sdelay $0x1  }
0x99: {  	s19 =	simm.s32 $_scs_section_size  }
0x9a: {  	s4 =	simm.s32 $_size__tile_overlayer_lowered;
	s5 =	simm.s32 $_tile_overlayer_lowered  }
0x9b: {  	s22 =	simm.s32 $0x1BFF;
	s21 =	sshll.u32 s5, $0x1;
	s2 =	sadd.s32 s19, s18  }
0x9c: {  	s6 =	simm.s32 $0x0;
	s20 =	sshll.u32 s4, $0x1;
	s4 =	sadd.s32 s21, s2  }
0x9d: {  	[timem:s6], [sflag:s22] =	dma.local [hbm:s4], s20  }
0x9e: {  	_ =	swait.ge [sflag:s22], s20  }
0x9f: {  	s3 =	ssub.s32 $0x0, s20;
	[sflag:s22] =	ssyncset.done $0x0  }
0xa0: {  	[sflag:s22] =	ssyncadd.s32 s3;
	_ =	sdelay $0x1  }
0xa1: {  	s23 =	simm.s32 $0x1B8B  }
0xa2: {  	_ =	swait.ge [sflag:s23], $0x1  }
0xa3: {  	[sflag:s23] =	ssyncset.done $0x0  }
0xa4: {  	s25 =	simm.s32 $0x1B8E;
	s24 =	sld [smem:$0x3FFE];
	[sflag:s23] =	ssyncadd.s32 $0xFFFFFFFF  }
0xa5: {  	s26 =	simm.s32 $execute0_lowered;
	[smem:$0x3FD2] =	sst s25  }
0xa6: {  	s4 =	sshll.u32 s26, $0x1;
	_ =	strace $0x80000046;
	[dreg:$0x1] =	wrdreg $0xFFFFFFFF  }
0xa7: {  	s28 =	simm.s32 $_size_execute0_lowered;
	s2 =	sadd.s32 s2, s4;
	[dreg:$0x0] =	wrdreg $0x0  }
0xa8: {  	s4 =	sshll.u32 s28, $0x1;
	[dreg:$0x2] =	wrdreg s2  }
0xa9: {  	[dreg:$0x3] =	wrdreg s4  }
0xaa: {  	[dreg:$0x4] =	wrdreg $0xC0  }
0xab: {  	_ =	task [dreg:s6], $0x5FFFF  }
0xac: {  	[dreg:$0x1] =	wrdreg $0xFFFFFFFF  }
0xad: {  	[dreg:$0x0] =	wrdreg $0x60  }
0xae: {  	[dreg:$0x2] =	wrdreg s24  }
0xaf: {  	[dreg:$0x3] =	wrdreg $0x24000  }
0xb0: {  	[dreg:$0x4] =	wrdreg $0x9  }
0xb1: {  	_ =	task.clear_ibuf [dreg:s6], $0x5FFFF;
	_ =	strace $0x90000046  }
0xb2: {  	s29 =	simm.s32 $0x9;
	_ =	strace $0x80000048  }
0xb3: {  	_ =	swait.ge [sflag:s29], $0x1  }
0xb4: {  	[sflag:s29] =	ssyncadd.s32 $0xFFFFFFFF  }
0xb5: {  	_ =	strace $0x90000048  }
0xb6: {  	_ =	sfence  }
0xb7: {  	s30 =	sld [smem:$0x0];
	_ =	sdelay $0x2  }
0xb8: {  	s31 =	sshll.u32 s1, $0xD;
	s1 =	sshrl.u32 s1, $0x2  }
0xb9: {  	s3 =	sand.u32 $0x4000, s31;
	s1 =	sadd.s32 s1, s30  }
0xba: {  	s0 =	sor.u32 s3, s0;
	s1 =	sshll.u32 s1, $0x11  }
0xbb: {  	s0 =	sor.u32 s1, s0  }
0xbc: {  	s0 =	sadd.s32 $0x8F2B, s0  }
0xbd: {  	[sflag:s0] =	ssyncadd.remote.s32 $0x1  }
0xbe: {  	_ =	sfence.sel $0xFFFF  }
0xbf: {  	[dreg:$0x0] =	wrdreg $0xFFFFFFFF;
	(pc) =	sbr.abs _section_cstart, $3  }
0xc0: {  	[dreg:$0x1] =	wrdreg $0xFFFFFFFF  }
0xc1: {  	_ =	task.clear_ibuf [dreg:s6], $0x2FFFF;
	_ =	strace $0x9FFFFFFF  }
0xc2: {  	(tm) =	ssettm $0x7FFFFFFF  }
0xc3: {  	_ =	shalt  }
tec
execute0_lowered:
.L_overlay_start_1:
0x0: {  	(tag) =	ssettag $0x1  }
0x1: {  	s0 =	rddreg [dreg:$0x0]  }
0x2: {  	s2 =	rddreg [dreg:$0x1]  }
0x3: {  	s3 =	simm.s32 $0x0;
	s12 =	stileid.u32;
	s5 =	srdreg.scid  }
0x4: {  	s13 =	simm.s32 $0x1;
	s14 =	simm.s32 $0x80;
	s21 =	simm.s32 $0xC80  }
0x5: {  	s22 =	simm.s32 $0xD00;
	s23 =	simm.s32 $0xD80;
	s25 =	simm.s32 $0xE00  }
0x6: {  	s28 =	simm.s32 $0xF00;
	s29 =	simm.s32 $0xF80;
	s30 =	simm.s32 $0x1000  }
0x7: {  	s31 =	simm.s32 $0x1080;
	s17 =	simm.s32 $0x1300;
	s18 =	simm.s32 $0x1380  }
0x8: {  	s19 =	simm.s32 $0x0;
	[smem:$0x7FF] =	sst s3;
	s1 =	smul.u32 $0x4F00, s12  }
0x9: {  	s4 =	sadd.s32 $0xDA00, s0;
	s5 =	sand.u32 $0x1, s5;
	_ =	strace $0x80000047  }
0xa: {  	s6 =	smul.u32 $0x9E00, s5;
	s7 =	ssub.s32 $0x2, s5;
	s5 =	sshll.u32 s5, $0x4  }
0xb: {  	s15 =	sshrl.u32 s1, $0x3;
	s9 =	sshrl.u32 s7, $0x1;
	s11 =	sor.u32 s12, s5  }
0xc: {  	s1 =	sadd.s32 s1, s2;
	s8 =	sadd.s32 s15, s0;
	s10 =	sadd.s32 s6, s0  }
0xd: {  	s9 =	ssub.s32 s7, s9;
	s6 =	sshll.u32 s12, $0x6;
	s0 =	sadd.s32 $0x8A00, s0  }
0xe: {  	s26 =	smul.u32 $0x280, s11;
	s11 =	simm.s32 $0x2;
	s5 =	sadd.s32 $0xDC00, s8  }
0xf: {  	s7 =	sor.u32 $0x1C01, s6;
	s16 =	sadd.s32 $0x17A00, s10;
	s8 =	smax.u32 s9, $0x1  }
0x10: {  	s9 =	sshrl.u32 s1, $0x3;
	s10 =	simm.s32 $0x1400;
	s1 =	simm.s32 $0x1180  }
0x11: {  	s12 =	sadd.s32 s26, s0;
	s24 =	sadd.s32 s15, s16;
	s26 =	simm.s32 $0xE80  }
0x12: {  	s0 =	simm.s32 $0x1100;
	s15 =	simm.s32 $0x1200;
	s16 =	simm.s32 $0x1280  }
.LBB2_1:
0x13: {  	[spmem:s9], [sflag:s7] =	dma.local [hbm:s5], $0x9E0  }
0x14: {  	[tilespmem:s10], [sflag:$0x2] =	stream.linear.gather [hbm4b:s4+s3], $0x1000, $0x38;
	[tilespmem:$0x7300] =	vst v63  }
0x15: {  	_ =	swait.ge [sflag:s11], $0x1000  }
0x16: {  	[sflag:s11] =	ssyncset.done $0x0  }
0x17: {  	[sflag:s11] =	ssyncadd.s32 $0xFFFFF000  }
0x18: {  	[tilespmem:s3], [sflag:$0x2] =	stream.linear.gather [hbm4b:s12+s3], $0x1400, $0x38;
	[tilespmem:$0x7300] =	vst v63  }
0x19: {  	_ =	swait.ge [sflag:s11], $0x1400  }
0x1a: {  	[sflag:s11] =	ssyncset.done $0x0  }
0x1b: {  	[sflag:s11] =	ssyncadd.s32 $0xFFFFEC00  }
0x1c: {  	_ =	swait.ge [sflag:s13], $0x9E0  }
0x1d: {  	[sflag:s13] =	ssyncset.done $0x0  }
0x1e: {  	[sflag:s13] =	ssyncadd.s32 $0xFFFFF620  }
0x1f: {  	[bflag:$0x0] =	sbarrier.arrive $0xFFFF  }
0x20: {  	[spmem:s2] =	stream.indirect.scatter.add.f32 [tilespmem:s10], [sflag:$0x1], $0x20, s3, s14, $0xb8;
	[tilespmem:$0x7300] =	vst v63  }
0x21: {  	_ = 	snop  }
0x22: {  	[spmem:s2] =	stream.indirect.scatter.add.f32 [tilespmem:s10], [sflag:$0x1], $0x20, s14, s14, $0xb8;
	[tilespmem:$0x7300] =	vst v63  }
0x23: {  	s20 =	simm.s32 $0x100  }
0x24: {  	[spmem:s2] =	stream.indirect.scatter.add.f32 [tilespmem:s10], [sflag:$0x1], $0x20, s20, s14, $0xb8;
	[tilespmem:$0x7300] =	vst v63  }
0x25: {  	s20 =	simm.s32 $0x180  }
0x26: {  	[spmem:s2] =	stream.indirect.scatter.add.f32 [tilespmem:s10], [sflag:$0x1], $0x20, s20, s14, $0xb8;
	[tilespmem:$0x7300] =	vst v63  }
0x27: {  	s20 =	simm.s32 $0x200  }
0x28: {  	[spmem:s2] =	stream.indirect.scatter.add.f32 [tilespmem:s10], [sflag:$0x1], $0x20, s20, s14, $0xb8;
	[tilespmem:$0x7300] =	vst v63  }
0x29: {  	s20 =	simm.s32 $0x280  }
0x2a: {  	[spmem:s2] =	stream.indirect.scatter.add.f32 [tilespmem:s10], [sflag:$0x1], $0x20, s20, s14, $0xb8;
	[tilespmem:$0x7300] =	vst v63  }
0x2b: {  	s20 =	simm.s32 $0x300  }
0x2c: {  	[spmem:s2] =	stream.indirect.scatter.add.f32 [tilespmem:s10], [sflag:$0x1], $0x20, s20, s14, $0xb8;
	[tilespmem:$0x7300] =	vst v63  }
0x2d: {  	s20 =	simm.s32 $0x380  }
0x2e: {  	[spmem:s2] =	stream.indirect.scatter.add.f32 [tilespmem:s10], [sflag:$0x1], $0x20, s20, s14, $0xb8;
	[tilespmem:$0x7300] =	vst v63  }
0x2f: {  	s20 =	simm.s32 $0x400  }
0x30: {  	[spmem:s2] =	stream.indirect.scatter.add.f32 [tilespmem:s10], [sflag:$0x1], $0x20, s20, s14, $0xb8;
	[tilespmem:$0x7300] =	vst v63  }
0x31: {  	s20 =	simm.s32 $0x480  }
0x32: {  	[spmem:s2] =	stream.indirect.scatter.add.f32 [tilespmem:s10], [sflag:$0x1], $0x20, s20, s14, $0xb8;
	[tilespmem:$0x7300] =	vst v63  }
0x33: {  	s20 =	simm.s32 $0x500  }
0x34: {  	[spmem:s2] =	stream.indirect.scatter.add.f32 [tilespmem:s10], [sflag:$0x1], $0x20, s20, s14, $0xb8;
	[tilespmem:$0x7300] =	vst v63  }
0x35: {  	s20 =	simm.s32 $0x580  }
0x36: {  	[spmem:s2] =	stream.indirect.scatter.add.f32 [tilespmem:s10], [sflag:$0x1], $0x20, s20, s14, $0xb8;
	[tilespmem:$0x7300] =	vst v63  }
0x37: {  	s20 =	simm.s32 $0x600  }
0x38: {  	[spmem:s2] =	stream.indirect.scatter.add.f32 [tilespmem:s10], [sflag:$0x1], $0x20, s20, s14, $0xb8;
	[tilespmem:$0x7300] =	vst v63  }
0x39: {  	s20 =	simm.s32 $0x680  }
0x3a: {  	[spmem:s2] =	stream.indirect.scatter.add.f32 [tilespmem:s10], [sflag:$0x1], $0x20, s20, s14, $0xb8;
	[tilespmem:$0x7300] =	vst v63  }
0x3b: {  	s20 =	simm.s32 $0x700  }
0x3c: {  	[spmem:s2] =	stream.indirect.scatter.add.f32 [tilespmem:s10], [sflag:$0x1], $0x20, s20, s14, $0xb8;
	[tilespmem:$0x7300] =	vst v63  }
0x3d: {  	s20 =	simm.s32 $0x780  }
0x3e: {  	[spmem:s2] =	stream.indirect.scatter.add.f32 [tilespmem:s10], [sflag:$0x1], $0x20, s20, s14, $0xb8;
	[tilespmem:$0x7300] =	vst v63  }
0x3f: {  	s20 =	simm.s32 $0x800  }
0x40: {  	[spmem:s2] =	stream.indirect.scatter.add.f32 [tilespmem:s10], [sflag:$0x1], $0x20, s20, s14, $0xb8;
	[tilespmem:$0x7300] =	vst v63  }
0x41: {  	s20 =	simm.s32 $0x880  }
0x42: {  	[spmem:s2] =	stream.indirect.scatter.add.f32 [tilespmem:s10], [sflag:$0x1], $0x20, s20, s14, $0xb8;
	[tilespmem:$0x7300] =	vst v63  }
0x43: {  	s20 =	simm.s32 $0x900  }
0x44: {  	[spmem:s2] =	stream.indirect.scatter.add.f32 [tilespmem:s10], [sflag:$0x1], $0x20, s20, s14, $0xb8;
	[tilespmem:$0x7300] =	vst v63  }
0x45: {  	s20 =	simm.s32 $0x980  }
0x46: {  	[spmem:s2] =	stream.indirect.scatter.add.f32 [tilespmem:s10], [sflag:$0x1], $0x20, s20, s14, $0xb8;
	[tilespmem:$0x7300] =	vst v63  }
0x47: {  	s20 =	simm.s32 $0xA00  }
0x48: {  	[spmem:s2] =	stream.indirect.scatter.add.f32 [tilespmem:s10], [sflag:$0x1], $0x20, s20, s14, $0xb8;
	[tilespmem:$0x7300] =	vst v63  }
0x49: {  	s20 =	simm.s32 $0xA80  }
0x4a: {  	[spmem:s2] =	stream.indirect.scatter.add.f32 [tilespmem:s10], [sflag:$0x1], $0x20, s20, s14, $0xb8;
	[tilespmem:$0x7300] =	vst v63  }
0x4b: {  	s20 =	simm.s32 $0xB00  }
0x4c: {  	[spmem:s2] =	stream.indirect.scatter.add.f32 [tilespmem:s10], [sflag:$0x1], $0x20, s20, s14, $0xb8;
	[tilespmem:$0x7300] =	vst v63  }
0x4d: {  	s20 =	simm.s32 $0xB80  }
0x4e: {  	[spmem:s2] =	stream.indirect.scatter.add.f32 [tilespmem:s10], [sflag:$0x1], $0x20, s20, s14, $0xb8;
	[tilespmem:$0x7300] =	vst v63  }
0x4f: {  	s20 =	simm.s32 $0xC00  }
0x50: {  	[spmem:s2] =	stream.indirect.scatter.add.f32 [tilespmem:s10], [sflag:$0x1], $0x20, s20, s14, $0xb8;
	[tilespmem:$0x7300] =	vst v63  }
0x51: {  	_ = 	snop  }
0x52: {  	[spmem:s2] =	stream.indirect.scatter.add.f32 [tilespmem:s10], [sflag:$0x1], $0x20, s21, s14, $0xb8;
	[tilespmem:$0x7300] =	vst v63  }
0x53: {  	_ = 	snop  }
0x54: {  	[spmem:s2] =	stream.indirect.scatter.add.f32 [tilespmem:s10], [sflag:$0x1], $0x20, s22, s14, $0xb8;
	[tilespmem:$0x7300] =	vst v63  }
0x55: {  	_ = 	snop  }
0x56: {  	[spmem:s2] =	stream.indirect.scatter.add.f32 [tilespmem:s10], [sflag:$0x1], $0x20, s23, s14, $0xb8;
	[tilespmem:$0x7300] =	vst v63  }
0x57: {  	_ = 	snop  }
0x58: {  	[spmem:s2] =	stream.indirect.scatter.add.f32 [tilespmem:s10], [sflag:$0x1], $0x20, s25, s14, $0xb8;
	[tilespmem:$0x7300] =	vst v63  }
0x59: {  	_ = 	snop  }
0x5a: {  	[spmem:s2] =	stream.indirect.scatter.add.f32 [tilespmem:s10], [sflag:$0x1], $0x20, s26, s14, $0xb8;
	[tilespmem:$0x7300] =	vst v63  }
0x5b: {  	_ = 	snop  }
0x5c: {  	[spmem:s2] =	stream.indirect.scatter.add.f32 [tilespmem:s10], [sflag:$0x1], $0x20, s28, s14, $0xb8;
	[tilespmem:$0x7300] =	vst v63  }
0x5d: {  	_ = 	snop  }
0x5e: {  	[spmem:s2] =	stream.indirect.scatter.add.f32 [tilespmem:s10], [sflag:$0x1], $0x20, s29, s14, $0xb8;
	[tilespmem:$0x7300] =	vst v63  }
0x5f: {  	_ = 	snop  }
0x60: {  	[spmem:s2] =	stream.indirect.scatter.add.f32 [tilespmem:s10], [sflag:$0x1], $0x20, s30, s14, $0xb8;
	[tilespmem:$0x7300] =	vst v63  }
0x61: {  	_ = 	snop  }
0x62: {  	[spmem:s2] =	stream.indirect.scatter.add.f32 [tilespmem:s10], [sflag:$0x1], $0x20, s31, s14, $0xb8;
	[tilespmem:$0x7300] =	vst v63  }
0x63: {  	_ = 	snop  }
0x64: {  	[spmem:s2] =	stream.indirect.scatter.add.f32 [tilespmem:s10], [sflag:$0x1], $0x20, s0, s14, $0xb8;
	[tilespmem:$0x7300] =	vst v63  }
0x65: {  	_ = 	snop  }
0x66: {  	[spmem:s2] =	stream.indirect.scatter.add.f32 [tilespmem:s10], [sflag:$0x1], $0x20, s1, s14, $0xb8;
	[tilespmem:$0x7300] =	vst v63  }
0x67: {  	_ = 	snop  }
0x68: {  	[spmem:s2] =	stream.indirect.scatter.add.f32 [tilespmem:s10], [sflag:$0x1], $0x20, s15, s14, $0xb8;
	[tilespmem:$0x7300] =	vst v63  }
0x69: {  	_ = 	snop  }
0x6a: {  	[spmem:s2] =	stream.indirect.scatter.add.f32 [tilespmem:s10], [sflag:$0x1], $0x20, s16, s14, $0xb8;
	[tilespmem:$0x7300] =	vst v63  }
0x6b: {  	_ = 	snop  }
0x6c: {  	[spmem:s2] =	stream.indirect.scatter.add.f32 [tilespmem:s10], [sflag:$0x1], $0x20, s17, s14, $0xb8;
	[tilespmem:$0x7300] =	vst v63  }
0x6d: {  	_ = 	snop  }
0x6e: {  	[spmem:s2] =	stream.indirect.scatter.add.f32 [tilespmem:s10], [sflag:$0x1], $0x20, s18, s14, $0xb8;
	[tilespmem:$0x7300] =	vst v63  }
0x6f: {  	_ =	swait.ge [sflag:s13], $0x1000  }
0x70: {  	s20 =	simm.s32 $0x27;
	[sflag:s13] =	ssyncset.done $0x0  }
.LBB2_2:
0x71: {  	p0 =	sne.s32 s20, $0x1;
	s20 =	sadd.s32 $0xFFFFFFFF, s20;
	[sflag:s13] =	ssyncadd.s32 $0xFFFFF000  }
.Ltmp0:
0x72: {  	(pc) =	sbr.rel @p0 .LBB2_2-.Ltmp0, $3  }
0x73: {  	_ =	sdelay $0x1  }
0x74: {  	_ =	swait.ge [sflag:s13], $0x1000  }
0x75: {  	[sflag:s13] =	ssyncset.done $0x0  }
0x76: {  	s19 =	sadd.s32 $0x1, s19  }
0x77: {  	[sflag:s13] =	ssyncadd.s32 $0xFFFFF000;
	p0 =	sne.s32 s19, s8  }
.Ltmp1:
0x78: {  	s20 =	sor.u32 $0x1C02, s6;
	[bflag:$0x0] =	sbarrier.arrive $0xFFFF;
	(pc) =	sbr.rel @p0 .LBB2_1-.Ltmp1, $4  }
0x79: {  	[hbm:s24], [sflag:s20] =	dma.local [spmem:s9], $0x9E0  }
0x7a: {  	_ =	swait.ge [sflag:s11], $0x9E0  }
0x7b: {  	[sflag:s11] =	ssyncset.done $0x0  }
0x7c: {  	[sflag:s11] =	ssyncadd.s32 $0xFFFFF620  }
0x7d: {  	_ =	sfence.sel $0x180000  }
0x7e: {  	[bflag:$0x0] =	sbarrier.arrive $0xFFFF  }
0x7f: {  	_ =	strace $0x90000047  }
0x80: {  	s0 =	stileid.u32;
	[bflag:$0x2] =	sbarrier.arrive $0xFFFF  }
0x81: {  	p0 =	sne.s32 s0, $0x0;
	s0 =	rddreg [dreg:$0x2]  }
0x82: {  	s0 =	sadd.s32 @!p0 $0x100000, s0  }
0x83: {  	[sflag:s0] =	ssyncadd.tile.s32 @!p0 $0x1;
	_ =	shalt  }
.Lfunc_end2:
_tile_overlayer_lowered:
.L_overlay_start_2:
0x84: {  	(tag) =	ssettag $0x2  }
0x85: {  	s0 =	rddreg [dreg:$0x0];
	s2 =	stileid.u32  }
0x86: {  	s1 =	rddreg [dreg:$0x1];
	p0 =	sne.s32 s2, $0x0  }
0x87: {  	s3 =	rddreg [dreg:$0x2];
	[bflag:$0x3] =	sbarrier.arrive $0xFFFF;
	s2 =	simm.s32 @!p0 $0x1C02  }
0x88: {  	[timem:s3], [sflag:s2] =	dma.local @!p0 [hbm:s0], s1  }
0x89: {  	s0 =	simm.s32 @!p0 $0x2  }
0x8a: {  	_ =	swait.ge @!p0 [sflag:s0], s1  }
0x8b: {  	s1 =	ssub.s32 @!p0 $0x0, s1;
	[sflag:s0] =	ssyncset.done @!p0 $0x0  }
0x8c: {  	[sflag:s0] =	ssyncadd.s32 @!p0 s1  }
0x8d: {  	[bflag:$0x3] =	sbarrier.arrive $0xFFFF  }
0x8e: {  	_ =	shalt  }

</sc_bundles>
